<compile_context>
chip_gen: v7x
topology: tpu7x:2x2x1
jax: 0.10.2.dev20260603
libtpu: 0.0.44.dev20260713+nightly
codegen_flags: <defaults>
</compile_context>

<pallas_src>
import functools

import jax
import jax.numpy as jnp
from jax import lax
from jax.experimental import pallas as pl
from jax.experimental.pallas import tpu as pltpu
from jax.experimental.pallas import tpu_sc as plsc

N = 10000
D = 128
E = 320000
THETA = (0.5, 0.25, 0.125, 0.0625)

NC, NS = 2, 16
CHUNK = 128
CPT = 80
EPT = CHUNK * CPT
EP = NC * NS * EPT
NPAD = 10112
RPT = NPAD // NS

BN = 1000



def _sc_degree_body(dst_hbm, zeros_hbm, ones_hbm, out_hbm, deg_s, didx_v, ones_v):
  c = lax.axis_index("c")
  s = lax.axis_index("s")
  r0 = s * RPT
  pltpu.sync_copy(zeros_hbm.at[pl.ds(r0, RPT)], deg_s.at[pl.ds(r0, RPT)])
  pltpu.sync_copy(dst_hbm.at[c, s], didx_v)
  pltpu.sync_copy(ones_hbm, ones_v)
  plsc.subcore_barrier()

  @pl.loop(0, CPT)
  def _(j):
    pltpu.sync_copy(ones_v, deg_s.at[didx_v.at[j]], add=True)

  plsc.subcore_barrier()
  pltpu.sync_copy(deg_s.at[pl.ds(r0, RPT)], out_hbm.at[c, pl.ds(r0, RPT)])


@functools.lru_cache(maxsize=None)
def _sc_degree():
  return pl.kernel(
      _sc_degree_body,
      out_type=jax.ShapeDtypeStruct((NC, NPAD, D), jnp.float32),
      mesh=plsc.VectorSubcoreMesh(core_axis_name="c", subcore_axis_name="s",
                                  num_cores=NC, num_subcores=NS),
      scratch_types=[
          pltpu.VMEM_SHARED((NPAD, D), jnp.float32),
          pltpu.VMEM((CPT, CHUNK), jnp.int32),
          pltpu.VMEM((CHUNK, D), jnp.float32),
      ],
  )


SUB = CHUNK // 2
NSUB = 2 * CPT


def _sc_agg_body(y_hbm, src_hbm, dst_hbm, zeros_hbm, out_hbm,
                 agg_s, sidx_v, didx_v, ga_v, gb_v, sema, semb):
  c = lax.axis_index("c")
  s = lax.axis_index("s")
  r0 = s * RPT
  pltpu.sync_copy(zeros_hbm.at[pl.ds(r0, RPT)], agg_s.at[pl.ds(r0, RPT)])
  pltpu.sync_copy(src_hbm.at[c, s], sidx_v)
  pltpu.sync_copy(dst_hbm.at[c, s], didx_v)
  plsc.subcore_barrier()

  def src_at(r):
    return y_hbm.at[sidx_v.at[r // 2, pl.ds((r % 2) * SUB, SUB)]]

  pltpu.async_copy(src_at(0), ga_v, sema)
  pltpu.async_copy(src_at(1), gb_v, semb)

  @pl.loop(0, NSUB, step=2)
  def _(g):
    for b, gv, sem in ((0, ga_v, sema), (1, gb_v, semb)):
      r = g + b
      pltpu.make_async_copy(src_at(r), gv, sem).wait()
      pltpu.sync_copy(gv, agg_s.at[didx_v.at[r]], add=True)

      @pl.when(r + 2 < NSUB)
      def _():
        pltpu.async_copy(src_at(r + 2), gv, sem)

  plsc.subcore_barrier()
  pltpu.sync_copy(agg_s.at[pl.ds(r0, RPT)], out_hbm.at[c, pl.ds(r0, RPT)])


@functools.lru_cache(maxsize=None)
def _sc_agg():
  return pl.kernel(
      _sc_agg_body,
      out_type=jax.ShapeDtypeStruct((NC, NPAD, D), jnp.float32),
      mesh=plsc.VectorSubcoreMesh(core_axis_name="c", subcore_axis_name="s",
                                  num_cores=NC, num_subcores=NS),
      scratch_types=[
          pltpu.VMEM_SHARED((NPAD, D), jnp.float32),
          pltpu.VMEM((CPT, CHUNK), jnp.int32),
          pltpu.VMEM((NSUB, SUB), jnp.int32),
          pltpu.VMEM((SUB, D), jnp.float32),
          pltpu.VMEM((SUB, D), jnp.float32),
          pltpu.SemaphoreType.DMA,
          pltpu.SemaphoreType.DMA,
      ],
  )



def _deg_cols(deg_ref):
  d = deg_ref[0, :, 0] + deg_ref[1, :, 0]
  return jnp.maximum(d, 1.0)


def _pre_body(x_ref, deg_ref, w1_ref, b1_ref, w2d_ref, b2d_ref, emba_ref,
              embb_ref, y0_ref, s0_ref):
  x = x_ref[...]
  h1 = jnp.maximum(
      jnp.dot(x, w1_ref[...], preferred_element_type=jnp.float32,
              precision=lax.Precision.HIGHEST) + b1_ref[...], 0.0)
  l = jnp.dot(h1, w2d_ref[...], preferred_element_type=jnp.float32,
              precision=lax.Precision.HIGHEST) + b2d_ref[...]
  p = 1.0 / (1.0 + jnp.exp(-l))
  xk = x + emba_ref[...] + p * embb_ref[...]
  d = _deg_cols(deg_ref)
  y0_ref[...] = xk * lax.rsqrt(d)[:, None]
  s0_ref[...] = THETA[0] * xk


def _upd_body(theta, y_ref, agg_ref, deg_ref, s_ref, yn_ref, sn_ref):
  d = _deg_cols(deg_ref)
  a = agg_ref[0] + agg_ref[1]
  yn = y_ref[...] - a * (1.0 / d)[:, None]
  yn_ref[...] = yn
  sn_ref[...] = s_ref[...] + theta * yn * jnp.sqrt(d)[:, None]


def _fin_body(y_ref, agg_ref, deg_ref, s_ref, x_ref, e_ref, x0_ref,
              wt_ref, wb_ref, lt_ref, lb_ref, lbias_ref, o_ref):
  d = _deg_cols(deg_ref)
  a = agg_ref[0] + agg_ref[1]
  y3 = y_ref[...] - a * (1.0 / d)[:, None]
  hi = s_ref[...] + THETA[3] * y3 * jnp.sqrt(d)[:, None]
  dot = functools.partial(jnp.dot, preferred_element_type=jnp.float32,
                          precision=lax.Precision.HIGHEST)
  o = dot(hi, wt_ref[...]) + dot(x_ref[...], wb_ref[...])
  t = dot(e_ref[...], lt_ref[...]) + dot(o, lb_ref[...]) + lbias_ref[...]
  o_ref[...] = jnp.where(t > 0.0, t, 0.01 * t) + x0_ref[...]


_row_spec = pl.BlockSpec((BN, D), lambda i: (i, 0))
_agg_spec = pl.BlockSpec((NC, BN, D), lambda i: (0, i, 0))
_deg_spec = pl.BlockSpec((NC, BN, D), lambda i: (0, i, 0))
_mat_spec = pl.BlockSpec((D, D), lambda i: (0, 0))
_vec_spec = pl.BlockSpec((1, D), lambda i: (0, 0))
_f32 = functools.partial(jax.ShapeDtypeStruct, dtype=jnp.float32)


def _pre_call(x, deg2, w1, b1, w2d, b2d, emba, embb):
  return pl.pallas_call(
      _pre_body,
      grid=(N // BN,),
      in_specs=[_row_spec, _deg_spec, _mat_spec,
                _vec_spec, pl.BlockSpec((D, 1), lambda i: (0, 0)),
                pl.BlockSpec((1, 1), lambda i: (0, 0)),
                _vec_spec, _vec_spec],
      out_specs=[_row_spec, _row_spec],
      out_shape=[_f32((N, D)), _f32((N, D))],
  )(x, deg2, w1, b1, w2d, b2d, emba, embb)


def _upd_call(theta, y, agg, deg2, s):
  return pl.pallas_call(
      functools.partial(_upd_body, theta),
      grid=(N // BN,),
      in_specs=[_row_spec, _agg_spec, _deg_spec, _row_spec],
      out_specs=[_row_spec, _row_spec],
      out_shape=[_f32((N, D)), _f32((N, D))],
  )(y, agg, deg2, s)


def _fin_call(y, agg, deg2, s, x, e, x0, wt, wb, lt, lb, lbias):
  return pl.pallas_call(
      _fin_body,
      grid=(N // BN,),
      in_specs=[_row_spec, _agg_spec, _deg_spec, _row_spec, _row_spec,
                _row_spec, _row_spec, _mat_spec, _mat_spec, _mat_spec,
                _mat_spec, _vec_spec],
      out_specs=_row_spec,
      out_shape=_f32((N, D)),
  )(y, agg, deg2, s, x, e, x0, wt, wb, lt, lb, lbias)



def kernel(x, x0, e, edge_index, labels, nid, weights, pred_W1, pred_b1,
           pred_W2, pred_b2, emb_table, lin_W, lin_b, alpha):
  src = edge_index[0]
  dst = edge_index[1]
  nch = NC * NS * CPT
  sl = E // nch
  packed = jnp.sort((dst << 14) | src)
  key_t = packed.reshape(sl, nch).T
  src_t = key_t & 16383
  dst_t = key_t >> 14
  pad_src = jnp.zeros((nch, CHUNK - sl), jnp.int32)
  pad_dst = jnp.broadcast_to(
      N + jnp.arange(CHUNK - sl, dtype=jnp.int32), (nch, CHUNK - sl))
  srcp = jnp.concatenate([src_t, pad_src], axis=1).reshape(NC, NS, CPT, CHUNK)
  dstp = jnp.concatenate([dst_t, pad_dst], axis=1).reshape(NC, NS, CPT, CHUNK)
  dstp2 = dstp.reshape(NC, NS, NSUB, SUB)
  zeros128 = jnp.zeros((NPAD, D), jnp.float32)
  ones128 = jnp.ones((CHUNK, D), jnp.float32)

  w2d = (pred_W2[:, 1] - pred_W2[:, 0]).reshape(D, 1)
  b2d = (pred_b2[1] - pred_b2[0]).reshape(1, 1)
  emba = (alpha * emb_table[0]).reshape(1, D)
  embb = (alpha * (emb_table[1] - emb_table[0])).reshape(1, D)
  b1 = pred_b1.reshape(1, D)
  wt, wb = weights[:D], weights[D:]
  lt, lb = lin_W[:D], lin_W[D:]
  lbias = lin_b.reshape(1, D)

  deg2 = _sc_degree()(dstp, zeros128, ones128)
  y, s = _pre_call(x, deg2, pred_W1, b1, w2d, b2d, emba, embb)
  for k in (1, 2):
    agg = _sc_agg()(y, srcp, dstp2, zeros128)
    y, s = _upd_call(THETA[k], y, agg, deg2, s)
  agg = _sc_agg()(y, srcp, dstp2, zeros128)
  return _fin_call(y, agg, deg2, s, x, e, x0, wt, wb, lt, lb, lbias)

# --- scband reference (transcript-rebuilt; emitter-appended) ---
"""Pipeline reference for scband-tdopconv-37838661878277 (READ-ONLY COPY).

The authoritative reference and input builder live on the scoring server;
editing this copy changes nothing except your own understanding.
"""

import jax, jax.numpy as jnp
import numpy as np

N = 10000
E = 320000
D = 128
OUT = 128
THETA = [0.5, 0.25, 0.125, 0.0625]


def setup_inputs(seed: int = 0) -> dict:
    key = jax.random.key(seed)
    ks = jax.random.split(key, 16)
    x = jax.random.normal(ks[0], (N, D), dtype=jnp.float32)
    x0 = jax.random.normal(ks[1], (N, OUT), dtype=jnp.float32)
    e = jax.random.normal(ks[2], (N, D), dtype=jnp.float32)
    edge_index = jax.random.randint(ks[3], (2, E), 0, N, dtype=jnp.int32)
    labels = jax.random.randint(ks[4], (N,), 0, 2, dtype=jnp.int32)
    nid = jax.random.randint(ks[5], (1000,), 0, N, dtype=jnp.int32)
    # learned parameters
    stdv = 1.0 / np.sqrt(OUT)
    weights = jax.random.uniform(ks[6], (2 * D, OUT), minval=-stdv, maxval=stdv, dtype=jnp.float32)
    pred_W1 = jax.random.normal(ks[7], (D, D), dtype=jnp.float32) * 0.05
    pred_b1 = jnp.zeros((D,), dtype=jnp.float32)
    pred_W2 = jax.random.normal(ks[8], (D, 2), dtype=jnp.float32) * 0.05
    pred_b2 = jnp.zeros((2,), dtype=jnp.float32)
    emb_table = jax.random.normal(ks[9], (3, D), dtype=jnp.float32).at[2].set(0.0)  # padding_idx=2
    lin_W = jax.random.normal(ks[10], (2 * D, OUT), dtype=jnp.float32) * 0.05
    lin_b = jnp.zeros((OUT,), dtype=jnp.float32)
    alpha = jnp.asarray(0.5, dtype=jnp.float32)
    return {"x": x, "x0": x0, "e": e, "edge_index": edge_index, "labels": labels,
            "nid": nid, "weights": weights, "pred_W1": pred_W1, "pred_b1": pred_b1,
            "pred_W2": pred_W2, "pred_b2": pred_b2, "emb_table": emb_table,
            "lin_W": lin_W, "lin_b": lin_b, "alpha": alpha}


def reference(x, x0, e, edge_index, labels, nid, weights, pred_W1, pred_b1,
              pred_W2, pred_b2, emb_table, lin_W, lin_b, alpha):
    src = edge_index[0]
    dst = edge_index[1]
    deg = jnp.bincount(dst, length=N).astype(jnp.float32)
    D_invsqrt = jnp.power(jnp.maximum(deg, 1.0), -0.5)[:, None]

    # variant=True branch
    x_ = x
    h1 = jax.nn.relu(x @ pred_W1 + pred_b1)
    logits = h1 @ pred_W2 + pred_b2
    prob = jax.nn.softmax(logits, axis=1)[:, 1]
    # NodeLabelEmbedding: (1-p)*emb[0] + p*emb[1]
    x_node = (1.0 - prob)[:, None] * emb_table[0][None, :] + prob[:, None] * emb_table[1][None, :]
    xk = x + alpha * x_node

    hi = THETA[0] * xk
    for k in range(1, len(THETA)):
        # unnLaplacian: feat - (A @ (feat * D^-1/2)) * D^-1/2
        h = xk * D_invsqrt
        agg = jax.ops.segment_sum(h[src], dst, num_segments=N)
        xk = xk - agg * D_invsqrt
        hi = hi + THETA[k] * xk

    hi = jnp.concatenate([hi, x_], axis=1)
    outputs = hi @ weights
    out = jnp.concatenate([e, outputs], axis=1)
    out = jax.nn.leaky_relu(out @ lin_W + lin_b, negative_slope=0.01)
    out = out + x0  # residual
    return out

if __name__ == "__main__":
    import jax
    _d = setup_inputs()
    print(jax.jit(kernel)(*tuple(_d.values())))

</pallas_src>

<mosaic_0001>
#map = affine_map<(d0, d1) -> (0, 0)>
#map1 = affine_map<(d0, d1) -> (0, 0, 0, 0)>
#map2 = affine_map<(d0, d1) -> (0, 0, 0)>
module attributes {stable_mosaic.version = 14 : i64} {
  func.func @_sc_agg_body(%arg0: i32, %arg1: i32, %arg2: memref<10000x128xf32, #tpu.memory_space<hbm>>, %arg3: memref<2x16x80x128xi32, #tpu.memory_space<hbm>>, %arg4: memref<2x16x160x64xi32, #tpu.memory_space<hbm>>, %arg5: memref<10112x128xf32, #tpu.memory_space<hbm>>, %arg6: memref<2x10112x128xf32, #tpu.memory_space<hbm>>, %arg7: memref<10112x128xf32, #tpu.memory_space<vmem_shared>>, %arg8: memref<80x128xi32, #tpu.memory_space<vmem>>, %arg9: memref<160x64xi32, #tpu.memory_space<vmem>>, %arg10: memref<64x128xf32, #tpu.memory_space<vmem>>, %arg11: memref<64x128xf32, #tpu.memory_space<vmem>>, %arg12: memref<!tpu.dma_semaphore, #tpu.memory_space<semaphore_mem>>, %arg13: memref<!tpu.dma_semaphore, #tpu.memory_space<semaphore_mem>>) attributes {dimension_semantics = [#tpu.dimension_semantics<core_parallel>, #tpu.dimension_semantics<subcore_parallel>], iteration_bounds = array<i64: 2, 16>, scalar_prefetch = 0 : i64, scratch_operands = 7 : i64, tpu.core_type = #tpu.core_type<sc_vector_subcore>, window_params = [{transform_indices = #map}, {transform_indices = #map1}, {transform_indices = #map1}, {transform_indices = #map}, {transform_indices = #map2}]} {
    %mul3A = arith.constant 632 : i32
    %mul3A_0 = arith.muli %arg1, %mul3A : i32
    "tpu.region"() ({
      %run_scoped3A = tpu.sem_alloc : memref<!tpu.dma_semaphore, #tpu.memory_space<semaphore_mem>>
      %dma_start3A_19 = arith.constant 0 : i32
      %dma_start3A_20 = tpu.memref_slice %arg7[%mul3A_0, %dma_start3A_19] : memref<10112x128xf32, #tpu.memory_space<vmem_shared>> -> memref<632x128xf32, #tpu.memory_space<vmem_shared>>
      %dma_start3A_21 = arith.constant 0 : i32
      %dma_start3A_22 = tpu.memref_slice %arg5[%mul3A_0, %dma_start3A_21] : memref<10112x128xf32, #tpu.memory_space<hbm>> -> memref<632x128xf32, #tpu.memory_space<hbm>>
      tpu.enqueue_dma source(%dma_start3A_22 : memref<632x128xf32, #tpu.memory_space<hbm>>) target(%dma_start3A_20 : memref<632x128xf32, #tpu.memory_space<vmem_shared>>) target_semaphore(%run_scoped3A : memref<!tpu.dma_semaphore, #tpu.memory_space<semaphore_mem>>)
      %dma_wait3A = arith.constant 0 : i32
      %dma_wait3A_23 = tpu.memref_slice %arg7[%mul3A_0, %dma_wait3A] : memref<10112x128xf32, #tpu.memory_space<vmem_shared>> -> memref<632x128xf32, #tpu.memory_space<vmem_shared>>
      %dma_wait3A_24 = arith.constant 0 : i32
      %dma_wait3A_25 = tpu.memref_slice %arg5[%mul3A_0, %dma_wait3A_24] : memref<10112x128xf32, #tpu.memory_space<hbm>> -> memref<632x128xf32, #tpu.memory_space<hbm>>
      tpu.wait_dma2 semaphore(%run_scoped3A : memref<!tpu.dma_semaphore, #tpu.memory_space<semaphore_mem>>) src(%dma_wait3A_25 : memref<632x128xf32, #tpu.memory_space<hbm>>) dst(%dma_wait3A_23 : memref<632x128xf32, #tpu.memory_space<vmem_shared>>)
      tpu.yield
    }) : () -> ()
    "tpu.region"() ({
      %run_scoped3A = tpu.sem_alloc : memref<!tpu.dma_semaphore, #tpu.memory_space<semaphore_mem>>
      %dma_start3A_19 = arith.constant 0 : i32
      %dma_start3A_20 = arith.constant 0 : i32
      %dma_start3A_21 = tpu.memref_slice %arg3[%arg0, %arg1, %dma_start3A_19, %dma_start3A_20] : memref<2x16x80x128xi32, #tpu.memory_space<hbm>> -> memref<1x1x80x128xi32, #tpu.memory_space<hbm>>
      %dma_start3A_22 = tpu.memref_squeeze %dma_start3A_21 : memref<1x1x80x128xi32, #tpu.memory_space<hbm>> -> memref<80x128xi32, #tpu.memory_space<hbm>>
      %dma_start3A_23 = arith.constant 0 : i32
      %dma_start3A_24 = arith.constant 0 : i32
      %dma_start3A_25 = tpu.memref_slice %arg3[%arg0, %arg1, %dma_start3A_23, %dma_start3A_24] : memref<2x16x80x128xi32, #tpu.memory_space<hbm>> -> memref<1x1x80x128xi32, #tpu.memory_space<hbm>>
      %dma_start3A_26 = tpu.memref_squeeze %dma_start3A_25 : memref<1x1x80x128xi32, #tpu.memory_space<hbm>> -> memref<80x128xi32, #tpu.memory_space<hbm>>
      tpu.enqueue_dma source(%dma_start3A_26 : memref<80x128xi32, #tpu.memory_space<hbm>>) target(%arg8 : memref<80x128xi32, #tpu.memory_space<vmem>>) target_semaphore(%run_scoped3A : memref<!tpu.dma_semaphore, #tpu.memory_space<semaphore_mem>>)
      %dma_wait3A = arith.constant 0 : i32
      %dma_wait3A_27 = arith.constant 0 : i32
      %dma_wait3A_28 = tpu.memref_slice %arg3[%arg0, %arg1, %dma_wait3A, %dma_wait3A_27] : memref<2x16x80x128xi32, #tpu.memory_space<hbm>> -> memref<1x1x80x128xi32, #tpu.memory_space<hbm>>
      %dma_wait3A_29 = tpu.memref_squeeze %dma_wait3A_28 : memref<1x1x80x128xi32, #tpu.memory_space<hbm>> -> memref<80x128xi32, #tpu.memory_space<hbm>>
      %dma_wait3A_30 = arith.constant 0 : i32
      %dma_wait3A_31 = arith.constant 0 : i32
      %dma_wait3A_32 = tpu.memref_slice %arg3[%arg0, %arg1, %dma_wait3A_30, %dma_wait3A_31] : memref<2x16x80x128xi32, #tpu.memory_space<hbm>> -> memref<1x1x80x128xi32, #tpu.memory_space<hbm>>
      %dma_wait3A_33 = tpu.memref_squeeze %dma_wait3A_32 : memref<1x1x80x128xi32, #tpu.memory_space<hbm>> -> memref<80x128xi32, #tpu.memory_space<hbm>>
      tpu.wait_dma2 semaphore(%run_scoped3A : memref<!tpu.dma_semaphore, #tpu.memory_space<semaphore_mem>>) src(%dma_wait3A_33 : memref<80x128xi32, #tpu.memory_space<hbm>>) dst(%arg8 : memref<80x128xi32, #tpu.memory_space<vmem>>)
      tpu.yield
    }) : () -> ()
    "tpu.region"() ({
      %run_scoped3A = tpu.sem_alloc : memref<!tpu.dma_semaphore, #tpu.memory_space<semaphore_mem>>
      %dma_start3A_19 = arith.constant 0 : i32
      %dma_start3A_20 = arith.constant 0 : i32
      %dma_start3A_21 = tpu.memref_slice %arg4[%arg0, %arg1, %dma_start3A_19, %dma_start3A_20] : memref<2x16x160x64xi32, #tpu.memory_space<hbm>> -> memref<1x1x160x64xi32, #tpu.memory_space<hbm>>
      %dma_start3A_22 = tpu.memref_squeeze %dma_start3A_21 : memref<1x1x160x64xi32, #tpu.memory_space<hbm>> -> memref<160x64xi32, #tpu.memory_space<hbm>>
      %dma_start3A_23 = arith.constant 0 : i32
      %dma_start3A_24 = arith.constant 0 : i32
      %dma_start3A_25 = tpu.memref_slice %arg4[%arg0, %arg1, %dma_start3A_23, %dma_start3A_24] : memref<2x16x160x64xi32, #tpu.memory_space<hbm>> -> memref<1x1x160x64xi32, #tpu.memory_space<hbm>>
      %dma_start3A_26 = tpu.memref_squeeze %dma_start3A_25 : memref<1x1x160x64xi32, #tpu.memory_space<hbm>> -> memref<160x64xi32, #tpu.memory_space<hbm>>
      tpu.enqueue_dma source(%dma_start3A_26 : memref<160x64xi32, #tpu.memory_space<hbm>>) target(%arg9 : memref<160x64xi32, #tpu.memory_space<vmem>>) target_semaphore(%run_scoped3A : memref<!tpu.dma_semaphore, #tpu.memory_space<semaphore_mem>>)
      %dma_wait3A = arith.constant 0 : i32
      %dma_wait3A_27 = arith.constant 0 : i32
      %dma_wait3A_28 = tpu.memref_slice %arg4[%arg0, %arg1, %dma_wait3A, %dma_wait3A_27] : memref<2x16x160x64xi32, #tpu.memory_space<hbm>> -> memref<1x1x160x64xi32, #tpu.memory_space<hbm>>
      %dma_wait3A_29 = tpu.memref_squeeze %dma_wait3A_28 : memref<1x1x160x64xi32, #tpu.memory_space<hbm>> -> memref<160x64xi32, #tpu.memory_space<hbm>>
      %dma_wait3A_30 = arith.constant 0 : i32
      %dma_wait3A_31 = arith.constant 0 : i32
      %dma_wait3A_32 = tpu.memref_slice %arg4[%arg0, %arg1, %dma_wait3A_30, %dma_wait3A_31] : memref<2x16x160x64xi32, #tpu.memory_space<hbm>> -> memref<1x1x160x64xi32, #tpu.memory_space<hbm>>
      %dma_wait3A_33 = tpu.memref_squeeze %dma_wait3A_32 : memref<1x1x160x64xi32, #tpu.memory_space<hbm>> -> memref<160x64xi32, #tpu.memory_space<hbm>>
      tpu.wait_dma2 semaphore(%run_scoped3A : memref<!tpu.dma_semaphore, #tpu.memory_space<semaphore_mem>>) src(%dma_wait3A_33 : memref<160x64xi32, #tpu.memory_space<hbm>>) dst(%arg9 : memref<160x64xi32, #tpu.memory_space<vmem>>)
      tpu.yield
    }) : () -> ()
    %barrier3A = arith.constant 0 : index
    tpu.barrier barrier_id(%barrier3A)
    %dma_start3A = arith.constant 0 : i32
    %dma_start3A_1 = arith.constant 0 : i32
    %dma_start3A_2 = tpu.memref_slice %arg8[%dma_start3A, %dma_start3A_1] : memref<80x128xi32, #tpu.memory_space<vmem>> -> memref<1x64xi32, #tpu.memory_space<vmem>>
    %dma_start3A_3 = tpu.memref_squeeze %dma_start3A_2 : memref<1x64xi32, #tpu.memory_space<vmem>> -> memref<64xi32, #tpu.memory_space<vmem>>
    %dma_start3A_4 = arith.constant 0 : i32
    %dma_start3A_5 = arith.constant 0 : i32
    %dma_start3A_6 = tpu.memref_slice %arg2[%dma_start3A_4, %dma_start3A_5] : memref<10000x128xf32, #tpu.memory_space<hbm>> -> memref<10000x128xf32, #tpu.memory_space<hbm>>
    tpu.enqueue_indirect_dma source(%dma_start3A_6 : memref<10000x128xf32, #tpu.memory_space<hbm>>) target(%arg10 : memref<64x128xf32, #tpu.memory_space<vmem>>) offsets(%dma_start3A_3 : memref<64xi32, #tpu.memory_space<vmem>>) semaphore(%arg12 : memref<!tpu.dma_semaphore, #tpu.memory_space<semaphore_mem>>)
    %dma_start3A_7 = arith.constant 0 : i32
    %dma_start3A_8 = arith.constant 64 : i32
    %dma_start3A_9 = tpu.memref_slice %arg8[%dma_start3A_7, %dma_start3A_8] : memref<80x128xi32, #tpu.memory_space<vmem>> -> memref<1x64xi32, #tpu.memory_space<vmem>>
    %dma_start3A_10 = tpu.memref_squeeze %dma_start3A_9 : memref<1x64xi32, #tpu.memory_space<vmem>> -> memref<64xi32, #tpu.memory_space<vmem>>
    %dma_start3A_11 = arith.constant 0 : i32
    %dma_start3A_12 = arith.constant 0 : i32
    %dma_start3A_13 = tpu.memref_slice %arg2[%dma_start3A_11, %dma_start3A_12] : memref<10000x128xf32, #tpu.memory_space<hbm>> -> memref<10000x128xf32, #tpu.memory_space<hbm>>
    tpu.enqueue_indirect_dma source(%dma_start3A_13 : memref<10000x128xf32, #tpu.memory_space<hbm>>) target(%arg11 : memref<64x128xf32, #tpu.memory_space<vmem>>) offsets(%dma_start3A_10 : memref<64xi32, #tpu.memory_space<vmem>>) semaphore(%arg13 : memref<!tpu.dma_semaphore, #tpu.memory_space<semaphore_mem>>)
    %scan3A = arith.constant 0 : i32
    %scan3A_14 = arith.constant 80 : i32
    %scan3A_15 = arith.addi %scan3A, %scan3A_14 : i32
    %scan3A_16 = arith.constant 1 : i32
    scf.for %scan3A_19 = %scan3A to %scan3A_15 step %scan3A_16  : i32 {
      %mul3A_20 = arith.constant 2 : i32
      %mul3A_21 = arith.muli %scan3A_19, %mul3A_20 : i32
      %add3A = arith.constant 0 : i32
      %add3A_22 = arith.addi %add3A, %mul3A_21 : i32
      %add3A_23 = arith.constant 0 : i32
      %add3A_24 = arith.addi %add3A_22, %add3A_23 : i32
      %jit3A = arith.constant 2 : i32
      %div3A = arith.divsi %add3A_24, %jit3A : i32
      %sign3A = arith.constant 0 : i32
      %sign3A_25 = arith.cmpi sgt, %add3A_24, %sign3A : i32
      %sign3A_26 = arith.extui %sign3A_25 : i1 to i32
      %sign3A_27 = arith.constant 0 : i32
      %sign3A_28 = arith.cmpi slt, %add3A_24, %sign3A_27 : i32
      %sign3A_29 = arith.extui %sign3A_28 : i1 to i32
      %sign3A_30 = arith.subi %sign3A_26, %sign3A_29 : i32
      %sign3A_31 = arith.constant 0 : i32
      %sign3A_32 = arith.cmpi sgt, %jit3A, %sign3A_31 : i32
      %sign3A_33 = arith.extui %sign3A_32 : i1 to i32
      %sign3A_34 = arith.constant 0 : i32
      %sign3A_35 = arith.cmpi slt, %jit3A, %sign3A_34 : i32
      %sign3A_36 = arith.extui %sign3A_35 : i1 to i32
      %sign3A_37 = arith.subi %sign3A_33, %sign3A_36 : i32
      %ne3A = arith.cmpi ne, %sign3A_30, %sign3A_37 : i32
      %rem3A = arith.remsi %add3A_24, %jit3A : i32
      %ne3A_38 = arith.constant 0 : i32
      %ne3A_39 = arith.cmpi ne, %rem3A, %ne3A_38 : i32
      %and3A = arith.andi %ne3A, %ne3A_39 : i1
      %sub3A = arith.constant 1 : i32
      %sub3A_40 = arith.subi %div3A, %sub3A : i32
      %select_n3A = arith.select %and3A, %sub3A_40, %div3A : i32
      %jit3A_41 = arith.constant 2 : i32
      %eq3A = arith.constant 0 : i32
      %eq3A_42 = arith.cmpi eq, %jit3A_41, %eq3A : i32
      %jit3A_43 = arith.constant 1 : i32
      %select_n3A_44 = arith.select %eq3A_42, %jit3A_43, %jit3A_41 : i32
      %rem3A_45 = arith.remsi %add3A_24, %select_n3A_44 : i32
      %ne3A_46 = arith.constant 0 : i32
      %ne3A_47 = arith.cmpi ne, %rem3A_45, %ne3A_46 : i32
      %lt3A = arith.constant 0 : i32
      %lt3A_48 = arith.cmpi slt, %rem3A_45, %lt3A : i32
      %lt3A_49 = arith.constant 0 : i32
      %lt3A_50 = arith.cmpi slt, %select_n3A_44, %lt3A_49 : i32
      %ne3A_51 = arith.xori %lt3A_48, %lt3A_50 : i1
      %and3A_52 = arith.andi %ne3A_51, %ne3A_47 : i1
      %add3A_53 = arith.addi %rem3A_45, %select_n3A_44 : i32
      %select_n3A_54 = arith.select %and3A_52, %add3A_53, %rem3A_45 : i32
      %mul3A_55 = arith.constant 64 : i32
      %mul3A_56 = arith.muli %select_n3A_54, %mul3A_55 : i32
      %dma_wait3A = tpu.memref_slice %arg8[%select_n3A, %mul3A_56] : memref<80x128xi32, #tpu.memory_space<vmem>> -> memref<1x64xi32, #tpu.memory_space<vmem>>
      %dma_wait3A_57 = tpu.memref_squeeze %dma_wait3A : memref<1x64xi32, #tpu.memory_space<vmem>> -> memref<64xi32, #tpu.memory_space<vmem>>
      %dma_wait3A_58 = arith.constant 0 : i32
      %dma_wait3A_59 = arith.constant 0 : i32
      %dma_wait3A_60 = tpu.memref_slice %arg2[%dma_wait3A_58, %dma_wait3A_59] : memref<10000x128xf32, #tpu.memory_space<hbm>> -> memref<10000x128xf32, #tpu.memory_space<hbm>>
      tpu.wait_indirect_dma semaphore(%arg12 : memref<!tpu.dma_semaphore, #tpu.memory_space<semaphore_mem>>) src(%dma_wait3A_60 : memref<10000x128xf32, #tpu.memory_space<hbm>>) dst(%arg10 : memref<64x128xf32, #tpu.memory_space<vmem>>)
      "tpu.region"() ({
        %run_scoped3A = tpu.sem_alloc : memref<!tpu.dma_semaphore, #tpu.memory_space<semaphore_mem>>
        %dma_start3A_122 = arith.constant 0 : i32
        %dma_start3A_123 = tpu.memref_slice %arg9[%add3A_24, %dma_start3A_122] : memref<160x64xi32, #tpu.memory_space<vmem>> -> memref<1x64xi32, #tpu.memory_space<vmem>>
        %dma_start3A_124 = tpu.memref_squeeze %dma_start3A_123 : memref<1x64xi32, #tpu.memory_space<vmem>> -> memref<64xi32, #tpu.memory_space<vmem>>
        %dma_start3A_125 = arith.constant 0 : i32
        %dma_start3A_126 = arith.constant 0 : i32
        %dma_start3A_127 = tpu.memref_slice %arg7[%dma_start3A_125, %dma_start3A_126] : memref<10112x128xf32, #tpu.memory_space<vmem_shared>> -> memref<10112x128xf32, #tpu.memory_space<vmem_shared>>
        tpu.enqueue_indirect_dma source(%arg10 : memref<64x128xf32, #tpu.memory_space<vmem>>) target(%dma_start3A_127 : memref<10112x128xf32, #tpu.memory_space<vmem_shared>>) offsets(%dma_start3A_124 : memref<64xi32, #tpu.memory_space<vmem>>) semaphore(%run_scoped3A : memref<!tpu.dma_semaphore, #tpu.memory_space<semaphore_mem>>) {add = true}
        %dma_wait3A_128 = arith.constant 0 : i32
        %dma_wait3A_129 = tpu.memref_slice %arg9[%add3A_24, %dma_wait3A_128] : memref<160x64xi32, #tpu.memory_space<vmem>> -> memref<1x64xi32, #tpu.memory_space<vmem>>
        %dma_wait3A_130 = tpu.memref_squeeze %dma_wait3A_129 : memref<1x64xi32, #tpu.memory_space<vmem>> -> memref<64xi32, #tpu.memory_space<vmem>>
        %dma_wait3A_131 = arith.constant 0 : i32
        %dma_wait3A_132 = arith.constant 0 : i32
        %dma_wait3A_133 = tpu.memref_slice %arg7[%dma_wait3A_131, %dma_wait3A_132] : memref<10112x128xf32, #tpu.memory_space<vmem_shared>> -> memref<10112x128xf32, #tpu.memory_space<vmem_shared>>
        tpu.wait_indirect_dma semaphore(%run_scoped3A : memref<!tpu.dma_semaphore, #tpu.memory_space<semaphore_mem>>) src(%arg10 : memref<64x128xf32, #tpu.memory_space<vmem>>) dst(%dma_wait3A_133 : memref<10112x128xf32, #tpu.memory_space<vmem_shared>>)
        tpu.yield
      }) : () -> ()
      %add3A_61 = arith.constant 2 : i32
      %add3A_62 = arith.addi %add3A_24, %add3A_61 : i32
      %lt3A_63 = arith.constant 160 : i32
      %lt3A_64 = arith.cmpi slt, %add3A_62, %lt3A_63 : i32
      %convert_element_type3A = arith.extui %lt3A_64 : i1 to i32
      %cond3A = arith.constant 0 : i32
      %cond3A_65 = arith.cmpi ne, %convert_element_type3A, %cond3A : i32
      scf.if %cond3A_65 {
        %add3A_122 = arith.constant 2 : i32
        %add3A_123 = arith.addi %add3A_24, %add3A_122 : i32
        %jit3A_124 = arith.constant 2 : i32
        %div3A_125 = arith.divsi %add3A_123, %jit3A_124 : i32
        %sign3A_126 = arith.constant 0 : i32
        %sign3A_127 = arith.cmpi sgt, %add3A_123, %sign3A_126 : i32
        %sign3A_128 = arith.extui %sign3A_127 : i1 to i32
        %sign3A_129 = arith.constant 0 : i32
        %sign3A_130 = arith.cmpi slt, %add3A_123, %sign3A_129 : i32
        %sign3A_131 = arith.extui %sign3A_130 : i1 to i32
        %sign3A_132 = arith.subi %sign3A_128, %sign3A_131 : i32
        %sign3A_133 = arith.constant 0 : i32
        %sign3A_134 = arith.cmpi sgt, %jit3A_124, %sign3A_133 : i32
        %sign3A_135 = arith.extui %sign3A_134 : i1 to i32
        %sign3A_136 = arith.constant 0 : i32
        %sign3A_137 = arith.cmpi slt, %jit3A_124, %sign3A_136 : i32
        %sign3A_138 = arith.extui %sign3A_137 : i1 to i32
        %sign3A_139 = arith.subi %sign3A_135, %sign3A_138 : i32
        %ne3A_140 = arith.cmpi ne, %sign3A_132, %sign3A_139 : i32
        %rem3A_141 = arith.remsi %add3A_123, %jit3A_124 : i32
        %ne3A_142 = arith.constant 0 : i32
        %ne3A_143 = arith.cmpi ne, %rem3A_141, %ne3A_142 : i32
        %and3A_144 = arith.andi %ne3A_140, %ne3A_143 : i1
        %sub3A_145 = arith.constant 1 : i32
        %sub3A_146 = arith.subi %div3A_125, %sub3A_145 : i32
        %select_n3A_147 = arith.select %and3A_144, %sub3A_146, %div3A_125 : i32
        %jit3A_148 = arith.constant 2 : i32
        %eq3A_149 = arith.constant 0 : i32
        %eq3A_150 = arith.cmpi eq, %jit3A_148, %eq3A_149 : i32
        %jit3A_151 = arith.constant 1 : i32
        %select_n3A_152 = arith.select %eq3A_150, %jit3A_151, %jit3A_148 : i32
        %rem3A_153 = arith.remsi %add3A_123, %select_n3A_152 : i32
        %ne3A_154 = arith.constant 0 : i32
        %ne3A_155 = arith.cmpi ne, %rem3A_153, %ne3A_154 : i32
        %lt3A_156 = arith.constant 0 : i32
        %lt3A_157 = arith.cmpi slt, %rem3A_153, %lt3A_156 : i32
        %lt3A_158 = arith.constant 0 : i32
        %lt3A_159 = arith.cmpi slt, %select_n3A_152, %lt3A_158 : i32
        %ne3A_160 = arith.xori %lt3A_157, %lt3A_159 : i1
        %and3A_161 = arith.andi %ne3A_160, %ne3A_155 : i1
        %add3A_162 = arith.addi %rem3A_153, %select_n3A_152 : i32
        %select_n3A_163 = arith.select %and3A_161, %add3A_162, %rem3A_153 : i32
        %mul3A_164 = arith.constant 64 : i32
        %mul3A_165 = arith.muli %select_n3A_163, %mul3A_164 : i32
        %dma_start3A_166 = tpu.memref_slice %arg8[%select_n3A_147, %mul3A_165] : memref<80x128xi32, #tpu.memory_space<vmem>> -> memref<1x64xi32, #tpu.memory_space<vmem>>
        %dma_start3A_167 = tpu.memref_squeeze %dma_start3A_166 : memref<1x64xi32, #tpu.memory_space<vmem>> -> memref<64xi32, #tpu.memory_space<vmem>>
        %dma_start3A_168 = arith.constant 0 : i32
        %dma_start3A_169 = arith.constant 0 : i32
        %dma_start3A_170 = tpu.memref_slice %arg2[%dma_start3A_168, %dma_start3A_169] : memref<10000x128xf32, #tpu.memory_space<hbm>> -> memref<10000x128xf32, #tpu.memory_space<hbm>>
        tpu.enqueue_indirect_dma source(%dma_start3A_170 : memref<10000x128xf32, #tpu.memory_space<hbm>>) target(%arg10 : memref<64x128xf32, #tpu.memory_space<vmem>>) offsets(%dma_start3A_167 : memref<64xi32, #tpu.memory_space<vmem>>) semaphore(%arg12 : memref<!tpu.dma_semaphore, #tpu.memory_space<semaphore_mem>>)
      } else {
      }
      %add3A_66 = arith.constant 1 : i32
      %add3A_67 = arith.addi %add3A_22, %add3A_66 : i32
      %jit3A_68 = arith.constant 2 : i32
      %div3A_69 = arith.divsi %add3A_67, %jit3A_68 : i32
      %sign3A_70 = arith.constant 0 : i32
      %sign3A_71 = arith.cmpi sgt, %add3A_67, %sign3A_70 : i32
      %sign3A_72 = arith.extui %sign3A_71 : i1 to i32
      %sign3A_73 = arith.constant 0 : i32
      %sign3A_74 = arith.cmpi slt, %add3A_67, %sign3A_73 : i32
      %sign3A_75 = arith.extui %sign3A_74 : i1 to i32
      %sign3A_76 = arith.subi %sign3A_72, %sign3A_75 : i32
      %sign3A_77 = arith.constant 0 : i32
      %sign3A_78 = arith.cmpi sgt, %jit3A_68, %sign3A_77 : i32
      %sign3A_79 = arith.extui %sign3A_78 : i1 to i32
      %sign3A_80 = arith.constant 0 : i32
      %sign3A_81 = arith.cmpi slt, %jit3A_68, %sign3A_80 : i32
      %sign3A_82 = arith.extui %sign3A_81 : i1 to i32
      %sign3A_83 = arith.subi %sign3A_79, %sign3A_82 : i32
      %ne3A_84 = arith.cmpi ne, %sign3A_76, %sign3A_83 : i32
      %rem3A_85 = arith.remsi %add3A_67, %jit3A_68 : i32
      %ne3A_86 = arith.constant 0 : i32
      %ne3A_87 = arith.cmpi ne, %rem3A_85, %ne3A_86 : i32
      %and3A_88 = arith.andi %ne3A_84, %ne3A_87 : i1
      %sub3A_89 = arith.constant 1 : i32
      %sub3A_90 = arith.subi %div3A_69, %sub3A_89 : i32
      %select_n3A_91 = arith.select %and3A_88, %sub3A_90, %div3A_69 : i32
      %jit3A_92 = arith.constant 2 : i32
      %eq3A_93 = arith.constant 0 : i32
      %eq3A_94 = arith.cmpi eq, %jit3A_92, %eq3A_93 : i32
      %jit3A_95 = arith.constant 1 : i32
      %select_n3A_96 = arith.select %eq3A_94, %jit3A_95, %jit3A_92 : i32
      %rem3A_97 = arith.remsi %add3A_67, %select_n3A_96 : i32
      %ne3A_98 = arith.constant 0 : i32
      %ne3A_99 = arith.cmpi ne, %rem3A_97, %ne3A_98 : i32
      %lt3A_100 = arith.constant 0 : i32
      %lt3A_101 = arith.cmpi slt, %rem3A_97, %lt3A_100 : i32
      %lt3A_102 = arith.constant 0 : i32
      %lt3A_103 = arith.cmpi slt, %select_n3A_96, %lt3A_102 : i32
      %ne3A_104 = arith.xori %lt3A_101, %lt3A_103 : i1
      %and3A_105 = arith.andi %ne3A_104, %ne3A_99 : i1
      %add3A_106 = arith.addi %rem3A_97, %select_n3A_96 : i32
      %select_n3A_107 = arith.select %and3A_105, %add3A_106, %rem3A_97 : i32
      %mul3A_108 = arith.constant 64 : i32
      %mul3A_109 = arith.muli %select_n3A_107, %mul3A_108 : i32
      %dma_wait3A_110 = tpu.memref_slice %arg8[%select_n3A_91, %mul3A_109] : memref<80x128xi32, #tpu.memory_space<vmem>> -> memref<1x64xi32, #tpu.memory_space<vmem>>
      %dma_wait3A_111 = tpu.memref_squeeze %dma_wait3A_110 : memref<1x64xi32, #tpu.memory_space<vmem>> -> memref<64xi32, #tpu.memory_space<vmem>>
      %dma_wait3A_112 = arith.constant 0 : i32
      %dma_wait3A_113 = arith.constant 0 : i32
      %dma_wait3A_114 = tpu.memref_slice %arg2[%dma_wait3A_112, %dma_wait3A_113] : memref<10000x128xf32, #tpu.memory_space<hbm>> -> memref<10000x128xf32, #tpu.memory_space<hbm>>
      tpu.wait_indirect_dma semaphore(%arg13 : memref<!tpu.dma_semaphore, #tpu.memory_space<semaphore_mem>>) src(%dma_wait3A_114 : memref<10000x128xf32, #tpu.memory_space<hbm>>) dst(%arg11 : memref<64x128xf32, #tpu.memory_space<vmem>>)
      "tpu.region"() ({
        %run_scoped3A = tpu.sem_alloc : memref<!tpu.dma_semaphore, #tpu.memory_space<semaphore_mem>>
        %dma_start3A_122 = arith.constant 0 : i32
        %dma_start3A_123 = tpu.memref_slice %arg9[%add3A_67, %dma_start3A_122] : memref<160x64xi32, #tpu.memory_space<vmem>> -> memref<1x64xi32, #tpu.memory_space<vmem>>
        %dma_start3A_124 = tpu.memref_squeeze %dma_start3A_123 : memref<1x64xi32, #tpu.memory_space<vmem>> -> memref<64xi32, #tpu.memory_space<vmem>>
        %dma_start3A_125 = arith.constant 0 : i32
        %dma_start3A_126 = arith.constant 0 : i32
        %dma_start3A_127 = tpu.memref_slice %arg7[%dma_start3A_125, %dma_start3A_126] : memref<10112x128xf32, #tpu.memory_space<vmem_shared>> -> memref<10112x128xf32, #tpu.memory_space<vmem_shared>>
        tpu.enqueue_indirect_dma source(%arg11 : memref<64x128xf32, #tpu.memory_space<vmem>>) target(%dma_start3A_127 : memref<10112x128xf32, #tpu.memory_space<vmem_shared>>) offsets(%dma_start3A_124 : memref<64xi32, #tpu.memory_space<vmem>>) semaphore(%run_scoped3A : memref<!tpu.dma_semaphore, #tpu.memory_space<semaphore_mem>>) {add = true}
        %dma_wait3A_128 = arith.constant 0 : i32
        %dma_wait3A_129 = tpu.memref_slice %arg9[%add3A_67, %dma_wait3A_128] : memref<160x64xi32, #tpu.memory_space<vmem>> -> memref<1x64xi32, #tpu.memory_space<vmem>>
        %dma_wait3A_130 = tpu.memref_squeeze %dma_wait3A_129 : memref<1x64xi32, #tpu.memory_space<vmem>> -> memref<64xi32, #tpu.memory_space<vmem>>
        %dma_wait3A_131 = arith.constant 0 : i32
        %dma_wait3A_132 = arith.constant 0 : i32
        %dma_wait3A_133 = tpu.memref_slice %arg7[%dma_wait3A_131, %dma_wait3A_132] : memref<10112x128xf32, #tpu.memory_space<vmem_shared>> -> memref<10112x128xf32, #tpu.memory_space<vmem_shared>>
        tpu.wait_indirect_dma semaphore(%run_scoped3A : memref<!tpu.dma_semaphore, #tpu.memory_space<semaphore_mem>>) src(%arg11 : memref<64x128xf32, #tpu.memory_space<vmem>>) dst(%dma_wait3A_133 : memref<10112x128xf32, #tpu.memory_space<vmem_shared>>)
        tpu.yield
      }) : () -> ()
      %add3A_115 = arith.constant 2 : i32
      %add3A_116 = arith.addi %add3A_67, %add3A_115 : i32
      %lt3A_117 = arith.constant 160 : i32
      %lt3A_118 = arith.cmpi slt, %add3A_116, %lt3A_117 : i32
      %convert_element_type3A_119 = arith.extui %lt3A_118 : i1 to i32
      %cond3A_120 = arith.constant 0 : i32
      %cond3A_121 = arith.cmpi ne, %convert_element_type3A_119, %cond3A_120 : i32
      scf.if %cond3A_121 {
        %add3A_122 = arith.constant 2 : i32
        %add3A_123 = arith.addi %add3A_67, %add3A_122 : i32
        %jit3A_124 = arith.constant 2 : i32
        %div3A_125 = arith.divsi %add3A_123, %jit3A_124 : i32
        %sign3A_126 = arith.constant 0 : i32
        %sign3A_127 = arith.cmpi sgt, %add3A_123, %sign3A_126 : i32
        %sign3A_128 = arith.extui %sign3A_127 : i1 to i32
        %sign3A_129 = arith.constant 0 : i32
        %sign3A_130 = arith.cmpi slt, %add3A_123, %sign3A_129 : i32
        %sign3A_131 = arith.extui %sign3A_130 : i1 to i32
        %sign3A_132 = arith.subi %sign3A_128, %sign3A_131 : i32
        %sign3A_133 = arith.constant 0 : i32
        %sign3A_134 = arith.cmpi sgt, %jit3A_124, %sign3A_133 : i32
        %sign3A_135 = arith.extui %sign3A_134 : i1 to i32
        %sign3A_136 = arith.constant 0 : i32
        %sign3A_137 = arith.cmpi slt, %jit3A_124, %sign3A_136 : i32
        %sign3A_138 = arith.extui %sign3A_137 : i1 to i32
        %sign3A_139 = arith.subi %sign3A_135, %sign3A_138 : i32
        %ne3A_140 = arith.cmpi ne, %sign3A_132, %sign3A_139 : i32
        %rem3A_141 = arith.remsi %add3A_123, %jit3A_124 : i32
        %ne3A_142 = arith.constant 0 : i32
        %ne3A_143 = arith.cmpi ne, %rem3A_141, %ne3A_142 : i32
        %and3A_144 = arith.andi %ne3A_140, %ne3A_143 : i1
        %sub3A_145 = arith.constant 1 : i32
        %sub3A_146 = arith.subi %div3A_125, %sub3A_145 : i32
        %select_n3A_147 = arith.select %and3A_144, %sub3A_146, %div3A_125 : i32
        %jit3A_148 = arith.constant 2 : i32
        %eq3A_149 = arith.constant 0 : i32
        %eq3A_150 = arith.cmpi eq, %jit3A_148, %eq3A_149 : i32
        %jit3A_151 = arith.constant 1 : i32
        %select_n3A_152 = arith.select %eq3A_150, %jit3A_151, %jit3A_148 : i32
        %rem3A_153 = arith.remsi %add3A_123, %select_n3A_152 : i32
        %ne3A_154 = arith.constant 0 : i32
        %ne3A_155 = arith.cmpi ne, %rem3A_153, %ne3A_154 : i32
        %lt3A_156 = arith.constant 0 : i32
        %lt3A_157 = arith.cmpi slt, %rem3A_153, %lt3A_156 : i32
        %lt3A_158 = arith.constant 0 : i32
        %lt3A_159 = arith.cmpi slt, %select_n3A_152, %lt3A_158 : i32
        %ne3A_160 = arith.xori %lt3A_157, %lt3A_159 : i1
        %and3A_161 = arith.andi %ne3A_160, %ne3A_155 : i1
        %add3A_162 = arith.addi %rem3A_153, %select_n3A_152 : i32
        %select_n3A_163 = arith.select %and3A_161, %add3A_162, %rem3A_153 : i32
        %mul3A_164 = arith.constant 64 : i32
        %mul3A_165 = arith.muli %select_n3A_163, %mul3A_164 : i32
        %dma_start3A_166 = tpu.memref_slice %arg8[%select_n3A_147, %mul3A_165] : memref<80x128xi32, #tpu.memory_space<vmem>> -> memref<1x64xi32, #tpu.memory_space<vmem>>
        %dma_start3A_167 = tpu.memref_squeeze %dma_start3A_166 : memref<1x64xi32, #tpu.memory_space<vmem>> -> memref<64xi32, #tpu.memory_space<vmem>>
        %dma_start3A_168 = arith.constant 0 : i32
        %dma_start3A_169 = arith.constant 0 : i32
        %dma_start3A_170 = tpu.memref_slice %arg2[%dma_start3A_168, %dma_start3A_169] : memref<10000x128xf32, #tpu.memory_space<hbm>> -> memref<10000x128xf32, #tpu.memory_space<hbm>>
        tpu.enqueue_indirect_dma source(%dma_start3A_170 : memref<10000x128xf32, #tpu.memory_space<hbm>>) target(%arg11 : memref<64x128xf32, #tpu.memory_space<vmem>>) offsets(%dma_start3A_167 : memref<64xi32, #tpu.memory_space<vmem>>) semaphore(%arg13 : memref<!tpu.dma_semaphore, #tpu.memory_space<semaphore_mem>>)
      } else {
      }
    }
    %scan3A_17 = arith.constant 80 : i32
    %barrier3A_18 = arith.constant 0 : index
    tpu.barrier barrier_id(%barrier3A_18)
    "tpu.region"() ({
      %run_scoped3A = tpu.sem_alloc : memref<!tpu.dma_semaphore, #tpu.memory_space<semaphore_mem>>
      %dma_start3A_19 = arith.constant 0 : i32
      %dma_start3A_20 = tpu.memref_slice %arg6[%arg0, %mul3A_0, %dma_start3A_19] : memref<2x10112x128xf32, #tpu.memory_space<hbm>> -> memref<1x632x128xf32, #tpu.memory_space<hbm>>
      %dma_start3A_21 = tpu.memref_squeeze %dma_start3A_20 : memref<1x632x128xf32, #tpu.memory_space<hbm>> -> memref<632x128xf32, #tpu.memory_space<hbm>>
      %dma_start3A_22 = arith.constant 0 : i32
      %dma_start3A_23 = tpu.memref_slice %arg7[%mul3A_0, %dma_start3A_22] : memref<10112x128xf32, #tpu.memory_space<vmem_shared>> -> memref<632x128xf32, #tpu.memory_space<vmem_shared>>
      tpu.enqueue_dma source(%dma_start3A_23 : memref<632x128xf32, #tpu.memory_space<vmem_shared>>) target(%dma_start3A_21 : memref<632x128xf32, #tpu.memory_space<hbm>>) target_semaphore(%run_scoped3A : memref<!tpu.dma_semaphore, #tpu.memory_space<semaphore_mem>>)
      %dma_wait3A = arith.constant 0 : i32
      %dma_wait3A_24 = tpu.memref_slice %arg6[%arg0, %mul3A_0, %dma_wait3A] : memref<2x10112x128xf32, #tpu.memory_space<hbm>> -> memref<1x632x128xf32, #tpu.memory_space<hbm>>
      %dma_wait3A_25 = tpu.memref_squeeze %dma_wait3A_24 : memref<1x632x128xf32, #tpu.memory_space<hbm>> -> memref<632x128xf32, #tpu.memory_space<hbm>>
      %dma_wait3A_26 = arith.constant 0 : i32
      %dma_wait3A_27 = tpu.memref_slice %arg7[%mul3A_0, %dma_wait3A_26] : memref<10112x128xf32, #tpu.memory_space<vmem_shared>> -> memref<632x128xf32, #tpu.memory_space<vmem_shared>>
      tpu.wait_dma2 semaphore(%run_scoped3A : memref<!tpu.dma_semaphore, #tpu.memory_space<semaphore_mem>>) src(%dma_wait3A_27 : memref<632x128xf32, #tpu.memory_space<vmem_shared>>) dst(%dma_wait3A_25 : memref<632x128xf32, #tpu.memory_space<hbm>>)
      tpu.yield
    }) : () -> ()
    return
  }
}

#map = affine_map<(d0, d1) -> (0, 0, 0, 0)>
#map1 = affine_map<(d0, d1) -> (0, 0)>
#map2 = affine_map<(d0, d1) -> (0, 0, 0)>
module attributes {stable_mosaic.version = 14 : i64} {
  func.func @_sc_degree_body(%arg0: i32, %arg1: i32, %arg2: memref<2x16x80x128xi32, #tpu.memory_space<hbm>>, %arg3: memref<10112x128xf32, #tpu.memory_space<hbm>>, %arg4: memref<128x128xf32, #tpu.memory_space<hbm>>, %arg5: memref<2x10112x128xf32, #tpu.memory_space<hbm>>, %arg6: memref<10112x128xf32, #tpu.memory_space<vmem_shared>>, %arg7: memref<80x128xi32, #tpu.memory_space<vmem>>, %arg8: memref<128x128xf32, #tpu.memory_space<vmem>>) attributes {dimension_semantics = [#tpu.dimension_semantics<core_parallel>, #tpu.dimension_semantics<subcore_parallel>], iteration_bounds = array<i64: 2, 16>, scalar_prefetch = 0 : i64, scratch_operands = 3 : i64, tpu.core_type = #tpu.core_type<sc_vector_subcore>, window_params = [{transform_indices = #map}, {transform_indices = #map1}, {transform_indices = #map1}, {transform_indices = #map2}]} {
    %mul3A = arith.constant 632 : i32
    %mul3A_0 = arith.muli %arg1, %mul3A : i32
    "tpu.region"() ({
      %run_scoped3A = tpu.sem_alloc : memref<!tpu.dma_semaphore, #tpu.memory_space<semaphore_mem>>
      %dma_start3A = arith.constant 0 : i32
      %dma_start3A_6 = tpu.memref_slice %arg6[%mul3A_0, %dma_start3A] : memref<10112x128xf32, #tpu.memory_space<vmem_shared>> -> memref<632x128xf32, #tpu.memory_space<vmem_shared>>
      %dma_start3A_7 = arith.constant 0 : i32
      %dma_start3A_8 = tpu.memref_slice %arg3[%mul3A_0, %dma_start3A_7] : memref<10112x128xf32, #tpu.memory_space<hbm>> -> memref<632x128xf32, #tpu.memory_space<hbm>>
      tpu.enqueue_dma source(%dma_start3A_8 : memref<632x128xf32, #tpu.memory_space<hbm>>) target(%dma_start3A_6 : memref<632x128xf32, #tpu.memory_space<vmem_shared>>) target_semaphore(%run_scoped3A : memref<!tpu.dma_semaphore, #tpu.memory_space<semaphore_mem>>)
      %dma_wait3A = arith.constant 0 : i32
      %dma_wait3A_9 = tpu.memref_slice %arg6[%mul3A_0, %dma_wait3A] : memref<10112x128xf32, #tpu.memory_space<vmem_shared>> -> memref<632x128xf32, #tpu.memory_space<vmem_shared>>
      %dma_wait3A_10 = arith.constant 0 : i32
      %dma_wait3A_11 = tpu.memref_slice %arg3[%mul3A_0, %dma_wait3A_10] : memref<10112x128xf32, #tpu.memory_space<hbm>> -> memref<632x128xf32, #tpu.memory_space<hbm>>
      tpu.wait_dma2 semaphore(%run_scoped3A : memref<!tpu.dma_semaphore, #tpu.memory_space<semaphore_mem>>) src(%dma_wait3A_11 : memref<632x128xf32, #tpu.memory_space<hbm>>) dst(%dma_wait3A_9 : memref<632x128xf32, #tpu.memory_space<vmem_shared>>)
      tpu.yield
    }) : () -> ()
    "tpu.region"() ({
      %run_scoped3A = tpu.sem_alloc : memref<!tpu.dma_semaphore, #tpu.memory_space<semaphore_mem>>
      %dma_start3A = arith.constant 0 : i32
      %dma_start3A_6 = arith.constant 0 : i32
      %dma_start3A_7 = tpu.memref_slice %arg2[%arg0, %arg1, %dma_start3A, %dma_start3A_6] : memref<2x16x80x128xi32, #tpu.memory_space<hbm>> -> memref<1x1x80x128xi32, #tpu.memory_space<hbm>>
      %dma_start3A_8 = tpu.memref_squeeze %dma_start3A_7 : memref<1x1x80x128xi32, #tpu.memory_space<hbm>> -> memref<80x128xi32, #tpu.memory_space<hbm>>
      %dma_start3A_9 = arith.constant 0 : i32
      %dma_start3A_10 = arith.constant 0 : i32
      %dma_start3A_11 = tpu.memref_slice %arg2[%arg0, %arg1, %dma_start3A_9, %dma_start3A_10] : memref<2x16x80x128xi32, #tpu.memory_space<hbm>> -> memref<1x1x80x128xi32, #tpu.memory_space<hbm>>
      %dma_start3A_12 = tpu.memref_squeeze %dma_start3A_11 : memref<1x1x80x128xi32, #tpu.memory_space<hbm>> -> memref<80x128xi32, #tpu.memory_space<hbm>>
      tpu.enqueue_dma source(%dma_start3A_12 : memref<80x128xi32, #tpu.memory_space<hbm>>) target(%arg7 : memref<80x128xi32, #tpu.memory_space<vmem>>) target_semaphore(%run_scoped3A : memref<!tpu.dma_semaphore, #tpu.memory_space<semaphore_mem>>)
      %dma_wait3A = arith.constant 0 : i32
      %dma_wait3A_13 = arith.constant 0 : i32
      %dma_wait3A_14 = tpu.memref_slice %arg2[%arg0, %arg1, %dma_wait3A, %dma_wait3A_13] : memref<2x16x80x128xi32, #tpu.memory_space<hbm>> -> memref<1x1x80x128xi32, #tpu.memory_space<hbm>>
      %dma_wait3A_15 = tpu.memref_squeeze %dma_wait3A_14 : memref<1x1x80x128xi32, #tpu.memory_space<hbm>> -> memref<80x128xi32, #tpu.memory_space<hbm>>
      %dma_wait3A_16 = arith.constant 0 : i32
      %dma_wait3A_17 = arith.constant 0 : i32
      %dma_wait3A_18 = tpu.memref_slice %arg2[%arg0, %arg1, %dma_wait3A_16, %dma_wait3A_17] : memref<2x16x80x128xi32, #tpu.memory_space<hbm>> -> memref<1x1x80x128xi32, #tpu.memory_space<hbm>>
      %dma_wait3A_19 = tpu.memref_squeeze %dma_wait3A_18 : memref<1x1x80x128xi32, #tpu.memory_space<hbm>> -> memref<80x128xi32, #tpu.memory_space<hbm>>
      tpu.wait_dma2 semaphore(%run_scoped3A : memref<!tpu.dma_semaphore, #tpu.memory_space<semaphore_mem>>) src(%dma_wait3A_19 : memref<80x128xi32, #tpu.memory_space<hbm>>) dst(%arg7 : memref<80x128xi32, #tpu.memory_space<vmem>>)
      tpu.yield
    }) : () -> ()
    "tpu.region"() ({
      %run_scoped3A = tpu.sem_alloc : memref<!tpu.dma_semaphore, #tpu.memory_space<semaphore_mem>>
      tpu.enqueue_dma source(%arg4 : memref<128x128xf32, #tpu.memory_space<hbm>>) target(%arg8 : memref<128x128xf32, #tpu.memory_space<vmem>>) target_semaphore(%run_scoped3A : memref<!tpu.dma_semaphore, #tpu.memory_space<semaphore_mem>>)
      tpu.wait_dma2 semaphore(%run_scoped3A : memref<!tpu.dma_semaphore, #tpu.memory_space<semaphore_mem>>) src(%arg4 : memref<128x128xf32, #tpu.memory_space<hbm>>) dst(%arg8 : memref<128x128xf32, #tpu.memory_space<vmem>>)
      tpu.yield
    }) : () -> ()
    %barrier3A = arith.constant 0 : index
    tpu.barrier barrier_id(%barrier3A)
    %scan3A = arith.constant 0 : i32
    %scan3A_1 = arith.constant 80 : i32
    %scan3A_2 = arith.addi %scan3A, %scan3A_1 : i32
    %scan3A_3 = arith.constant 1 : i32
    scf.for %scan3A_6 = %scan3A to %scan3A_2 step %scan3A_3  : i32 {
      %mul3A_7 = arith.constant 1 : i32
      %mul3A_8 = arith.muli %scan3A_6, %mul3A_7 : i32
      %add3A = arith.constant 0 : i32
      %add3A_9 = arith.addi %add3A, %mul3A_8 : i32
      "tpu.region"() ({
        %run_scoped3A = tpu.sem_alloc : memref<!tpu.dma_semaphore, #tpu.memory_space<semaphore_mem>>
        %dma_start3A = arith.constant 0 : i32
        %dma_start3A_10 = tpu.memref_slice %arg7[%add3A_9, %dma_start3A] : memref<80x128xi32, #tpu.memory_space<vmem>> -> memref<1x128xi32, #tpu.memory_space<vmem>>
        %dma_start3A_11 = tpu.memref_squeeze %dma_start3A_10 : memref<1x128xi32, #tpu.memory_space<vmem>> -> memref<128xi32, #tpu.memory_space<vmem>>
        %dma_start3A_12 = arith.constant 0 : i32
        %dma_start3A_13 = arith.constant 0 : i32
        %dma_start3A_14 = tpu.memref_slice %arg6[%dma_start3A_12, %dma_start3A_13] : memref<10112x128xf32, #tpu.memory_space<vmem_shared>> -> memref<10112x128xf32, #tpu.memory_space<vmem_shared>>
        tpu.enqueue_indirect_dma source(%arg8 : memref<128x128xf32, #tpu.memory_space<vmem>>) target(%dma_start3A_14 : memref<10112x128xf32, #tpu.memory_space<vmem_shared>>) offsets(%dma_start3A_11 : memref<128xi32, #tpu.memory_space<vmem>>) semaphore(%run_scoped3A : memref<!tpu.dma_semaphore, #tpu.memory_space<semaphore_mem>>) {add = true}
        %dma_wait3A = arith.constant 0 : i32
        %dma_wait3A_15 = tpu.memref_slice %arg7[%add3A_9, %dma_wait3A] : memref<80x128xi32, #tpu.memory_space<vmem>> -> memref<1x128xi32, #tpu.memory_space<vmem>>
        %dma_wait3A_16 = tpu.memref_squeeze %dma_wait3A_15 : memref<1x128xi32, #tpu.memory_space<vmem>> -> memref<128xi32, #tpu.memory_space<vmem>>
        %dma_wait3A_17 = arith.constant 0 : i32
        %dma_wait3A_18 = arith.constant 0 : i32
        %dma_wait3A_19 = tpu.memref_slice %arg6[%dma_wait3A_17, %dma_wait3A_18] : memref<10112x128xf32, #tpu.memory_space<vmem_shared>> -> memref<10112x128xf32, #tpu.memory_space<vmem_shared>>
        tpu.wait_indirect_dma semaphore(%run_scoped3A : memref<!tpu.dma_semaphore, #tpu.memory_space<semaphore_mem>>) src(%arg8 : memref<128x128xf32, #tpu.memory_space<vmem>>) dst(%dma_wait3A_19 : memref<10112x128xf32, #tpu.memory_space<vmem_shared>>)
        tpu.yield
      }) : () -> ()
    }
    %scan3A_4 = arith.constant 80 : i32
    %barrier3A_5 = arith.constant 0 : index
    tpu.barrier barrier_id(%barrier3A_5)
    "tpu.region"() ({
      %run_scoped3A = tpu.sem_alloc : memref<!tpu.dma_semaphore, #tpu.memory_space<semaphore_mem>>
      %dma_start3A = arith.constant 0 : i32
      %dma_start3A_6 = tpu.memref_slice %arg5[%arg0, %mul3A_0, %dma_start3A] : memref<2x10112x128xf32, #tpu.memory_space<hbm>> -> memref<1x632x128xf32, #tpu.memory_space<hbm>>
      %dma_start3A_7 = tpu.memref_squeeze %dma_start3A_6 : memref<1x632x128xf32, #tpu.memory_space<hbm>> -> memref<632x128xf32, #tpu.memory_space<hbm>>
      %dma_start3A_8 = arith.constant 0 : i32
      %dma_start3A_9 = tpu.memref_slice %arg6[%mul3A_0, %dma_start3A_8] : memref<10112x128xf32, #tpu.memory_space<vmem_shared>> -> memref<632x128xf32, #tpu.memory_space<vmem_shared>>
      tpu.enqueue_dma source(%dma_start3A_9 : memref<632x128xf32, #tpu.memory_space<vmem_shared>>) target(%dma_start3A_7 : memref<632x128xf32, #tpu.memory_space<hbm>>) target_semaphore(%run_scoped3A : memref<!tpu.dma_semaphore, #tpu.memory_space<semaphore_mem>>)
      %dma_wait3A = arith.constant 0 : i32
      %dma_wait3A_10 = tpu.memref_slice %arg5[%arg0, %mul3A_0, %dma_wait3A] : memref<2x10112x128xf32, #tpu.memory_space<hbm>> -> memref<1x632x128xf32, #tpu.memory_space<hbm>>
      %dma_wait3A_11 = tpu.memref_squeeze %dma_wait3A_10 : memref<1x632x128xf32, #tpu.memory_space<hbm>> -> memref<632x128xf32, #tpu.memory_space<hbm>>
      %dma_wait3A_12 = arith.constant 0 : i32
      %dma_wait3A_13 = tpu.memref_slice %arg6[%mul3A_0, %dma_wait3A_12] : memref<10112x128xf32, #tpu.memory_space<vmem_shared>> -> memref<632x128xf32, #tpu.memory_space<vmem_shared>>
      tpu.wait_dma2 semaphore(%run_scoped3A : memref<!tpu.dma_semaphore, #tpu.memory_space<semaphore_mem>>) src(%dma_wait3A_13 : memref<632x128xf32, #tpu.memory_space<vmem_shared>>) dst(%dma_wait3A_11 : memref<632x128xf32, #tpu.memory_space<hbm>>)
      tpu.yield
    }) : () -> ()
    return
  }
}

#map = affine_map<(d0, d1) -> (0, 0)>
#map1 = affine_map<(d0, d1) -> (0, 0, 0, 0)>
#map2 = affine_map<(d0, d1) -> (0, 0, 0)>
module attributes {stable_mosaic.version = 14 : i64} {
  func.func @_sc_agg_body(%arg0: i32, %arg1: i32, %arg2: memref<10000x128xf32, #tpu.memory_space<hbm>>, %arg3: memref<2x16x80x128xi32, #tpu.memory_space<hbm>>, %arg4: memref<2x16x160x64xi32, #tpu.memory_space<hbm>>, %arg5: memref<10112x128xf32, #tpu.memory_space<hbm>>, %arg6: memref<2x10112x128xf32, #tpu.memory_space<hbm>>, %arg7: memref<10112x128xf32, #tpu.memory_space<vmem_shared>>, %arg8: memref<80x128xi32, #tpu.memory_space<vmem>>, %arg9: memref<160x64xi32, #tpu.memory_space<vmem>>, %arg10: memref<64x128xf32, #tpu.memory_space<vmem>>, %arg11: memref<64x128xf32, #tpu.memory_space<vmem>>, %arg12: memref<!tpu.dma_semaphore, #tpu.memory_space<semaphore_mem>>, %arg13: memref<!tpu.dma_semaphore, #tpu.memory_space<semaphore_mem>>) attributes {dimension_semantics = [#tpu.dimension_semantics<core_parallel>, #tpu.dimension_semantics<subcore_parallel>], iteration_bounds = array<i64: 2, 16>, scalar_prefetch = 0 : i64, scratch_operands = 7 : i64, tpu.core_type = #tpu.core_type<sc_vector_subcore>, window_params = [{transform_indices = #map}, {transform_indices = #map1}, {transform_indices = #map1}, {transform_indices = #map}, {transform_indices = #map2}]} {
    %mul3A = arith.constant 632 : i32
    %mul3A_0 = arith.muli %arg1, %mul3A : i32
    "tpu.region"() ({
      %run_scoped3A = tpu.sem_alloc : memref<!tpu.dma_semaphore, #tpu.memory_space<semaphore_mem>>
      %dma_start3A_19 = arith.constant 0 : i32
      %dma_start3A_20 = tpu.memref_slice %arg7[%mul3A_0, %dma_start3A_19] : memref<10112x128xf32, #tpu.memory_space<vmem_shared>> -> memref<632x128xf32, #tpu.memory_space<vmem_shared>>
      %dma_start3A_21 = arith.constant 0 : i32
      %dma_start3A_22 = tpu.memref_slice %arg5[%mul3A_0, %dma_start3A_21] : memref<10112x128xf32, #tpu.memory_space<hbm>> -> memref<632x128xf32, #tpu.memory_space<hbm>>
      tpu.enqueue_dma source(%dma_start3A_22 : memref<632x128xf32, #tpu.memory_space<hbm>>) target(%dma_start3A_20 : memref<632x128xf32, #tpu.memory_space<vmem_shared>>) target_semaphore(%run_scoped3A : memref<!tpu.dma_semaphore, #tpu.memory_space<semaphore_mem>>)
      %dma_wait3A = arith.constant 0 : i32
      %dma_wait3A_23 = tpu.memref_slice %arg7[%mul3A_0, %dma_wait3A] : memref<10112x128xf32, #tpu.memory_space<vmem_shared>> -> memref<632x128xf32, #tpu.memory_space<vmem_shared>>
      %dma_wait3A_24 = arith.constant 0 : i32
      %dma_wait3A_25 = tpu.memref_slice %arg5[%mul3A_0, %dma_wait3A_24] : memref<10112x128xf32, #tpu.memory_space<hbm>> -> memref<632x128xf32, #tpu.memory_space<hbm>>
      tpu.wait_dma2 semaphore(%run_scoped3A : memref<!tpu.dma_semaphore, #tpu.memory_space<semaphore_mem>>) src(%dma_wait3A_25 : memref<632x128xf32, #tpu.memory_space<hbm>>) dst(%dma_wait3A_23 : memref<632x128xf32, #tpu.memory_space<vmem_shared>>)
      tpu.yield
    }) : () -> ()
    "tpu.region"() ({
      %run_scoped3A = tpu.sem_alloc : memref<!tpu.dma_semaphore, #tpu.memory_space<semaphore_mem>>
      %dma_start3A_19 = arith.constant 0 : i32
      %dma_start3A_20 = arith.constant 0 : i32
      %dma_start3A_21 = tpu.memref_slice %arg3[%arg0, %arg1, %dma_start3A_19, %dma_start3A_20] : memref<2x16x80x128xi32, #tpu.memory_space<hbm>> -> memref<1x1x80x128xi32, #tpu.memory_space<hbm>>
      %dma_start3A_22 = tpu.memref_squeeze %dma_start3A_21 : memref<1x1x80x128xi32, #tpu.memory_space<hbm>> -> memref<80x128xi32, #tpu.memory_space<hbm>>
      %dma_start3A_23 = arith.constant 0 : i32
      %dma_start3A_24 = arith.constant 0 : i32
      %dma_start3A_25 = tpu.memref_slice %arg3[%arg0, %arg1, %dma_start3A_23, %dma_start3A_24] : memref<2x16x80x128xi32, #tpu.memory_space<hbm>> -> memref<1x1x80x128xi32, #tpu.memory_space<hbm>>
      %dma_start3A_26 = tpu.memref_squeeze %dma_start3A_25 : memref<1x1x80x128xi32, #tpu.memory_space<hbm>> -> memref<80x128xi32, #tpu.memory_space<hbm>>
      tpu.enqueue_dma source(%dma_start3A_26 : memref<80x128xi32, #tpu.memory_space<hbm>>) target(%arg8 : memref<80x128xi32, #tpu.memory_space<vmem>>) target_semaphore(%run_scoped3A : memref<!tpu.dma_semaphore, #tpu.memory_space<semaphore_mem>>)
      %dma_wait3A = arith.constant 0 : i32
      %dma_wait3A_27 = arith.constant 0 : i32
      %dma_wait3A_28 = tpu.memref_slice %arg3[%arg0, %arg1, %dma_wait3A, %dma_wait3A_27] : memref<2x16x80x128xi32, #tpu.memory_space<hbm>> -> memref<1x1x80x128xi32, #tpu.memory_space<hbm>>
      %dma_wait3A_29 = tpu.memref_squeeze %dma_wait3A_28 : memref<1x1x80x128xi32, #tpu.memory_space<hbm>> -> memref<80x128xi32, #tpu.memory_space<hbm>>
      %dma_wait3A_30 = arith.constant 0 : i32
      %dma_wait3A_31 = arith.constant 0 : i32
      %dma_wait3A_32 = tpu.memref_slice %arg3[%arg0, %arg1, %dma_wait3A_30, %dma_wait3A_31] : memref<2x16x80x128xi32, #tpu.memory_space<hbm>> -> memref<1x1x80x128xi32, #tpu.memory_space<hbm>>
      %dma_wait3A_33 = tpu.memref_squeeze %dma_wait3A_32 : memref<1x1x80x128xi32, #tpu.memory_space<hbm>> -> memref<80x128xi32, #tpu.memory_space<hbm>>
      tpu.wait_dma2 semaphore(%run_scoped3A : memref<!tpu.dma_semaphore, #tpu.memory_space<semaphore_mem>>) src(%dma_wait3A_33 : memref<80x128xi32, #tpu.memory_space<hbm>>) dst(%arg8 : memref<80x128xi32, #tpu.memory_space<vmem>>)
      tpu.yield
    }) : () -> ()
    "tpu.region"() ({
      %run_scoped3A = tpu.sem_alloc : memref<!tpu.dma_semaphore, #tpu.memory_space<semaphore_mem>>
      %dma_start3A_19 = arith.constant 0 : i32
      %dma_start3A_20 = arith.constant 0 : i32
      %dma_start3A_21 = tpu.memref_slice %arg4[%arg0, %arg1, %dma_start3A_19, %dma_start3A_20] : memref<2x16x160x64xi32, #tpu.memory_space<hbm>> -> memref<1x1x160x64xi32, #tpu.memory_space<hbm>>
      %dma_start3A_22 = tpu.memref_squeeze %dma_start3A_21 : memref<1x1x160x64xi32, #tpu.memory_space<hbm>> -> memref<160x64xi32, #tpu.memory_space<hbm>>
      %dma_start3A_23 = arith.constant 0 : i32
      %dma_start3A_24 = arith.constant 0 : i32
      %dma_start3A_25 = tpu.memref_slice %arg4[%arg0, %arg1, %dma_start3A_23, %dma_start3A_24] : memref<2x16x160x64xi32, #tpu.memory_space<hbm>> -> memref<1x1x160x64xi32, #tpu.memory_space<hbm>>
      %dma_start3A_26 = tpu.memref_squeeze %dma_start3A_25 : memref<1x1x160x64xi32, #tpu.memory_space<hbm>> -> memref<160x64xi32, #tpu.memory_space<hbm>>
      tpu.enqueue_dma source(%dma_start3A_26 : memref<160x64xi32, #tpu.memory_space<hbm>>) target(%arg9 : memref<160x64xi32, #tpu.memory_space<vmem>>) target_semaphore(%run_scoped3A : memref<!tpu.dma_semaphore, #tpu.memory_space<semaphore_mem>>)
      %dma_wait3A = arith.constant 0 : i32
      %dma_wait3A_27 = arith.constant 0 : i32
      %dma_wait3A_28 = tpu.memref_slice %arg4[%arg0, %arg1, %dma_wait3A, %dma_wait3A_27] : memref<2x16x160x64xi32, #tpu.memory_space<hbm>> -> memref<1x1x160x64xi32, #tpu.memory_space<hbm>>
      %dma_wait3A_29 = tpu.memref_squeeze %dma_wait3A_28 : memref<1x1x160x64xi32, #tpu.memory_space<hbm>> -> memref<160x64xi32, #tpu.memory_space<hbm>>
      %dma_wait3A_30 = arith.constant 0 : i32
      %dma_wait3A_31 = arith.constant 0 : i32
      %dma_wait3A_32 = tpu.memref_slice %arg4[%arg0, %arg1, %dma_wait3A_30, %dma_wait3A_31] : memref<2x16x160x64xi32, #tpu.memory_space<hbm>> -> memref<1x1x160x64xi32, #tpu.memory_space<hbm>>
      %dma_wait3A_33 = tpu.memref_squeeze %dma_wait3A_32 : memref<1x1x160x64xi32, #tpu.memory_space<hbm>> -> memref<160x64xi32, #tpu.memory_space<hbm>>
      tpu.wait_dma2 semaphore(%run_scoped3A : memref<!tpu.dma_semaphore, #tpu.memory_space<semaphore_mem>>) src(%dma_wait3A_33 : memref<160x64xi32, #tpu.memory_space<hbm>>) dst(%arg9 : memref<160x64xi32, #tpu.memory_space<vmem>>)
      tpu.yield
    }) : () -> ()
    %barrier3A = arith.constant 0 : index
    tpu.barrier barrier_id(%barrier3A)
    %dma_start3A = arith.constant 0 : i32
    %dma_start3A_1 = arith.constant 0 : i32
    %dma_start3A_2 = tpu.memref_slice %arg8[%dma_start3A, %dma_start3A_1] : memref<80x128xi32, #tpu.memory_space<vmem>> -> memref<1x64xi32, #tpu.memory_space<vmem>>
    %dma_start3A_3 = tpu.memref_squeeze %dma_start3A_2 : memref<1x64xi32, #tpu.memory_space<vmem>> -> memref<64xi32, #tpu.memory_space<vmem>>
    %dma_start3A_4 = arith.constant 0 : i32
    %dma_start3A_5 = arith.constant 0 : i32
    %dma_start3A_6 = tpu.memref_slice %arg2[%dma_start3A_4, %dma_start3A_5] : memref<10000x128xf32, #tpu.memory_space<hbm>> -> memref<10000x128xf32, #tpu.memory_space<hbm>>
    tpu.enqueue_indirect_dma source(%dma_start3A_6 : memref<10000x128xf32, #tpu.memory_space<hbm>>) target(%arg10 : memref<64x128xf32, #tpu.memory_space<vmem>>) offsets(%dma_start3A_3 : memref<64xi32, #tpu.memory_space<vmem>>) semaphore(%arg12 : memref<!tpu.dma_semaphore, #tpu.memory_space<semaphore_mem>>)
    %dma_start3A_7 = arith.constant 0 : i32
    %dma_start3A_8 = arith.constant 64 : i32
    %dma_start3A_9 = tpu.memref_slice %arg8[%dma_start3A_7, %dma_start3A_8] : memref<80x128xi32, #tpu.memory_space<vmem>> -> memref<1x64xi32, #tpu.memory_space<vmem>>
    %dma_start3A_10 = tpu.memref_squeeze %dma_start3A_9 : memref<1x64xi32, #tpu.memory_space<vmem>> -> memref<64xi32, #tpu.memory_space<vmem>>
    %dma_start3A_11 = arith.constant 0 : i32
    %dma_start3A_12 = arith.constant 0 : i32
    %dma_start3A_13 = tpu.memref_slice %arg2[%dma_start3A_11, %dma_start3A_12] : memref<10000x128xf32, #tpu.memory_space<hbm>> -> memref<10000x128xf32, #tpu.memory_space<hbm>>
    tpu.enqueue_indirect_dma source(%dma_start3A_13 : memref<10000x128xf32, #tpu.memory_space<hbm>>) target(%arg11 : memref<64x128xf32, #tpu.memory_space<vmem>>) offsets(%dma_start3A_10 : memref<64xi32, #tpu.memory_space<vmem>>) semaphore(%arg13 : memref<!tpu.dma_semaphore, #tpu.memory_space<semaphore_mem>>)
    %scan3A = arith.constant 0 : i32
    %scan3A_14 = arith.constant 80 : i32
    %scan3A_15 = arith.addi %scan3A, %scan3A_14 : i32
    %scan3A_16 = arith.constant 1 : i32
    scf.for %scan3A_19 = %scan3A to %scan3A_15 step %scan3A_16  : i32 {
      %mul3A_20 = arith.constant 2 : i32
      %mul3A_21 = arith.muli %scan3A_19, %mul3A_20 : i32
      %add3A = arith.constant 0 : i32
      %add3A_22 = arith.addi %add3A, %mul3A_21 : i32
      %add3A_23 = arith.constant 0 : i32
      %add3A_24 = arith.addi %add3A_22, %add3A_23 : i32
      %jit3A = arith.constant 2 : i32
      %div3A = arith.divsi %add3A_24, %jit3A : i32
      %sign3A = arith.constant 0 : i32
      %sign3A_25 = arith.cmpi sgt, %add3A_24, %sign3A : i32
      %sign3A_26 = arith.extui %sign3A_25 : i1 to i32
      %sign3A_27 = arith.constant 0 : i32
      %sign3A_28 = arith.cmpi slt, %add3A_24, %sign3A_27 : i32
      %sign3A_29 = arith.extui %sign3A_28 : i1 to i32
      %sign3A_30 = arith.subi %sign3A_26, %sign3A_29 : i32
      %sign3A_31 = arith.constant 0 : i32
      %sign3A_32 = arith.cmpi sgt, %jit3A, %sign3A_31 : i32
      %sign3A_33 = arith.extui %sign3A_32 : i1 to i32
      %sign3A_34 = arith.constant 0 : i32
      %sign3A_35 = arith.cmpi slt, %jit3A, %sign3A_34 : i32
      %sign3A_36 = arith.extui %sign3A_35 : i1 to i32
      %sign3A_37 = arith.subi %sign3A_33, %sign3A_36 : i32
      %ne3A = arith.cmpi ne, %sign3A_30, %sign3A_37 : i32
      %rem3A = arith.remsi %add3A_24, %jit3A : i32
      %ne3A_38 = arith.constant 0 : i32
      %ne3A_39 = arith.cmpi ne, %rem3A, %ne3A_38 : i32
      %and3A = arith.andi %ne3A, %ne3A_39 : i1
      %sub3A = arith.constant 1 : i32
      %sub3A_40 = arith.subi %div3A, %sub3A : i32
      %select_n3A = arith.select %and3A, %sub3A_40, %div3A : i32
      %jit3A_41 = arith.constant 2 : i32
      %eq3A = arith.constant 0 : i32
      %eq3A_42 = arith.cmpi eq, %jit3A_41, %eq3A : i32
      %jit3A_43 = arith.constant 1 : i32
      %select_n3A_44 = arith.select %eq3A_42, %jit3A_43, %jit3A_41 : i32
      %rem3A_45 = arith.remsi %add3A_24, %select_n3A_44 : i32
      %ne3A_46 = arith.constant 0 : i32
      %ne3A_47 = arith.cmpi ne, %rem3A_45, %ne3A_46 : i32
      %lt3A = arith.constant 0 : i32
      %lt3A_48 = arith.cmpi slt, %rem3A_45, %lt3A : i32
      %lt3A_49 = arith.constant 0 : i32
      %lt3A_50 = arith.cmpi slt, %select_n3A_44, %lt3A_49 : i32
      %ne3A_51 = arith.xori %lt3A_48, %lt3A_50 : i1
      %and3A_52 = arith.andi %ne3A_51, %ne3A_47 : i1
      %add3A_53 = arith.addi %rem3A_45, %select_n3A_44 : i32
      %select_n3A_54 = arith.select %and3A_52, %add3A_53, %rem3A_45 : i32
      %mul3A_55 = arith.constant 64 : i32
      %mul3A_56 = arith.muli %select_n3A_54, %mul3A_55 : i32
      %dma_wait3A = tpu.memref_slice %arg8[%select_n3A, %mul3A_56] : memref<80x128xi32, #tpu.memory_space<vmem>> -> memref<1x64xi32, #tpu.memory_space<vmem>>
      %dma_wait3A_57 = tpu.memref_squeeze %dma_wait3A : memref<1x64xi32, #tpu.memory_space<vmem>> -> memref<64xi32, #tpu.memory_space<vmem>>
      %dma_wait3A_58 = arith.constant 0 : i32
      %dma_wait3A_59 = arith.constant 0 : i32
      %dma_wait3A_60 = tpu.memref_slice %arg2[%dma_wait3A_58, %dma_wait3A_59] : memref<10000x128xf32, #tpu.memory_space<hbm>> -> memref<10000x128xf32, #tpu.memory_space<hbm>>
      tpu.wait_indirect_dma semaphore(%arg12 : memref<!tpu.dma_semaphore, #tpu.memory_space<semaphore_mem>>) src(%dma_wait3A_60 : memref<10000x128xf32, #tpu.memory_space<hbm>>) dst(%arg10 : memref<64x128xf32, #tpu.memory_space<vmem>>)
      "tpu.region"() ({
        %run_scoped3A = tpu.sem_alloc : memref<!tpu.dma_semaphore, #tpu.memory_space<semaphore_mem>>
        %dma_start3A_122 = arith.constant 0 : i32
        %dma_start3A_123 = tpu.memref_slice %arg9[%add3A_24, %dma_start3A_122] : memref<160x64xi32, #tpu.memory_space<vmem>> -> memref<1x64xi32, #tpu.memory_space<vmem>>
        %dma_start3A_124 = tpu.memref_squeeze %dma_start3A_123 : memref<1x64xi32, #tpu.memory_space<vmem>> -> memref<64xi32, #tpu.memory_space<vmem>>
        %dma_start3A_125 = arith.constant 0 : i32
        %dma_start3A_126 = arith.constant 0 : i32
        %dma_start3A_127 = tpu.memref_slice %arg7[%dma_start3A_125, %dma_start3A_126] : memref<10112x128xf32, #tpu.memory_space<vmem_shared>> -> memref<10112x128xf32, #tpu.memory_space<vmem_shared>>
        tpu.enqueue_indirect_dma source(%arg10 : memref<64x128xf32, #tpu.memory_space<vmem>>) target(%dma_start3A_127 : memref<10112x128xf32, #tpu.memory_space<vmem_shared>>) offsets(%dma_start3A_124 : memref<64xi32, #tpu.memory_space<vmem>>) semaphore(%run_scoped3A : memref<!tpu.dma_semaphore, #tpu.memory_space<semaphore_mem>>) {add = true}
        %dma_wait3A_128 = arith.constant 0 : i32
        %dma_wait3A_129 = tpu.memref_slice %arg9[%add3A_24, %dma_wait3A_128] : memref<160x64xi32, #tpu.memory_space<vmem>> -> memref<1x64xi32, #tpu.memory_space<vmem>>
        %dma_wait3A_130 = tpu.memref_squeeze %dma_wait3A_129 : memref<1x64xi32, #tpu.memory_space<vmem>> -> memref<64xi32, #tpu.memory_space<vmem>>
        %dma_wait3A_131 = arith.constant 0 : i32
        %dma_wait3A_132 = arith.constant 0 : i32
        %dma_wait3A_133 = tpu.memref_slice %arg7[%dma_wait3A_131, %dma_wait3A_132] : memref<10112x128xf32, #tpu.memory_space<vmem_shared>> -> memref<10112x128xf32, #tpu.memory_space<vmem_shared>>
        tpu.wait_indirect_dma semaphore(%run_scoped3A : memref<!tpu.dma_semaphore, #tpu.memory_space<semaphore_mem>>) src(%arg10 : memref<64x128xf32, #tpu.memory_space<vmem>>) dst(%dma_wait3A_133 : memref<10112x128xf32, #tpu.memory_space<vmem_shared>>)
        tpu.yield
      }) : () -> ()
      %add3A_61 = arith.constant 2 : i32
      %add3A_62 = arith.addi %add3A_24, %add3A_61 : i32
      %lt3A_63 = arith.constant 160 : i32
      %lt3A_64 = arith.cmpi slt, %add3A_62, %lt3A_63 : i32
      %convert_element_type3A = arith.extui %lt3A_64 : i1 to i32
      %cond3A = arith.constant 0 : i32
      %cond3A_65 = arith.cmpi ne, %convert_element_type3A, %cond3A : i32
      scf.if %cond3A_65 {
        %add3A_122 = arith.constant 2 : i32
        %add3A_123 = arith.addi %add3A_24, %add3A_122 : i32
        %jit3A_124 = arith.constant 2 : i32
        %div3A_125 = arith.divsi %add3A_123, %jit3A_124 : i32
        %sign3A_126 = arith.constant 0 : i32
        %sign3A_127 = arith.cmpi sgt, %add3A_123, %sign3A_126 : i32
        %sign3A_128 = arith.extui %sign3A_127 : i1 to i32
        %sign3A_129 = arith.constant 0 : i32
        %sign3A_130 = arith.cmpi slt, %add3A_123, %sign3A_129 : i32
        %sign3A_131 = arith.extui %sign3A_130 : i1 to i32
        %sign3A_132 = arith.subi %sign3A_128, %sign3A_131 : i32
        %sign3A_133 = arith.constant 0 : i32
        %sign3A_134 = arith.cmpi sgt, %jit3A_124, %sign3A_133 : i32
        %sign3A_135 = arith.extui %sign3A_134 : i1 to i32
        %sign3A_136 = arith.constant 0 : i32
        %sign3A_137 = arith.cmpi slt, %jit3A_124, %sign3A_136 : i32
        %sign3A_138 = arith.extui %sign3A_137 : i1 to i32
        %sign3A_139 = arith.subi %sign3A_135, %sign3A_138 : i32
        %ne3A_140 = arith.cmpi ne, %sign3A_132, %sign3A_139 : i32
        %rem3A_141 = arith.remsi %add3A_123, %jit3A_124 : i32
        %ne3A_142 = arith.constant 0 : i32
        %ne3A_143 = arith.cmpi ne, %rem3A_141, %ne3A_142 : i32
        %and3A_144 = arith.andi %ne3A_140, %ne3A_143 : i1
        %sub3A_145 = arith.constant 1 : i32
        %sub3A_146 = arith.subi %div3A_125, %sub3A_145 : i32
        %select_n3A_147 = arith.select %and3A_144, %sub3A_146, %div3A_125 : i32
        %jit3A_148 = arith.constant 2 : i32
        %eq3A_149 = arith.constant 0 : i32
        %eq3A_150 = arith.cmpi eq, %jit3A_148, %eq3A_149 : i32
        %jit3A_151 = arith.constant 1 : i32
        %select_n3A_152 = arith.select %eq3A_150, %jit3A_151, %jit3A_148 : i32
        %rem3A_153 = arith.remsi %add3A_123, %select_n3A_152 : i32
        %ne3A_154 = arith.constant 0 : i32
        %ne3A_155 = arith.cmpi ne, %rem3A_153, %ne3A_154 : i32
        %lt3A_156 = arith.constant 0 : i32
        %lt3A_157 = arith.cmpi slt, %rem3A_153, %lt3A_156 : i32
        %lt3A_158 = arith.constant 0 : i32
        %lt3A_159 = arith.cmpi slt, %select_n3A_152, %lt3A_158 : i32
        %ne3A_160 = arith.xori %lt3A_157, %lt3A_159 : i1
        %and3A_161 = arith.andi %ne3A_160, %ne3A_155 : i1
        %add3A_162 = arith.addi %rem3A_153, %select_n3A_152 : i32
        %select_n3A_163 = arith.select %and3A_161, %add3A_162, %rem3A_153 : i32
        %mul3A_164 = arith.constant 64 : i32
        %mul3A_165 = arith.muli %select_n3A_163, %mul3A_164 : i32
        %dma_start3A_166 = tpu.memref_slice %arg8[%select_n3A_147, %mul3A_165] : memref<80x128xi32, #tpu.memory_space<vmem>> -> memref<1x64xi32, #tpu.memory_space<vmem>>
        %dma_start3A_167 = tpu.memref_squeeze %dma_start3A_166 : memref<1x64xi32, #tpu.memory_space<vmem>> -> memref<64xi32, #tpu.memory_space<vmem>>
        %dma_start3A_168 = arith.constant 0 : i32
        %dma_start3A_169 = arith.constant 0 : i32
        %dma_start3A_170 = tpu.memref_slice %arg2[%dma_start3A_168, %dma_start3A_169] : memref<10000x128xf32, #tpu.memory_space<hbm>> -> memref<10000x128xf32, #tpu.memory_space<hbm>>
        tpu.enqueue_indirect_dma source(%dma_start3A_170 : memref<10000x128xf32, #tpu.memory_space<hbm>>) target(%arg10 : memref<64x128xf32, #tpu.memory_space<vmem>>) offsets(%dma_start3A_167 : memref<64xi32, #tpu.memory_space<vmem>>) semaphore(%arg12 : memref<!tpu.dma_semaphore, #tpu.memory_space<semaphore_mem>>)
      } else {
      }
      %add3A_66 = arith.constant 1 : i32
      %add3A_67 = arith.addi %add3A_22, %add3A_66 : i32
      %jit3A_68 = arith.constant 2 : i32
      %div3A_69 = arith.divsi %add3A_67, %jit3A_68 : i32
      %sign3A_70 = arith.constant 0 : i32
      %sign3A_71 = arith.cmpi sgt, %add3A_67, %sign3A_70 : i32
      %sign3A_72 = arith.extui %sign3A_71 : i1 to i32
      %sign3A_73 = arith.constant 0 : i32
      %sign3A_74 = arith.cmpi slt, %add3A_67, %sign3A_73 : i32
      %sign3A_75 = arith.extui %sign3A_74 : i1 to i32
      %sign3A_76 = arith.subi %sign3A_72, %sign3A_75 : i32
      %sign3A_77 = arith.constant 0 : i32
      %sign3A_78 = arith.cmpi sgt, %jit3A_68, %sign3A_77 : i32
      %sign3A_79 = arith.extui %sign3A_78 : i1 to i32
      %sign3A_80 = arith.constant 0 : i32
      %sign3A_81 = arith.cmpi slt, %jit3A_68, %sign3A_80 : i32
      %sign3A_82 = arith.extui %sign3A_81 : i1 to i32
      %sign3A_83 = arith.subi %sign3A_79, %sign3A_82 : i32
      %ne3A_84 = arith.cmpi ne, %sign3A_76, %sign3A_83 : i32
      %rem3A_85 = arith.remsi %add3A_67, %jit3A_68 : i32
      %ne3A_86 = arith.constant 0 : i32
      %ne3A_87 = arith.cmpi ne, %rem3A_85, %ne3A_86 : i32
      %and3A_88 = arith.andi %ne3A_84, %ne3A_87 : i1
      %sub3A_89 = arith.constant 1 : i32
      %sub3A_90 = arith.subi %div3A_69, %sub3A_89 : i32
      %select_n3A_91 = arith.select %and3A_88, %sub3A_90, %div3A_69 : i32
      %jit3A_92 = arith.constant 2 : i32
      %eq3A_93 = arith.constant 0 : i32
      %eq3A_94 = arith.cmpi eq, %jit3A_92, %eq3A_93 : i32
      %jit3A_95 = arith.constant 1 : i32
      %select_n3A_96 = arith.select %eq3A_94, %jit3A_95, %jit3A_92 : i32
      %rem3A_97 = arith.remsi %add3A_67, %select_n3A_96 : i32
      %ne3A_98 = arith.constant 0 : i32
      %ne3A_99 = arith.cmpi ne, %rem3A_97, %ne3A_98 : i32
      %lt3A_100 = arith.constant 0 : i32
      %lt3A_101 = arith.cmpi slt, %rem3A_97, %lt3A_100 : i32
      %lt3A_102 = arith.constant 0 : i32
      %lt3A_103 = arith.cmpi slt, %select_n3A_96, %lt3A_102 : i32
      %ne3A_104 = arith.xori %lt3A_101, %lt3A_103 : i1
      %and3A_105 = arith.andi %ne3A_104, %ne3A_99 : i1
      %add3A_106 = arith.addi %rem3A_97, %select_n3A_96 : i32
      %select_n3A_107 = arith.select %and3A_105, %add3A_106, %rem3A_97 : i32
      %mul3A_108 = arith.constant 64 : i32
      %mul3A_109 = arith.muli %select_n3A_107, %mul3A_108 : i32
      %dma_wait3A_110 = tpu.memref_slice %arg8[%select_n3A_91, %mul3A_109] : memref<80x128xi32, #tpu.memory_space<vmem>> -> memref<1x64xi32, #tpu.memory_space<vmem>>
      %dma_wait3A_111 = tpu.memref_squeeze %dma_wait3A_110 : memref<1x64xi32, #tpu.memory_space<vmem>> -> memref<64xi32, #tpu.memory_space<vmem>>
      %dma_wait3A_112 = arith.constant 0 : i32
      %dma_wait3A_113 = arith.constant 0 : i32
      %dma_wait3A_114 = tpu.memref_slice %arg2[%dma_wait3A_112, %dma_wait3A_113] : memref<10000x128xf32, #tpu.memory_space<hbm>> -> memref<10000x128xf32, #tpu.memory_space<hbm>>
      tpu.wait_indirect_dma semaphore(%arg13 : memref<!tpu.dma_semaphore, #tpu.memory_space<semaphore_mem>>) src(%dma_wait3A_114 : memref<10000x128xf32, #tpu.memory_space<hbm>>) dst(%arg11 : memref<64x128xf32, #tpu.memory_space<vmem>>)
      "tpu.region"() ({
        %run_scoped3A = tpu.sem_alloc : memref<!tpu.dma_semaphore, #tpu.memory_space<semaphore_mem>>
        %dma_start3A_122 = arith.constant 0 : i32
        %dma_start3A_123 = tpu.memref_slice %arg9[%add3A_67, %dma_start3A_122] : memref<160x64xi32, #tpu.memory_space<vmem>> -> memref<1x64xi32, #tpu.memory_space<vmem>>
        %dma_start3A_124 = tpu.memref_squeeze %dma_start3A_123 : memref<1x64xi32, #tpu.memory_space<vmem>> -> memref<64xi32, #tpu.memory_space<vmem>>
        %dma_start3A_125 = arith.constant 0 : i32
        %dma_start3A_126 = arith.constant 0 : i32
        %dma_start3A_127 = tpu.memref_slice %arg7[%dma_start3A_125, %dma_start3A_126] : memref<10112x128xf32, #tpu.memory_space<vmem_shared>> -> memref<10112x128xf32, #tpu.memory_space<vmem_shared>>
        tpu.enqueue_indirect_dma source(%arg11 : memref<64x128xf32, #tpu.memory_space<vmem>>) target(%dma_start3A_127 : memref<10112x128xf32, #tpu.memory_space<vmem_shared>>) offsets(%dma_start3A_124 : memref<64xi32, #tpu.memory_space<vmem>>) semaphore(%run_scoped3A : memref<!tpu.dma_semaphore, #tpu.memory_space<semaphore_mem>>) {add = true}
        %dma_wait3A_128 = arith.constant 0 : i32
        %dma_wait3A_129 = tpu.memref_slice %arg9[%add3A_67, %dma_wait3A_128] : memref<160x64xi32, #tpu.memory_space<vmem>> -> memref<1x64xi32, #tpu.memory_space<vmem>>
        %dma_wait3A_130 = tpu.memref_squeeze %dma_wait3A_129 : memref<1x64xi32, #tpu.memory_space<vmem>> -> memref<64xi32, #tpu.memory_space<vmem>>
        %dma_wait3A_131 = arith.constant 0 : i32
        %dma_wait3A_132 = arith.constant 0 : i32
        %dma_wait3A_133 = tpu.memref_slice %arg7[%dma_wait3A_131, %dma_wait3A_132] : memref<10112x128xf32, #tpu.memory_space<vmem_shared>> -> memref<10112x128xf32, #tpu.memory_space<vmem_shared>>
        tpu.wait_indirect_dma semaphore(%run_scoped3A : memref<!tpu.dma_semaphore, #tpu.memory_space<semaphore_mem>>) src(%arg11 : memref<64x128xf32, #tpu.memory_space<vmem>>) dst(%dma_wait3A_133 : memref<10112x128xf32, #tpu.memory_space<vmem_shared>>)
        tpu.yield
      }) : () -> ()
      %add3A_115 = arith.constant 2 : i32
      %add3A_116 = arith.addi %add3A_67, %add3A_115 : i32
      %lt3A_117 = arith.constant 160 : i32
      %lt3A_118 = arith.cmpi slt, %add3A_116, %lt3A_117 : i32
      %convert_element_type3A_119 = arith.extui %lt3A_118 : i1 to i32
      %cond3A_120 = arith.constant 0 : i32
      %cond3A_121 = arith.cmpi ne, %convert_element_type3A_119, %cond3A_120 : i32
      scf.if %cond3A_121 {
        %add3A_122 = arith.constant 2 : i32
        %add3A_123 = arith.addi %add3A_67, %add3A_122 : i32
        %jit3A_124 = arith.constant 2 : i32
        %div3A_125 = arith.divsi %add3A_123, %jit3A_124 : i32
        %sign3A_126 = arith.constant 0 : i32
        %sign3A_127 = arith.cmpi sgt, %add3A_123, %sign3A_126 : i32
        %sign3A_128 = arith.extui %sign3A_127 : i1 to i32
        %sign3A_129 = arith.constant 0 : i32
        %sign3A_130 = arith.cmpi slt, %add3A_123, %sign3A_129 : i32
        %sign3A_131 = arith.extui %sign3A_130 : i1 to i32
        %sign3A_132 = arith.subi %sign3A_128, %sign3A_131 : i32
        %sign3A_133 = arith.constant 0 : i32
        %sign3A_134 = arith.cmpi sgt, %jit3A_124, %sign3A_133 : i32
        %sign3A_135 = arith.extui %sign3A_134 : i1 to i32
        %sign3A_136 = arith.constant 0 : i32
        %sign3A_137 = arith.cmpi slt, %jit3A_124, %sign3A_136 : i32
        %sign3A_138 = arith.extui %sign3A_137 : i1 to i32
        %sign3A_139 = arith.subi %sign3A_135, %sign3A_138 : i32
        %ne3A_140 = arith.cmpi ne, %sign3A_132, %sign3A_139 : i32
        %rem3A_141 = arith.remsi %add3A_123, %jit3A_124 : i32
        %ne3A_142 = arith.constant 0 : i32
        %ne3A_143 = arith.cmpi ne, %rem3A_141, %ne3A_142 : i32
        %and3A_144 = arith.andi %ne3A_140, %ne3A_143 : i1
        %sub3A_145 = arith.constant 1 : i32
        %sub3A_146 = arith.subi %div3A_125, %sub3A_145 : i32
        %select_n3A_147 = arith.select %and3A_144, %sub3A_146, %div3A_125 : i32
        %jit3A_148 = arith.constant 2 : i32
        %eq3A_149 = arith.constant 0 : i32
        %eq3A_150 = arith.cmpi eq, %jit3A_148, %eq3A_149 : i32
        %jit3A_151 = arith.constant 1 : i32
        %select_n3A_152 = arith.select %eq3A_150, %jit3A_151, %jit3A_148 : i32
        %rem3A_153 = arith.remsi %add3A_123, %select_n3A_152 : i32
        %ne3A_154 = arith.constant 0 : i32
        %ne3A_155 = arith.cmpi ne, %rem3A_153, %ne3A_154 : i32
        %lt3A_156 = arith.constant 0 : i32
        %lt3A_157 = arith.cmpi slt, %rem3A_153, %lt3A_156 : i32
        %lt3A_158 = arith.constant 0 : i32
        %lt3A_159 = arith.cmpi slt, %select_n3A_152, %lt3A_158 : i32
        %ne3A_160 = arith.xori %lt3A_157, %lt3A_159 : i1
        %and3A_161 = arith.andi %ne3A_160, %ne3A_155 : i1
        %add3A_162 = arith.addi %rem3A_153, %select_n3A_152 : i32
        %select_n3A_163 = arith.select %and3A_161, %add3A_162, %rem3A_153 : i32
        %mul3A_164 = arith.constant 64 : i32
        %mul3A_165 = arith.muli %select_n3A_163, %mul3A_164 : i32
        %dma_start3A_166 = tpu.memref_slice %arg8[%select_n3A_147, %mul3A_165] : memref<80x128xi32, #tpu.memory_space<vmem>> -> memref<1x64xi32, #tpu.memory_space<vmem>>
        %dma_start3A_167 = tpu.memref_squeeze %dma_start3A_166 : memref<1x64xi32, #tpu.memory_space<vmem>> -> memref<64xi32, #tpu.memory_space<vmem>>
        %dma_start3A_168 = arith.constant 0 : i32
        %dma_start3A_169 = arith.constant 0 : i32
        %dma_start3A_170 = tpu.memref_slice %arg2[%dma_start3A_168, %dma_start3A_169] : memref<10000x128xf32, #tpu.memory_space<hbm>> -> memref<10000x128xf32, #tpu.memory_space<hbm>>
        tpu.enqueue_indirect_dma source(%dma_start3A_170 : memref<10000x128xf32, #tpu.memory_space<hbm>>) target(%arg11 : memref<64x128xf32, #tpu.memory_space<vmem>>) offsets(%dma_start3A_167 : memref<64xi32, #tpu.memory_space<vmem>>) semaphore(%arg13 : memref<!tpu.dma_semaphore, #tpu.memory_space<semaphore_mem>>)
      } else {
      }
    }
    %scan3A_17 = arith.constant 80 : i32
    %barrier3A_18 = arith.constant 0 : index
    tpu.barrier barrier_id(%barrier3A_18)
    "tpu.region"() ({
      %run_scoped3A = tpu.sem_alloc : memref<!tpu.dma_semaphore, #tpu.memory_space<semaphore_mem>>
      %dma_start3A_19 = arith.constant 0 : i32
      %dma_start3A_20 = tpu.memref_slice %arg6[%arg0, %mul3A_0, %dma_start3A_19] : memref<2x10112x128xf32, #tpu.memory_space<hbm>> -> memref<1x632x128xf32, #tpu.memory_space<hbm>>
      %dma_start3A_21 = tpu.memref_squeeze %dma_start3A_20 : memref<1x632x128xf32, #tpu.memory_space<hbm>> -> memref<632x128xf32, #tpu.memory_space<hbm>>
      %dma_start3A_22 = arith.constant 0 : i32
      %dma_start3A_23 = tpu.memref_slice %arg7[%mul3A_0, %dma_start3A_22] : memref<10112x128xf32, #tpu.memory_space<vmem_shared>> -> memref<632x128xf32, #tpu.memory_space<vmem_shared>>
      tpu.enqueue_dma source(%dma_start3A_23 : memref<632x128xf32, #tpu.memory_space<vmem_shared>>) target(%dma_start3A_21 : memref<632x128xf32, #tpu.memory_space<hbm>>) target_semaphore(%run_scoped3A : memref<!tpu.dma_semaphore, #tpu.memory_space<semaphore_mem>>)
      %dma_wait3A = arith.constant 0 : i32
      %dma_wait3A_24 = tpu.memref_slice %arg6[%arg0, %mul3A_0, %dma_wait3A] : memref<2x10112x128xf32, #tpu.memory_space<hbm>> -> memref<1x632x128xf32, #tpu.memory_space<hbm>>
      %dma_wait3A_25 = tpu.memref_squeeze %dma_wait3A_24 : memref<1x632x128xf32, #tpu.memory_space<hbm>> -> memref<632x128xf32, #tpu.memory_space<hbm>>
      %dma_wait3A_26 = arith.constant 0 : i32
      %dma_wait3A_27 = tpu.memref_slice %arg7[%mul3A_0, %dma_wait3A_26] : memref<10112x128xf32, #tpu.memory_space<vmem_shared>> -> memref<632x128xf32, #tpu.memory_space<vmem_shared>>
      tpu.wait_dma2 semaphore(%run_scoped3A : memref<!tpu.dma_semaphore, #tpu.memory_space<semaphore_mem>>) src(%dma_wait3A_27 : memref<632x128xf32, #tpu.memory_space<vmem_shared>>) dst(%dma_wait3A_25 : memref<632x128xf32, #tpu.memory_space<hbm>>)
      tpu.yield
    }) : () -> ()
    return
  }
}

#map = affine_map<(d0, d1) -> (0, 0)>
#map1 = affine_map<(d0, d1) -> (0, 0, 0, 0)>
#map2 = affine_map<(d0, d1) -> (0, 0, 0)>
module attributes {stable_mosaic.version = 14 : i64} {
  func.func @_sc_agg_body(%arg0: i32, %arg1: i32, %arg2: memref<10000x128xf32, #tpu.memory_space<hbm>>, %arg3: memref<2x16x80x128xi32, #tpu.memory_space<hbm>>, %arg4: memref<2x16x160x64xi32, #tpu.memory_space<hbm>>, %arg5: memref<10112x128xf32, #tpu.memory_space<hbm>>, %arg6: memref<2x10112x128xf32, #tpu.memory_space<hbm>>, %arg7: memref<10112x128xf32, #tpu.memory_space<vmem_shared>>, %arg8: memref<80x128xi32, #tpu.memory_space<vmem>>, %arg9: memref<160x64xi32, #tpu.memory_space<vmem>>, %arg10: memref<64x128xf32, #tpu.memory_space<vmem>>, %arg11: memref<64x128xf32, #tpu.memory_space<vmem>>, %arg12: memref<!tpu.dma_semaphore, #tpu.memory_space<semaphore_mem>>, %arg13: memref<!tpu.dma_semaphore, #tpu.memory_space<semaphore_mem>>) attributes {dimension_semantics = [#tpu.dimension_semantics<core_parallel>, #tpu.dimension_semantics<subcore_parallel>], iteration_bounds = array<i64: 2, 16>, scalar_prefetch = 0 : i64, scratch_operands = 7 : i64, tpu.core_type = #tpu.core_type<sc_vector_subcore>, window_params = [{transform_indices = #map}, {transform_indices = #map1}, {transform_indices = #map1}, {transform_indices = #map}, {transform_indices = #map2}]} {
    %mul3A = arith.constant 632 : i32
    %mul3A_0 = arith.muli %arg1, %mul3A : i32
    "tpu.region"() ({
      %run_scoped3A = tpu.sem_alloc : memref<!tpu.dma_semaphore, #tpu.memory_space<semaphore_mem>>
      %dma_start3A_19 = arith.constant 0 : i32
      %dma_start3A_20 = tpu.memref_slice %arg7[%mul3A_0, %dma_start3A_19] : memref<10112x128xf32, #tpu.memory_space<vmem_shared>> -> memref<632x128xf32, #tpu.memory_space<vmem_shared>>
      %dma_start3A_21 = arith.constant 0 : i32
      %dma_start3A_22 = tpu.memref_slice %arg5[%mul3A_0, %dma_start3A_21] : memref<10112x128xf32, #tpu.memory_space<hbm>> -> memref<632x128xf32, #tpu.memory_space<hbm>>
      tpu.enqueue_dma source(%dma_start3A_22 : memref<632x128xf32, #tpu.memory_space<hbm>>) target(%dma_start3A_20 : memref<632x128xf32, #tpu.memory_space<vmem_shared>>) target_semaphore(%run_scoped3A : memref<!tpu.dma_semaphore, #tpu.memory_space<semaphore_mem>>)
      %dma_wait3A = arith.constant 0 : i32
      %dma_wait3A_23 = tpu.memref_slice %arg7[%mul3A_0, %dma_wait3A] : memref<10112x128xf32, #tpu.memory_space<vmem_shared>> -> memref<632x128xf32, #tpu.memory_space<vmem_shared>>
      %dma_wait3A_24 = arith.constant 0 : i32
      %dma_wait3A_25 = tpu.memref_slice %arg5[%mul3A_0, %dma_wait3A_24] : memref<10112x128xf32, #tpu.memory_space<hbm>> -> memref<632x128xf32, #tpu.memory_space<hbm>>
      tpu.wait_dma2 semaphore(%run_scoped3A : memref<!tpu.dma_semaphore, #tpu.memory_space<semaphore_mem>>) src(%dma_wait3A_25 : memref<632x128xf32, #tpu.memory_space<hbm>>) dst(%dma_wait3A_23 : memref<632x128xf32, #tpu.memory_space<vmem_shared>>)
      tpu.yield
    }) : () -> ()
    "tpu.region"() ({
      %run_scoped3A = tpu.sem_alloc : memref<!tpu.dma_semaphore, #tpu.memory_space<semaphore_mem>>
      %dma_start3A_19 = arith.constant 0 : i32
      %dma_start3A_20 = arith.constant 0 : i32
      %dma_start3A_21 = tpu.memref_slice %arg3[%arg0, %arg1, %dma_start3A_19, %dma_start3A_20] : memref<2x16x80x128xi32, #tpu.memory_space<hbm>> -> memref<1x1x80x128xi32, #tpu.memory_space<hbm>>
      %dma_start3A_22 = tpu.memref_squeeze %dma_start3A_21 : memref<1x1x80x128xi32, #tpu.memory_space<hbm>> -> memref<80x128xi32, #tpu.memory_space<hbm>>
      %dma_start3A_23 = arith.constant 0 : i32
      %dma_start3A_24 = arith.constant 0 : i32
      %dma_start3A_25 = tpu.memref_slice %arg3[%arg0, %arg1, %dma_start3A_23, %dma_start3A_24] : memref<2x16x80x128xi32, #tpu.memory_space<hbm>> -> memref<1x1x80x128xi32, #tpu.memory_space<hbm>>
      %dma_start3A_26 = tpu.memref_squeeze %dma_start3A_25 : memref<1x1x80x128xi32, #tpu.memory_space<hbm>> -> memref<80x128xi32, #tpu.memory_space<hbm>>
      tpu.enqueue_dma source(%dma_start3A_26 : memref<80x128xi32, #tpu.memory_space<hbm>>) target(%arg8 : memref<80x128xi32, #tpu.memory_space<vmem>>) target_semaphore(%run_scoped3A : memref<!tpu.dma_semaphore, #tpu.memory_space<semaphore_mem>>)
      %dma_wait3A = arith.constant 0 : i32
      %dma_wait3A_27 = arith.constant 0 : i32
      %dma_wait3A_28 = tpu.memref_slice %arg3[%arg0, %arg1, %dma_wait3A, %dma_wait3A_27] : memref<2x16x80x128xi32, #tpu.memory_space<hbm>> -> memref<1x1x80x128xi32, #tpu.memory_space<hbm>>
      %dma_wait3A_29 = tpu.memref_squeeze %dma_wait3A_28 : memref<1x1x80x128xi32, #tpu.memory_space<hbm>> -> memref<80x128xi32, #tpu.memory_space<hbm>>
      %dma_wait3A_30 = arith.constant 0 : i32
      %dma_wait3A_31 = arith.constant 0 : i32
      %dma_wait3A_32 = tpu.memref_slice %arg3[%arg0, %arg1, %dma_wait3A_30, %dma_wait3A_31] : memref<2x16x80x128xi32, #tpu.memory_space<hbm>> -> memref<1x1x80x128xi32, #tpu.memory_space<hbm>>
      %dma_wait3A_33 = tpu.memref_squeeze %dma_wait3A_32 : memref<1x1x80x128xi32, #tpu.memory_space<hbm>> -> memref<80x128xi32, #tpu.memory_space<hbm>>
      tpu.wait_dma2 semaphore(%run_scoped3A : memref<!tpu.dma_semaphore, #tpu.memory_space<semaphore_mem>>) src(%dma_wait3A_33 : memref<80x128xi32, #tpu.memory_space<hbm>>) dst(%arg8 : memref<80x128xi32, #tpu.memory_space<vmem>>)
      tpu.yield
    }) : () -> ()
    "tpu.region"() ({
      %run_scoped3A = tpu.sem_alloc : memref<!tpu.dma_semaphore, #tpu.memory_space<semaphore_mem>>
      %dma_start3A_19 = arith.constant 0 : i32
      %dma_start3A_20 = arith.constant 0 : i32
      %dma_start3A_21 = tpu.memref_slice %arg4[%arg0, %arg1, %dma_start3A_19, %dma_start3A_20] : memref<2x16x160x64xi32, #tpu.memory_space<hbm>> -> memref<1x1x160x64xi32, #tpu.memory_space<hbm>>
      %dma_start3A_22 = tpu.memref_squeeze %dma_start3A_21 : memref<1x1x160x64xi32, #tpu.memory_space<hbm>> -> memref<160x64xi32, #tpu.memory_space<hbm>>
      %dma_start3A_23 = arith.constant 0 : i32
      %dma_start3A_24 = arith.constant 0 : i32
      %dma_start3A_25 = tpu.memref_slice %arg4[%arg0, %arg1, %dma_start3A_23, %dma_start3A_24] : memref<2x16x160x64xi32, #tpu.memory_space<hbm>> -> memref<1x1x160x64xi32, #tpu.memory_space<hbm>>
      %dma_start3A_26 = tpu.memref_squeeze %dma_start3A_25 : memref<1x1x160x64xi32, #tpu.memory_space<hbm>> -> memref<160x64xi32, #tpu.memory_space<hbm>>
      tpu.enqueue_dma source(%dma_start3A_26 : memref<160x64xi32, #tpu.memory_space<hbm>>) target(%arg9 : memref<160x64xi32, #tpu.memory_space<vmem>>) target_semaphore(%run_scoped3A : memref<!tpu.dma_semaphore, #tpu.memory_space<semaphore_mem>>)
      %dma_wait3A = arith.constant 0 : i32
      %dma_wait3A_27 = arith.constant 0 : i32
      %dma_wait3A_28 = tpu.memref_slice %arg4[%arg0, %arg1, %dma_wait3A, %dma_wait3A_27] : memref<2x16x160x64xi32, #tpu.memory_space<hbm>> -> memref<1x1x160x64xi32, #tpu.memory_space<hbm>>
      %dma_wait3A_29 = tpu.memref_squeeze %dma_wait3A_28 : memref<1x1x160x64xi32, #tpu.memory_space<hbm>> -> memref<160x64xi32, #tpu.memory_space<hbm>>
      %dma_wait3A_30 = arith.constant 0 : i32
      %dma_wait3A_31 = arith.constant 0 : i32
      %dma_wait3A_32 = tpu.memref_slice %arg4[%arg0, %arg1, %dma_wait3A_30, %dma_wait3A_31] : memref<2x16x160x64xi32, #tpu.memory_space<hbm>> -> memref<1x1x160x64xi32, #tpu.memory_space<hbm>>
      %dma_wait3A_33 = tpu.memref_squeeze %dma_wait3A_32 : memref<1x1x160x64xi32, #tpu.memory_space<hbm>> -> memref<160x64xi32, #tpu.memory_space<hbm>>
      tpu.wait_dma2 semaphore(%run_scoped3A : memref<!tpu.dma_semaphore, #tpu.memory_space<semaphore_mem>>) src(%dma_wait3A_33 : memref<160x64xi32, #tpu.memory_space<hbm>>) dst(%arg9 : memref<160x64xi32, #tpu.memory_space<vmem>>)
      tpu.yield
    }) : () -> ()
    %barrier3A = arith.constant 0 : index
    tpu.barrier barrier_id(%barrier3A)
    %dma_start3A = arith.constant 0 : i32
    %dma_start3A_1 = arith.constant 0 : i32
    %dma_start3A_2 = tpu.memref_slice %arg8[%dma_start3A, %dma_start3A_1] : memref<80x128xi32, #tpu.memory_space<vmem>> -> memref<1x64xi32, #tpu.memory_space<vmem>>
    %dma_start3A_3 = tpu.memref_squeeze %dma_start3A_2 : memref<1x64xi32, #tpu.memory_space<vmem>> -> memref<64xi32, #tpu.memory_space<vmem>>
    %dma_start3A_4 = arith.constant 0 : i32
    %dma_start3A_5 = arith.constant 0 : i32
    %dma_start3A_6 = tpu.memref_slice %arg2[%dma_start3A_4, %dma_start3A_5] : memref<10000x128xf32, #tpu.memory_space<hbm>> -> memref<10000x128xf32, #tpu.memory_space<hbm>>
    tpu.enqueue_indirect_dma source(%dma_start3A_6 : memref<10000x128xf32, #tpu.memory_space<hbm>>) target(%arg10 : memref<64x128xf32, #tpu.memory_space<vmem>>) offsets(%dma_start3A_3 : memref<64xi32, #tpu.memory_space<vmem>>) semaphore(%arg12 : memref<!tpu.dma_semaphore, #tpu.memory_space<semaphore_mem>>)
    %dma_start3A_7 = arith.constant 0 : i32
    %dma_start3A_8 = arith.constant 64 : i32
    %dma_start3A_9 = tpu.memref_slice %arg8[%dma_start3A_7, %dma_start3A_8] : memref<80x128xi32, #tpu.memory_space<vmem>> -> memref<1x64xi32, #tpu.memory_space<vmem>>
    %dma_start3A_10 = tpu.memref_squeeze %dma_start3A_9 : memref<1x64xi32, #tpu.memory_space<vmem>> -> memref<64xi32, #tpu.memory_space<vmem>>
    %dma_start3A_11 = arith.constant 0 : i32
    %dma_start3A_12 = arith.constant 0 : i32
    %dma_start3A_13 = tpu.memref_slice %arg2[%dma_start3A_11, %dma_start3A_12] : memref<10000x128xf32, #tpu.memory_space<hbm>> -> memref<10000x128xf32, #tpu.memory_space<hbm>>
    tpu.enqueue_indirect_dma source(%dma_start3A_13 : memref<10000x128xf32, #tpu.memory_space<hbm>>) target(%arg11 : memref<64x128xf32, #tpu.memory_space<vmem>>) offsets(%dma_start3A_10 : memref<64xi32, #tpu.memory_space<vmem>>) semaphore(%arg13 : memref<!tpu.dma_semaphore, #tpu.memory_space<semaphore_mem>>)
    %scan3A = arith.constant 0 : i32
    %scan3A_14 = arith.constant 80 : i32
    %scan3A_15 = arith.addi %scan3A, %scan3A_14 : i32
    %scan3A_16 = arith.constant 1 : i32
    scf.for %scan3A_19 = %scan3A to %scan3A_15 step %scan3A_16  : i32 {
      %mul3A_20 = arith.constant 2 : i32
      %mul3A_21 = arith.muli %scan3A_19, %mul3A_20 : i32
      %add3A = arith.constant 0 : i32
      %add3A_22 = arith.addi %add3A, %mul3A_21 : i32
      %add3A_23 = arith.constant 0 : i32
      %add3A_24 = arith.addi %add3A_22, %add3A_23 : i32
      %jit3A = arith.constant 2 : i32
      %div3A = arith.divsi %add3A_24, %jit3A : i32
      %sign3A = arith.constant 0 : i32
      %sign3A_25 = arith.cmpi sgt, %add3A_24, %sign3A : i32
      %sign3A_26 = arith.extui %sign3A_25 : i1 to i32
      %sign3A_27 = arith.constant 0 : i32
      %sign3A_28 = arith.cmpi slt, %add3A_24, %sign3A_27 : i32
      %sign3A_29 = arith.extui %sign3A_28 : i1 to i32
      %sign3A_30 = arith.subi %sign3A_26, %sign3A_29 : i32
      %sign3A_31 = arith.constant 0 : i32
      %sign3A_32 = arith.cmpi sgt, %jit3A, %sign3A_31 : i32
      %sign3A_33 = arith.extui %sign3A_32 : i1 to i32
      %sign3A_34 = arith.constant 0 : i32
      %sign3A_35 = arith.cmpi slt, %jit3A, %sign3A_34 : i32
      %sign3A_36 = arith.extui %sign3A_35 : i1 to i32
      %sign3A_37 = arith.subi %sign3A_33, %sign3A_36 : i32
      %ne3A = arith.cmpi ne, %sign3A_30, %sign3A_37 : i32
      %rem3A = arith.remsi %add3A_24, %jit3A : i32
      %ne3A_38 = arith.constant 0 : i32
      %ne3A_39 = arith.cmpi ne, %rem3A, %ne3A_38 : i32
      %and3A = arith.andi %ne3A, %ne3A_39 : i1
      %sub3A = arith.constant 1 : i32
      %sub3A_40 = arith.subi %div3A, %sub3A : i32
      %select_n3A = arith.select %and3A, %sub3A_40, %div3A : i32
      %jit3A_41 = arith.constant 2 : i32
      %eq3A = arith.constant 0 : i32
      %eq3A_42 = arith.cmpi eq, %jit3A_41, %eq3A : i32
      %jit3A_43 = arith.constant 1 : i32
      %select_n3A_44 = arith.select %eq3A_42, %jit3A_43, %jit3A_41 : i32
      %rem3A_45 = arith.remsi %add3A_24, %select_n3A_44 : i32
      %ne3A_46 = arith.constant 0 : i32
      %ne3A_47 = arith.cmpi ne, %rem3A_45, %ne3A_46 : i32
      %lt3A = arith.constant 0 : i32
      %lt3A_48 = arith.cmpi slt, %rem3A_45, %lt3A : i32
      %lt3A_49 = arith.constant 0 : i32
      %lt3A_50 = arith.cmpi slt, %select_n3A_44, %lt3A_49 : i32
      %ne3A_51 = arith.xori %lt3A_48, %lt3A_50 : i1
      %and3A_52 = arith.andi %ne3A_51, %ne3A_47 : i1
      %add3A_53 = arith.addi %rem3A_45, %select_n3A_44 : i32
      %select_n3A_54 = arith.select %and3A_52, %add3A_53, %rem3A_45 : i32
      %mul3A_55 = arith.constant 64 : i32
      %mul3A_56 = arith.muli %select_n3A_54, %mul3A_55 : i32
      %dma_wait3A = tpu.memref_slice %arg8[%select_n3A, %mul3A_56] : memref<80x128xi32, #tpu.memory_space<vmem>> -> memref<1x64xi32, #tpu.memory_space<vmem>>
      %dma_wait3A_57 = tpu.memref_squeeze %dma_wait3A : memref<1x64xi32, #tpu.memory_space<vmem>> -> memref<64xi32, #tpu.memory_space<vmem>>
      %dma_wait3A_58 = arith.constant 0 : i32
      %dma_wait3A_59 = arith.constant 0 : i32
      %dma_wait3A_60 = tpu.memref_slice %arg2[%dma_wait3A_58, %dma_wait3A_59] : memref<10000x128xf32, #tpu.memory_space<hbm>> -> memref<10000x128xf32, #tpu.memory_space<hbm>>
      tpu.wait_indirect_dma semaphore(%arg12 : memref<!tpu.dma_semaphore, #tpu.memory_space<semaphore_mem>>) src(%dma_wait3A_60 : memref<10000x128xf32, #tpu.memory_space<hbm>>) dst(%arg10 : memref<64x128xf32, #tpu.memory_space<vmem>>)
      "tpu.region"() ({
        %run_scoped3A = tpu.sem_alloc : memref<!tpu.dma_semaphore, #tpu.memory_space<semaphore_mem>>
        %dma_start3A_122 = arith.constant 0 : i32
        %dma_start3A_123 = tpu.memref_slice %arg9[%add3A_24, %dma_start3A_122] : memref<160x64xi32, #tpu.memory_space<vmem>> -> memref<1x64xi32, #tpu.memory_space<vmem>>
        %dma_start3A_124 = tpu.memref_squeeze %dma_start3A_123 : memref<1x64xi32, #tpu.memory_space<vmem>> -> memref<64xi32, #tpu.memory_space<vmem>>
        %dma_start3A_125 = arith.constant 0 : i32
        %dma_start3A_126 = arith.constant 0 : i32
        %dma_start3A_127 = tpu.memref_slice %arg7[%dma_start3A_125, %dma_start3A_126] : memref<10112x128xf32, #tpu.memory_space<vmem_shared>> -> memref<10112x128xf32, #tpu.memory_space<vmem_shared>>
        tpu.enqueue_indirect_dma source(%arg10 : memref<64x128xf32, #tpu.memory_space<vmem>>) target(%dma_start3A_127 : memref<10112x128xf32, #tpu.memory_space<vmem_shared>>) offsets(%dma_start3A_124 : memref<64xi32, #tpu.memory_space<vmem>>) semaphore(%run_scoped3A : memref<!tpu.dma_semaphore, #tpu.memory_space<semaphore_mem>>) {add = true}
        %dma_wait3A_128 = arith.constant 0 : i32
        %dma_wait3A_129 = tpu.memref_slice %arg9[%add3A_24, %dma_wait3A_128] : memref<160x64xi32, #tpu.memory_space<vmem>> -> memref<1x64xi32, #tpu.memory_space<vmem>>
        %dma_wait3A_130 = tpu.memref_squeeze %dma_wait3A_129 : memref<1x64xi32, #tpu.memory_space<vmem>> -> memref<64xi32, #tpu.memory_space<vmem>>
        %dma_wait3A_131 = arith.constant 0 : i32
        %dma_wait3A_132 = arith.constant 0 : i32
        %dma_wait3A_133 = tpu.memref_slice %arg7[%dma_wait3A_131, %dma_wait3A_132] : memref<10112x128xf32, #tpu.memory_space<vmem_shared>> -> memref<10112x128xf32, #tpu.memory_space<vmem_shared>>
        tpu.wait_indirect_dma semaphore(%run_scoped3A : memref<!tpu.dma_semaphore, #tpu.memory_space<semaphore_mem>>) src(%arg10 : memref<64x128xf32, #tpu.memory_space<vmem>>) dst(%dma_wait3A_133 : memref<10112x128xf32, #tpu.memory_space<vmem_shared>>)
        tpu.yield
      }) : () -> ()
      %add3A_61 = arith.constant 2 : i32
      %add3A_62 = arith.addi %add3A_24, %add3A_61 : i32
      %lt3A_63 = arith.constant 160 : i32
      %lt3A_64 = arith.cmpi slt, %add3A_62, %lt3A_63 : i32
      %convert_element_type3A = arith.extui %lt3A_64 : i1 to i32
      %cond3A = arith.constant 0 : i32
      %cond3A_65 = arith.cmpi ne, %convert_element_type3A, %cond3A : i32
      scf.if %cond3A_65 {
        %add3A_122 = arith.constant 2 : i32
        %add3A_123 = arith.addi %add3A_24, %add3A_122 : i32
        %jit3A_124 = arith.constant 2 : i32
        %div3A_125 = arith.divsi %add3A_123, %jit3A_124 : i32
        %sign3A_126 = arith.constant 0 : i32
        %sign3A_127 = arith.cmpi sgt, %add3A_123, %sign3A_126 : i32
        %sign3A_128 = arith.extui %sign3A_127 : i1 to i32
        %sign3A_129 = arith.constant 0 : i32
        %sign3A_130 = arith.cmpi slt, %add3A_123, %sign3A_129 : i32
        %sign3A_131 = arith.extui %sign3A_130 : i1 to i32
        %sign3A_132 = arith.subi %sign3A_128, %sign3A_131 : i32
        %sign3A_133 = arith.constant 0 : i32
        %sign3A_134 = arith.cmpi sgt, %jit3A_124, %sign3A_133 : i32
        %sign3A_135 = arith.extui %sign3A_134 : i1 to i32
        %sign3A_136 = arith.constant 0 : i32
        %sign3A_137 = arith.cmpi slt, %jit3A_124, %sign3A_136 : i32
        %sign3A_138 = arith.extui %sign3A_137 : i1 to i32
        %sign3A_139 = arith.subi %sign3A_135, %sign3A_138 : i32
        %ne3A_140 = arith.cmpi ne, %sign3A_132, %sign3A_139 : i32
        %rem3A_141 = arith.remsi %add3A_123, %jit3A_124 : i32
        %ne3A_142 = arith.constant 0 : i32
        %ne3A_143 = arith.cmpi ne, %rem3A_141, %ne3A_142 : i32
        %and3A_144 = arith.andi %ne3A_140, %ne3A_143 : i1
        %sub3A_145 = arith.constant 1 : i32
        %sub3A_146 = arith.subi %div3A_125, %sub3A_145 : i32
        %select_n3A_147 = arith.select %and3A_144, %sub3A_146, %div3A_125 : i32
        %jit3A_148 = arith.constant 2 : i32
        %eq3A_149 = arith.constant 0 : i32
        %eq3A_150 = arith.cmpi eq, %jit3A_148, %eq3A_149 : i32
        %jit3A_151 = arith.constant 1 : i32
        %select_n3A_152 = arith.select %eq3A_150, %jit3A_151, %jit3A_148 : i32
        %rem3A_153 = arith.remsi %add3A_123, %select_n3A_152 : i32
        %ne3A_154 = arith.constant 0 : i32
        %ne3A_155 = arith.cmpi ne, %rem3A_153, %ne3A_154 : i32
        %lt3A_156 = arith.constant 0 : i32
        %lt3A_157 = arith.cmpi slt, %rem3A_153, %lt3A_156 : i32
        %lt3A_158 = arith.constant 0 : i32
        %lt3A_159 = arith.cmpi slt, %select_n3A_152, %lt3A_158 : i32
        %ne3A_160 = arith.xori %lt3A_157, %lt3A_159 : i1
        %and3A_161 = arith.andi %ne3A_160, %ne3A_155 : i1
        %add3A_162 = arith.addi %rem3A_153, %select_n3A_152 : i32
        %select_n3A_163 = arith.select %and3A_161, %add3A_162, %rem3A_153 : i32
        %mul3A_164 = arith.constant 64 : i32
        %mul3A_165 = arith.muli %select_n3A_163, %mul3A_164 : i32
        %dma_start3A_166 = tpu.memref_slice %arg8[%select_n3A_147, %mul3A_165] : memref<80x128xi32, #tpu.memory_space<vmem>> -> memref<1x64xi32, #tpu.memory_space<vmem>>
        %dma_start3A_167 = tpu.memref_squeeze %dma_start3A_166 : memref<1x64xi32, #tpu.memory_space<vmem>> -> memref<64xi32, #tpu.memory_space<vmem>>
        %dma_start3A_168 = arith.constant 0 : i32
        %dma_start3A_169 = arith.constant 0 : i32
        %dma_start3A_170 = tpu.memref_slice %arg2[%dma_start3A_168, %dma_start3A_169] : memref<10000x128xf32, #tpu.memory_space<hbm>> -> memref<10000x128xf32, #tpu.memory_space<hbm>>
        tpu.enqueue_indirect_dma source(%dma_start3A_170 : memref<10000x128xf32, #tpu.memory_space<hbm>>) target(%arg10 : memref<64x128xf32, #tpu.memory_space<vmem>>) offsets(%dma_start3A_167 : memref<64xi32, #tpu.memory_space<vmem>>) semaphore(%arg12 : memref<!tpu.dma_semaphore, #tpu.memory_space<semaphore_mem>>)
      } else {
      }
      %add3A_66 = arith.constant 1 : i32
      %add3A_67 = arith.addi %add3A_22, %add3A_66 : i32
      %jit3A_68 = arith.constant 2 : i32
      %div3A_69 = arith.divsi %add3A_67, %jit3A_68 : i32
      %sign3A_70 = arith.constant 0 : i32
      %sign3A_71 = arith.cmpi sgt, %add3A_67, %sign3A_70 : i32
      %sign3A_72 = arith.extui %sign3A_71 : i1 to i32
      %sign3A_73 = arith.constant 0 : i32
      %sign3A_74 = arith.cmpi slt, %add3A_67, %sign3A_73 : i32
      %sign3A_75 = arith.extui %sign3A_74 : i1 to i32
      %sign3A_76 = arith.subi %sign3A_72, %sign3A_75 : i32
      %sign3A_77 = arith.constant 0 : i32
      %sign3A_78 = arith.cmpi sgt, %jit3A_68, %sign3A_77 : i32
      %sign3A_79 = arith.extui %sign3A_78 : i1 to i32
      %sign3A_80 = arith.constant 0 : i32
      %sign3A_81 = arith.cmpi slt, %jit3A_68, %sign3A_80 : i32
      %sign3A_82 = arith.extui %sign3A_81 : i1 to i32
      %sign3A_83 = arith.subi %sign3A_79, %sign3A_82 : i32
      %ne3A_84 = arith.cmpi ne, %sign3A_76, %sign3A_83 : i32
      %rem3A_85 = arith.remsi %add3A_67, %jit3A_68 : i32
      %ne3A_86 = arith.constant 0 : i32
      %ne3A_87 = arith.cmpi ne, %rem3A_85, %ne3A_86 : i32
      %and3A_88 = arith.andi %ne3A_84, %ne3A_87 : i1
      %sub3A_89 = arith.constant 1 : i32
      %sub3A_90 = arith.subi %div3A_69, %sub3A_89 : i32
      %select_n3A_91 = arith.select %and3A_88, %sub3A_90, %div3A_69 : i32
      %jit3A_92 = arith.constant 2 : i32
      %eq3A_93 = arith.constant 0 : i32
      %eq3A_94 = arith.cmpi eq, %jit3A_92, %eq3A_93 : i32
      %jit3A_95 = arith.constant 1 : i32
      %select_n3A_96 = arith.select %eq3A_94, %jit3A_95, %jit3A_92 : i32
      %rem3A_97 = arith.remsi %add3A_67, %select_n3A_96 : i32
      %ne3A_98 = arith.constant 0 : i32
      %ne3A_99 = arith.cmpi ne, %rem3A_97, %ne3A_98 : i32
      %lt3A_100 = arith.constant 0 : i32
      %lt3A_101 = arith.cmpi slt, %rem3A_97, %lt3A_100 : i32
      %lt3A_102 = arith.constant 0 : i32
      %lt3A_103 = arith.cmpi slt, %select_n3A_96, %lt3A_102 : i32
      %ne3A_104 = arith.xori %lt3A_101, %lt3A_103 : i1
      %and3A_105 = arith.andi %ne3A_104, %ne3A_99 : i1
      %add3A_106 = arith.addi %rem3A_97, %select_n3A_96 : i32
      %select_n3A_107 = arith.select %and3A_105, %add3A_106, %rem3A_97 : i32
      %mul3A_108 = arith.constant 64 : i32
      %mul3A_109 = arith.muli %select_n3A_107, %mul3A_108 : i32
      %dma_wait3A_110 = tpu.memref_slice %arg8[%select_n3A_91, %mul3A_109] : memref<80x128xi32, #tpu.memory_space<vmem>> -> memref<1x64xi32, #tpu.memory_space<vmem>>
      %dma_wait3A_111 = tpu.memref_squeeze %dma_wait3A_110 : memref<1x64xi32, #tpu.memory_space<vmem>> -> memref<64xi32, #tpu.memory_space<vmem>>
      %dma_wait3A_112 = arith.constant 0 : i32
      %dma_wait3A_113 = arith.constant 0 : i32
      %dma_wait3A_114 = tpu.memref_slice %arg2[%dma_wait3A_112, %dma_wait3A_113] : memref<10000x128xf32, #tpu.memory_space<hbm>> -> memref<10000x128xf32, #tpu.memory_space<hbm>>
      tpu.wait_indirect_dma semaphore(%arg13 : memref<!tpu.dma_semaphore, #tpu.memory_space<semaphore_mem>>) src(%dma_wait3A_114 : memref<10000x128xf32, #tpu.memory_space<hbm>>) dst(%arg11 : memref<64x128xf32, #tpu.memory_space<vmem>>)
      "tpu.region"() ({
        %run_scoped3A = tpu.sem_alloc : memref<!tpu.dma_semaphore, #tpu.memory_space<semaphore_mem>>
        %dma_start3A_122 = arith.constant 0 : i32
        %dma_start3A_123 = tpu.memref_slice %arg9[%add3A_67, %dma_start3A_122] : memref<160x64xi32, #tpu.memory_space<vmem>> -> memref<1x64xi32, #tpu.memory_space<vmem>>
        %dma_start3A_124 = tpu.memref_squeeze %dma_start3A_123 : memref<1x64xi32, #tpu.memory_space<vmem>> -> memref<64xi32, #tpu.memory_space<vmem>>
        %dma_start3A_125 = arith.constant 0 : i32
        %dma_start3A_126 = arith.constant 0 : i32
        %dma_start3A_127 = tpu.memref_slice %arg7[%dma_start3A_125, %dma_start3A_126] : memref<10112x128xf32, #tpu.memory_space<vmem_shared>> -> memref<10112x128xf32, #tpu.memory_space<vmem_shared>>
        tpu.enqueue_indirect_dma source(%arg11 : memref<64x128xf32, #tpu.memory_space<vmem>>) target(%dma_start3A_127 : memref<10112x128xf32, #tpu.memory_space<vmem_shared>>) offsets(%dma_start3A_124 : memref<64xi32, #tpu.memory_space<vmem>>) semaphore(%run_scoped3A : memref<!tpu.dma_semaphore, #tpu.memory_space<semaphore_mem>>) {add = true}
        %dma_wait3A_128 = arith.constant 0 : i32
        %dma_wait3A_129 = tpu.memref_slice %arg9[%add3A_67, %dma_wait3A_128] : memref<160x64xi32, #tpu.memory_space<vmem>> -> memref<1x64xi32, #tpu.memory_space<vmem>>
        %dma_wait3A_130 = tpu.memref_squeeze %dma_wait3A_129 : memref<1x64xi32, #tpu.memory_space<vmem>> -> memref<64xi32, #tpu.memory_space<vmem>>
        %dma_wait3A_131 = arith.constant 0 : i32
        %dma_wait3A_132 = arith.constant 0 : i32
        %dma_wait3A_133 = tpu.memref_slice %arg7[%dma_wait3A_131, %dma_wait3A_132] : memref<10112x128xf32, #tpu.memory_space<vmem_shared>> -> memref<10112x128xf32, #tpu.memory_space<vmem_shared>>
        tpu.wait_indirect_dma semaphore(%run_scoped3A : memref<!tpu.dma_semaphore, #tpu.memory_space<semaphore_mem>>) src(%arg11 : memref<64x128xf32, #tpu.memory_space<vmem>>) dst(%dma_wait3A_133 : memref<10112x128xf32, #tpu.memory_space<vmem_shared>>)
        tpu.yield
      }) : () -> ()
      %add3A_115 = arith.constant 2 : i32
      %add3A_116 = arith.addi %add3A_67, %add3A_115 : i32
      %lt3A_117 = arith.constant 160 : i32
      %lt3A_118 = arith.cmpi slt, %add3A_116, %lt3A_117 : i32
      %convert_element_type3A_119 = arith.extui %lt3A_118 : i1 to i32
      %cond3A_120 = arith.constant 0 : i32
      %cond3A_121 = arith.cmpi ne, %convert_element_type3A_119, %cond3A_120 : i32
      scf.if %cond3A_121 {
        %add3A_122 = arith.constant 2 : i32
        %add3A_123 = arith.addi %add3A_67, %add3A_122 : i32
        %jit3A_124 = arith.constant 2 : i32
        %div3A_125 = arith.divsi %add3A_123, %jit3A_124 : i32
        %sign3A_126 = arith.constant 0 : i32
        %sign3A_127 = arith.cmpi sgt, %add3A_123, %sign3A_126 : i32
        %sign3A_128 = arith.extui %sign3A_127 : i1 to i32
        %sign3A_129 = arith.constant 0 : i32
        %sign3A_130 = arith.cmpi slt, %add3A_123, %sign3A_129 : i32
        %sign3A_131 = arith.extui %sign3A_130 : i1 to i32
        %sign3A_132 = arith.subi %sign3A_128, %sign3A_131 : i32
        %sign3A_133 = arith.constant 0 : i32
        %sign3A_134 = arith.cmpi sgt, %jit3A_124, %sign3A_133 : i32
        %sign3A_135 = arith.extui %sign3A_134 : i1 to i32
        %sign3A_136 = arith.constant 0 : i32
        %sign3A_137 = arith.cmpi slt, %jit3A_124, %sign3A_136 : i32
        %sign3A_138 = arith.extui %sign3A_137 : i1 to i32
        %sign3A_139 = arith.subi %sign3A_135, %sign3A_138 : i32
        %ne3A_140 = arith.cmpi ne, %sign3A_132, %sign3A_139 : i32
        %rem3A_141 = arith.remsi %add3A_123, %jit3A_124 : i32
        %ne3A_142 = arith.constant 0 : i32
        %ne3A_143 = arith.cmpi ne, %rem3A_141, %ne3A_142 : i32
        %and3A_144 = arith.andi %ne3A_140, %ne3A_143 : i1
        %sub3A_145 = arith.constant 1 : i32
        %sub3A_146 = arith.subi %div3A_125, %sub3A_145 : i32
        %select_n3A_147 = arith.select %and3A_144, %sub3A_146, %div3A_125 : i32
        %jit3A_148 = arith.constant 2 : i32
        %eq3A_149 = arith.constant 0 : i32
        %eq3A_150 = arith.cmpi eq, %jit3A_148, %eq3A_149 : i32
        %jit3A_151 = arith.constant 1 : i32
        %select_n3A_152 = arith.select %eq3A_150, %jit3A_151, %jit3A_148 : i32
        %rem3A_153 = arith.remsi %add3A_123, %select_n3A_152 : i32
        %ne3A_154 = arith.constant 0 : i32
        %ne3A_155 = arith.cmpi ne, %rem3A_153, %ne3A_154 : i32
        %lt3A_156 = arith.constant 0 : i32
        %lt3A_157 = arith.cmpi slt, %rem3A_153, %lt3A_156 : i32
        %lt3A_158 = arith.constant 0 : i32
        %lt3A_159 = arith.cmpi slt, %select_n3A_152, %lt3A_158 : i32
        %ne3A_160 = arith.xori %lt3A_157, %lt3A_159 : i1
        %and3A_161 = arith.andi %ne3A_160, %ne3A_155 : i1
        %add3A_162 = arith.addi %rem3A_153, %select_n3A_152 : i32
        %select_n3A_163 = arith.select %and3A_161, %add3A_162, %rem3A_153 : i32
        %mul3A_164 = arith.constant 64 : i32
        %mul3A_165 = arith.muli %select_n3A_163, %mul3A_164 : i32
        %dma_start3A_166 = tpu.memref_slice %arg8[%select_n3A_147, %mul3A_165] : memref<80x128xi32, #tpu.memory_space<vmem>> -> memref<1x64xi32, #tpu.memory_space<vmem>>
        %dma_start3A_167 = tpu.memref_squeeze %dma_start3A_166 : memref<1x64xi32, #tpu.memory_space<vmem>> -> memref<64xi32, #tpu.memory_space<vmem>>
        %dma_start3A_168 = arith.constant 0 : i32
        %dma_start3A_169 = arith.constant 0 : i32
        %dma_start3A_170 = tpu.memref_slice %arg2[%dma_start3A_168, %dma_start3A_169] : memref<10000x128xf32, #tpu.memory_space<hbm>> -> memref<10000x128xf32, #tpu.memory_space<hbm>>
        tpu.enqueue_indirect_dma source(%dma_start3A_170 : memref<10000x128xf32, #tpu.memory_space<hbm>>) target(%arg11 : memref<64x128xf32, #tpu.memory_space<vmem>>) offsets(%dma_start3A_167 : memref<64xi32, #tpu.memory_space<vmem>>) semaphore(%arg13 : memref<!tpu.dma_semaphore, #tpu.memory_space<semaphore_mem>>)
      } else {
      }
    }
    %scan3A_17 = arith.constant 80 : i32
    %barrier3A_18 = arith.constant 0 : index
    tpu.barrier barrier_id(%barrier3A_18)
    "tpu.region"() ({
      %run_scoped3A = tpu.sem_alloc : memref<!tpu.dma_semaphore, #tpu.memory_space<semaphore_mem>>
      %dma_start3A_19 = arith.constant 0 : i32
      %dma_start3A_20 = tpu.memref_slice %arg6[%arg0, %mul3A_0, %dma_start3A_19] : memref<2x10112x128xf32, #tpu.memory_space<hbm>> -> memref<1x632x128xf32, #tpu.memory_space<hbm>>
      %dma_start3A_21 = tpu.memref_squeeze %dma_start3A_20 : memref<1x632x128xf32, #tpu.memory_space<hbm>> -> memref<632x128xf32, #tpu.memory_space<hbm>>
      %dma_start3A_22 = arith.constant 0 : i32
      %dma_start3A_23 = tpu.memref_slice %arg7[%mul3A_0, %dma_start3A_22] : memref<10112x128xf32, #tpu.memory_space<vmem_shared>> -> memref<632x128xf32, #tpu.memory_space<vmem_shared>>
      tpu.enqueue_dma source(%dma_start3A_23 : memref<632x128xf32, #tpu.memory_space<vmem_shared>>) target(%dma_start3A_21 : memref<632x128xf32, #tpu.memory_space<hbm>>) target_semaphore(%run_scoped3A : memref<!tpu.dma_semaphore, #tpu.memory_space<semaphore_mem>>)
      %dma_wait3A = arith.constant 0 : i32
      %dma_wait3A_24 = tpu.memref_slice %arg6[%arg0, %mul3A_0, %dma_wait3A] : memref<2x10112x128xf32, #tpu.memory_space<hbm>> -> memref<1x632x128xf32, #tpu.memory_space<hbm>>
      %dma_wait3A_25 = tpu.memref_squeeze %dma_wait3A_24 : memref<1x632x128xf32, #tpu.memory_space<hbm>> -> memref<632x128xf32, #tpu.memory_space<hbm>>
      %dma_wait3A_26 = arith.constant 0 : i32
      %dma_wait3A_27 = tpu.memref_slice %arg7[%mul3A_0, %dma_wait3A_26] : memref<10112x128xf32, #tpu.memory_space<vmem_shared>> -> memref<632x128xf32, #tpu.memory_space<vmem_shared>>
      tpu.wait_dma2 semaphore(%run_scoped3A : memref<!tpu.dma_semaphore, #tpu.memory_space<semaphore_mem>>) src(%dma_wait3A_27 : memref<632x128xf32, #tpu.memory_space<vmem_shared>>) dst(%dma_wait3A_25 : memref<632x128xf32, #tpu.memory_space<hbm>>)
      tpu.yield
    }) : () -> ()
    return
  }
}

module attributes {stable_mosaic.version = 14 : i64} {
  func.func @_pre_body(%arg0: i32, %arg1: memref<1000x128xf32, #tpu.memory_space<vmem>>, %arg2: memref<2x1000x128xf32, #tpu.memory_space<vmem>>, %arg3: memref<128x128xf32, #tpu.memory_space<vmem>>, %arg4: memref<1x128xf32, #tpu.memory_space<vmem>>, %arg5: memref<128x1xf32, #tpu.memory_space<vmem>>, %arg6: memref<1x1xf32, #tpu.memory_space<vmem>>, %arg7: memref<1x128xf32, #tpu.memory_space<vmem>>, %arg8: memref<1x128xf32, #tpu.memory_space<vmem>>, %arg9: memref<1000x128xf32, #tpu.memory_space<vmem>>, %arg10: memref<1000x128xf32, #tpu.memory_space<vmem>>) attributes {dimension_semantics = [#tpu.dimension_semantics<arbitrary>], iteration_bounds = array<i64: 10>, scalar_prefetch = 0 : i64, scratch_operands = 0 : i64, tpu.core_type = #tpu.core_type<tc>, window_params = [{transform_indices = @transform_0, window_bounds = array<i64: 1000, 128>}, {transform_indices = @transform_1, window_bounds = array<i64: 2, 1000, 128>}, {pipeline_mode = #tpu.pipeline_mode<synchronous>, transform_indices = @transform_2, window_bounds = array<i64: 128, 128>}, {pipeline_mode = #tpu.pipeline_mode<synchronous>, transform_indices = @transform_3, window_bounds = array<i64: 1, 128>}, {pipeline_mode = #tpu.pipeline_mode<synchronous>, transform_indices = @transform_4, window_bounds = array<i64: 128, 1>}, {pipeline_mode = #tpu.pipeline_mode<synchronous>, transform_indices = @transform_5, window_bounds = array<i64: 1, 1>}, {pipeline_mode = #tpu.pipeline_mode<synchronous>, transform_indices = @transform_6, window_bounds = array<i64: 1, 128>}, {pipeline_mode = #tpu.pipeline_mode<synchronous>, transform_indices = @transform_7, window_bounds = array<i64: 1, 128>}, {transform_indices = @transform_8, window_bounds = array<i64: 1000, 128>}, {transform_indices = @transform_9, window_bounds = array<i64: 1000, 128>}]} {
    %get3A = arith.constant 0 : index
    %get3A_0 = arith.constant 0 : index
    %get3A_1 = vector.load %arg1[%get3A, %get3A_0] : memref<1000x128xf32, #tpu.memory_space<vmem>>, vector<1000x128xf32>
    %get3A_2 = arith.constant 0 : index
    %get3A_3 = arith.constant 0 : index
    %get3A_4 = vector.load %arg3[%get3A_2, %get3A_3] : memref<128x128xf32, #tpu.memory_space<vmem>>, vector<128x128xf32>
    %dot_general3A = arith.constant dense<0.000000e+00> : vector<1000x128xf32>
    %dot_general3A_5 = tpu.matmul %get3A_1, %get3A_4, %dot_general3A {dimension_numbers = #tpu.dot_dimension_numbers<[1], [0], [0], [1], [0, 0, 1, 1], [], []>, precision = #tpu.contract_precision<fp32>, transpose_lhs_hint = false} : vector<1000x128xf32>, vector<128x128xf32>, vector<1000x128xf32> -> vector<1000x128xf32>
    %get3A_6 = arith.constant 0 : index
    %get3A_7 = arith.constant 0 : index
    %get3A_8 = vector.load %arg4[%get3A_6, %get3A_7] : memref<1x128xf32, #tpu.memory_space<vmem>>, vector<1x128xf32>
    %add3A = vector.broadcast %get3A_8 : vector<1x128xf32> to vector<1000x128xf32>
    %add3A_9 = arith.addf %dot_general3A_5, %add3A : vector<1000x128xf32>
    %max3A = arith.constant 0.000000e+00 : f32
    %max3A_10 = vector.broadcast %max3A : f32 to vector<1000x128xf32>
    %max3A_11 = arith.maximumf %add3A_9, %max3A_10 : vector<1000x128xf32>
    %get3A_12 = arith.constant 0 : index
    %get3A_13 = arith.constant 0 : index
    %get3A_14 = vector.load %arg5[%get3A_12, %get3A_13] : memref<128x1xf32, #tpu.memory_space<vmem>>, vector<128x1xf32>
    %dot_general3A_15 = arith.constant dense<0.000000e+00> : vector<1000x1xf32>
    %dot_general3A_16 = tpu.matmul %max3A_11, %get3A_14, %dot_general3A_15 {dimension_numbers = #tpu.dot_dimension_numbers<[1], [0], [0], [1], [0, 0, 1, 1], [], []>, precision = #tpu.contract_precision<fp32>, transpose_lhs_hint = false} : vector<1000x128xf32>, vector<128x1xf32>, vector<1000x1xf32> -> vector<1000x1xf32>
    %get3A_17 = arith.constant 0 : index
    %get3A_18 = arith.constant 0 : index
    %get3A_19 = vector.load %arg6[%get3A_17, %get3A_18] : memref<1x1xf32, #tpu.memory_space<vmem>>, vector<1x1xf32>
    %add3A_20 = vector.broadcast %get3A_19 : vector<1x1xf32> to vector<1000x1xf32>
    %add3A_21 = arith.addf %dot_general3A_16, %add3A_20 : vector<1000x1xf32>
    %neg3A = arith.constant 0.000000e+00 : f32
    %neg3A_22 = vector.broadcast %neg3A : f32 to vector<1000x1xf32>
    %neg3A_23 = arith.subf %neg3A_22, %add3A_21 : vector<1000x1xf32>
    %exp3A = math.exp %neg3A_23 : vector<1000x1xf32>
    %add3A_24 = arith.constant 1.000000e+00 : f32
    %add3A_25 = vector.broadcast %add3A_24 : f32 to vector<1000x1xf32>
    %add3A_26 = arith.addf %add3A_25, %exp3A : vector<1000x1xf32>
    %div3A = arith.constant 1.000000e+00 : f32
    %div3A_27 = vector.broadcast %div3A : f32 to vector<1000x1xf32>
    %div3A_28 = arith.divf %div3A_27, %add3A_26 : vector<1000x1xf32>
    %get3A_29 = arith.constant 0 : index
    %get3A_30 = arith.constant 0 : index
    %get3A_31 = vector.load %arg7[%get3A_29, %get3A_30] : memref<1x128xf32, #tpu.memory_space<vmem>>, vector<1x128xf32>
    %add3A_32 = vector.broadcast %get3A_31 : vector<1x128xf32> to vector<1000x128xf32>
    %add3A_33 = arith.addf %get3A_1, %add3A_32 : vector<1000x128xf32>
    %get3A_34 = arith.constant 0 : index
    %get3A_35 = arith.constant 0 : index
    %get3A_36 = vector.load %arg8[%get3A_34, %get3A_35] : memref<1x128xf32, #tpu.memory_space<vmem>>, vector<1x128xf32>
    %mul3A = vector.broadcast %div3A_28 : vector<1000x1xf32> to vector<1000x128xf32>
    %mul3A_37 = vector.broadcast %get3A_36 : vector<1x128xf32> to vector<1000x128xf32>
    %mul3A_38 = arith.mulf %mul3A, %mul3A_37 : vector<1000x128xf32>
    %add3A_39 = arith.addf %add3A_33, %mul3A_38 : vector<1000x128xf32>
    %get3A_40 = arith.constant 0 : index
    %get3A_41 = arith.constant 0 : index
    %get3A_42 = arith.constant 0 : index
    %get3A_43 = vector.load %arg2[%get3A_40, %get3A_41, %get3A_42] : memref<2x1000x128xf32, #tpu.memory_space<vmem>>, vector<1x1000x1xf32>
    %get3A_44 = vector.shape_cast %get3A_43 : vector<1x1000x1xf32> to vector<1000xf32>
    %get3A_45 = arith.constant 1 : index
    %get3A_46 = arith.constant 0 : index
    %get3A_47 = arith.constant 0 : index
    %get3A_48 = vector.load %arg2[%get3A_45, %get3A_46, %get3A_47] : memref<2x1000x128xf32, #tpu.memory_space<vmem>>, vector<1x1000x1xf32>
    %get3A_49 = vector.shape_cast %get3A_48 : vector<1x1000x1xf32> to vector<1000xf32>
    %add3A_50 = arith.addf %get3A_44, %get3A_49 : vector<1000xf32>
    %max3A_51 = arith.constant 1.000000e+00 : f32
    %max3A_52 = vector.broadcast %max3A_51 : f32 to vector<1000xf32>
    %max3A_53 = arith.maximumf %add3A_50, %max3A_52 : vector<1000xf32>
    %rsqrt3A = math.rsqrt %max3A_53 : vector<1000xf32>
    %broadcast_in_dim3A = vector.shape_cast %rsqrt3A : vector<1000xf32> to vector<1000x1xf32>
    %mul3A_54 = vector.broadcast %broadcast_in_dim3A : vector<1000x1xf32> to vector<1000x128xf32>
    %mul3A_55 = arith.mulf %add3A_39, %mul3A_54 : vector<1000x128xf32>
    %swap3A = arith.constant 0 : index
    %swap3A_56 = arith.constant 0 : index
    %swap3A_57 = vector.load %arg9[%swap3A, %swap3A_56] : memref<1000x128xf32, #tpu.memory_space<vmem>>, vector<1000x128xf32>
    tpu.vector_store %arg9[%swap3A, %swap3A_56], %mul3A_55 {strides = array<i32>} : memref<1000x128xf32, #tpu.memory_space<vmem>>, vector<1000x128xf32>,
    %mul3A_58 = arith.constant 5.000000e-01 : f32
    %mul3A_59 = vector.broadcast %mul3A_58 : f32 to vector<1000x128xf32>
    %mul3A_60 = arith.mulf %mul3A_59, %add3A_39 : vector<1000x128xf32>
    %swap3A_61 = arith.constant 0 : index
    %swap3A_62 = arith.constant 0 : index
    %swap3A_63 = vector.load %arg10[%swap3A_61, %swap3A_62] : memref<1000x128xf32, #tpu.memory_space<vmem>>, vector<1000x128xf32>
    tpu.vector_store %arg10[%swap3A_61, %swap3A_62], %mul3A_60 {strides = array<i32>} : memref<1000x128xf32, #tpu.memory_space<vmem>>, vector<1000x128xf32>,
    return
  }
  func.func @transform_0(%arg0: i32) -> (i32, i32) {
    %c0_i32 = arith.constant 0 : i32
    %c0_i32_0 = arith.constant 0 : i32
    return %arg0, %c0_i32 : i32, i32
  }
  func.func @transform_1(%arg0: i32) -> (i32, i32, i32) {
    %c0_i32 = arith.constant 0 : i32
    %c0_i32_0 = arith.constant 0 : i32
    %c0_i32_1 = arith.constant 0 : i32
    return %c0_i32, %arg0, %c0_i32_0 : i32, i32, i32
  }
  func.func @transform_2(%arg0: i32) -> (i32, i32) {
    %c0_i32 = arith.constant 0 : i32
    %c0_i32_0 = arith.constant 0 : i32
    %c0_i32_1 = arith.constant 0 : i32
    return %c0_i32, %c0_i32_0 : i32, i32
  }
  func.func @transform_3(%arg0: i32) -> (i32, i32) {
    %c0_i32 = arith.constant 0 : i32
    %c0_i32_0 = arith.constant 0 : i32
    %c0_i32_1 = arith.constant 0 : i32
    return %c0_i32, %c0_i32_0 : i32, i32
  }
  func.func @transform_4(%arg0: i32) -> (i32, i32) {
    %c0_i32 = arith.constant 0 : i32
    %c0_i32_0 = arith.constant 0 : i32
    %c0_i32_1 = arith.constant 0 : i32
    return %c0_i32, %c0_i32_0 : i32, i32
  }
  func.func @transform_5(%arg0: i32) -> (i32, i32) {
    %c0_i32 = arith.constant 0 : i32
    %c0_i32_0 = arith.constant 0 : i32
    %c0_i32_1 = arith.constant 0 : i32
    return %c0_i32, %c0_i32_0 : i32, i32
  }
  func.func @transform_6(%arg0: i32) -> (i32, i32) {
    %c0_i32 = arith.constant 0 : i32
    %c0_i32_0 = arith.constant 0 : i32
    %c0_i32_1 = arith.constant 0 : i32
    return %c0_i32, %c0_i32_0 : i32, i32
  }
  func.func @transform_7(%arg0: i32) -> (i32, i32) {
    %c0_i32 = arith.constant 0 : i32
    %c0_i32_0 = arith.constant 0 : i32
    %c0_i32_1 = arith.constant 0 : i32
    return %c0_i32, %c0_i32_0 : i32, i32
  }
  func.func @transform_8(%arg0: i32) -> (i32, i32) {
    %c0_i32 = arith.constant 0 : i32
    %c0_i32_0 = arith.constant 0 : i32
    return %arg0, %c0_i32 : i32, i32
  }
  func.func @transform_9(%arg0: i32) -> (i32, i32) {
    %c0_i32 = arith.constant 0 : i32
    %c0_i32_0 = arith.constant 0 : i32
    return %arg0, %c0_i32 : i32, i32
  }
}

module attributes {stable_mosaic.version = 14 : i64} {
  func.func @_upd_body(%arg0: i32, %arg1: memref<1000x128xf32, #tpu.memory_space<vmem>>, %arg2: memref<2x1000x128xf32, #tpu.memory_space<vmem>>, %arg3: memref<2x1000x128xf32, #tpu.memory_space<vmem>>, %arg4: memref<1000x128xf32, #tpu.memory_space<vmem>>, %arg5: memref<1000x128xf32, #tpu.memory_space<vmem>>, %arg6: memref<1000x128xf32, #tpu.memory_space<vmem>>) attributes {dimension_semantics = [#tpu.dimension_semantics<arbitrary>], iteration_bounds = array<i64: 10>, scalar_prefetch = 0 : i64, scratch_operands = 0 : i64, tpu.core_type = #tpu.core_type<tc>, window_params = [{transform_indices = @transform_0, window_bounds = array<i64: 1000, 128>}, {transform_indices = @transform_1, window_bounds = array<i64: 2, 1000, 128>}, {transform_indices = @transform_2, window_bounds = array<i64: 2, 1000, 128>}, {transform_indices = @transform_3, window_bounds = array<i64: 1000, 128>}, {transform_indices = @transform_4, window_bounds = array<i64: 1000, 128>}, {transform_indices = @transform_5, window_bounds = array<i64: 1000, 128>}]} {
    %get3A = arith.constant 0 : index
    %get3A_0 = arith.constant 0 : index
    %get3A_1 = arith.constant 0 : index
    %get3A_2 = vector.load %arg3[%get3A, %get3A_0, %get3A_1] : memref<2x1000x128xf32, #tpu.memory_space<vmem>>, vector<1x1000x1xf32>
    %get3A_3 = vector.shape_cast %get3A_2 : vector<1x1000x1xf32> to vector<1000xf32>
    %get3A_4 = arith.constant 1 : index
    %get3A_5 = arith.constant 0 : index
    %get3A_6 = arith.constant 0 : index
    %get3A_7 = vector.load %arg3[%get3A_4, %get3A_5, %get3A_6] : memref<2x1000x128xf32, #tpu.memory_space<vmem>>, vector<1x1000x1xf32>
    %get3A_8 = vector.shape_cast %get3A_7 : vector<1x1000x1xf32> to vector<1000xf32>
    %add3A = arith.addf %get3A_3, %get3A_8 : vector<1000xf32>
    %max3A = arith.constant 1.000000e+00 : f32
    %max3A_9 = vector.broadcast %max3A : f32 to vector<1000xf32>
    %max3A_10 = arith.maximumf %add3A, %max3A_9 : vector<1000xf32>
    %get3A_11 = arith.constant 0 : index
    %get3A_12 = arith.constant 0 : index
    %get3A_13 = arith.constant 0 : index
    %get3A_14 = vector.load %arg2[%get3A_11, %get3A_12, %get3A_13] : memref<2x1000x128xf32, #tpu.memory_space<vmem>>, vector<1x1000x128xf32>
    %get3A_15 = vector.shape_cast %get3A_14 : vector<1x1000x128xf32> to vector<1000x128xf32>
    %get3A_16 = arith.constant 1 : index
    %get3A_17 = arith.constant 0 : index
    %get3A_18 = arith.constant 0 : index
    %get3A_19 = vector.load %arg2[%get3A_16, %get3A_17, %get3A_18] : memref<2x1000x128xf32, #tpu.memory_space<vmem>>, vector<1x1000x128xf32>
    %get3A_20 = vector.shape_cast %get3A_19 : vector<1x1000x128xf32> to vector<1000x128xf32>
    %add3A_21 = arith.addf %get3A_15, %get3A_20 : vector<1000x128xf32>
    %get3A_22 = arith.constant 0 : index
    %get3A_23 = arith.constant 0 : index
    %get3A_24 = vector.load %arg1[%get3A_22, %get3A_23] : memref<1000x128xf32, #tpu.memory_space<vmem>>, vector<1000x128xf32>
    %div3A = arith.constant 1.000000e+00 : f32
    %div3A_25 = vector.broadcast %div3A : f32 to vector<1000xf32>
    %div3A_26 = arith.divf %div3A_25, %max3A_10 : vector<1000xf32>
    %broadcast_in_dim3A = vector.shape_cast %div3A_26 : vector<1000xf32> to vector<1000x1xf32>
    %mul3A = vector.broadcast %broadcast_in_dim3A : vector<1000x1xf32> to vector<1000x128xf32>
    %mul3A_27 = arith.mulf %add3A_21, %mul3A : vector<1000x128xf32>
    %sub3A = arith.subf %get3A_24, %mul3A_27 : vector<1000x128xf32>
    %swap3A = arith.constant 0 : index
    %swap3A_28 = arith.constant 0 : index
    %swap3A_29 = vector.load %arg5[%swap3A, %swap3A_28] : memref<1000x128xf32, #tpu.memory_space<vmem>>, vector<1000x128xf32>
    tpu.vector_store %arg5[%swap3A, %swap3A_28], %sub3A {strides = array<i32>} : memref<1000x128xf32, #tpu.memory_space<vmem>>, vector<1000x128xf32>,
    %get3A_30 = arith.constant 0 : index
    %get3A_31 = arith.constant 0 : index
    %get3A_32 = vector.load %arg4[%get3A_30, %get3A_31] : memref<1000x128xf32, #tpu.memory_space<vmem>>, vector<1000x128xf32>
    %mul3A_33 = arith.constant 2.500000e-01 : f32
    %mul3A_34 = vector.broadcast %mul3A_33 : f32 to vector<1000x128xf32>
    %mul3A_35 = arith.mulf %mul3A_34, %sub3A : vector<1000x128xf32>
    %sqrt3A = math.sqrt %max3A_10 : vector<1000xf32>
    %broadcast_in_dim3A_36 = vector.shape_cast %sqrt3A : vector<1000xf32> to vector<1000x1xf32>
    %mul3A_37 = vector.broadcast %broadcast_in_dim3A_36 : vector<1000x1xf32> to vector<1000x128xf32>
    %mul3A_38 = arith.mulf %mul3A_35, %mul3A_37 : vector<1000x128xf32>
    %add3A_39 = arith.addf %get3A_32, %mul3A_38 : vector<1000x128xf32>
    %swap3A_40 = arith.constant 0 : index
    %swap3A_41 = arith.constant 0 : index
    %swap3A_42 = vector.load %arg6[%swap3A_40, %swap3A_41] : memref<1000x128xf32, #tpu.memory_space<vmem>>, vector<1000x128xf32>
    tpu.vector_store %arg6[%swap3A_40, %swap3A_41], %add3A_39 {strides = array<i32>} : memref<1000x128xf32, #tpu.memory_space<vmem>>, vector<1000x128xf32>,
    return
  }
  func.func @transform_0(%arg0: i32) -> (i32, i32) {
    %c0_i32 = arith.constant 0 : i32
    %c0_i32_0 = arith.constant 0 : i32
    return %arg0, %c0_i32 : i32, i32
  }
  func.func @transform_1(%arg0: i32) -> (i32, i32, i32) {
    %c0_i32 = arith.constant 0 : i32
    %c0_i32_0 = arith.constant 0 : i32
    %c0_i32_1 = arith.constant 0 : i32
    return %c0_i32, %arg0, %c0_i32_0 : i32, i32, i32
  }
  func.func @transform_2(%arg0: i32) -> (i32, i32, i32) {
    %c0_i32 = arith.constant 0 : i32
    %c0_i32_0 = arith.constant 0 : i32
    %c0_i32_1 = arith.constant 0 : i32
    return %c0_i32, %arg0, %c0_i32_0 : i32, i32, i32
  }
  func.func @transform_3(%arg0: i32) -> (i32, i32) {
    %c0_i32 = arith.constant 0 : i32
    %c0_i32_0 = arith.constant 0 : i32
    return %arg0, %c0_i32 : i32, i32
  }
  func.func @transform_4(%arg0: i32) -> (i32, i32) {
    %c0_i32 = arith.constant 0 : i32
    %c0_i32_0 = arith.constant 0 : i32
    return %arg0, %c0_i32 : i32, i32
  }
  func.func @transform_5(%arg0: i32) -> (i32, i32) {
    %c0_i32 = arith.constant 0 : i32
    %c0_i32_0 = arith.constant 0 : i32
    return %arg0, %c0_i32 : i32, i32
  }
}

module attributes {stable_mosaic.version = 14 : i64} {
  func.func @_upd_body(%arg0: i32, %arg1: memref<1000x128xf32, #tpu.memory_space<vmem>>, %arg2: memref<2x1000x128xf32, #tpu.memory_space<vmem>>, %arg3: memref<2x1000x128xf32, #tpu.memory_space<vmem>>, %arg4: memref<1000x128xf32, #tpu.memory_space<vmem>>, %arg5: memref<1000x128xf32, #tpu.memory_space<vmem>>, %arg6: memref<1000x128xf32, #tpu.memory_space<vmem>>) attributes {dimension_semantics = [#tpu.dimension_semantics<arbitrary>], iteration_bounds = array<i64: 10>, scalar_prefetch = 0 : i64, scratch_operands = 0 : i64, tpu.core_type = #tpu.core_type<tc>, window_params = [{transform_indices = @transform_0, window_bounds = array<i64: 1000, 128>}, {transform_indices = @transform_1, window_bounds = array<i64: 2, 1000, 128>}, {transform_indices = @transform_2, window_bounds = array<i64: 2, 1000, 128>}, {transform_indices = @transform_3, window_bounds = array<i64: 1000, 128>}, {transform_indices = @transform_4, window_bounds = array<i64: 1000, 128>}, {transform_indices = @transform_5, window_bounds = array<i64: 1000, 128>}]} {
    %get3A = arith.constant 0 : index
    %get3A_0 = arith.constant 0 : index
    %get3A_1 = arith.constant 0 : index
    %get3A_2 = vector.load %arg3[%get3A, %get3A_0, %get3A_1] : memref<2x1000x128xf32, #tpu.memory_space<vmem>>, vector<1x1000x1xf32>
    %get3A_3 = vector.shape_cast %get3A_2 : vector<1x1000x1xf32> to vector<1000xf32>
    %get3A_4 = arith.constant 1 : index
    %get3A_5 = arith.constant 0 : index
    %get3A_6 = arith.constant 0 : index
    %get3A_7 = vector.load %arg3[%get3A_4, %get3A_5, %get3A_6] : memref<2x1000x128xf32, #tpu.memory_space<vmem>>, vector<1x1000x1xf32>
    %get3A_8 = vector.shape_cast %get3A_7 : vector<1x1000x1xf32> to vector<1000xf32>
    %add3A = arith.addf %get3A_3, %get3A_8 : vector<1000xf32>
    %max3A = arith.constant 1.000000e+00 : f32
    %max3A_9 = vector.broadcast %max3A : f32 to vector<1000xf32>
    %max3A_10 = arith.maximumf %add3A, %max3A_9 : vector<1000xf32>
    %get3A_11 = arith.constant 0 : index
    %get3A_12 = arith.constant 0 : index
    %get3A_13 = arith.constant 0 : index
    %get3A_14 = vector.load %arg2[%get3A_11, %get3A_12, %get3A_13] : memref<2x1000x128xf32, #tpu.memory_space<vmem>>, vector<1x1000x128xf32>
    %get3A_15 = vector.shape_cast %get3A_14 : vector<1x1000x128xf32> to vector<1000x128xf32>
    %get3A_16 = arith.constant 1 : index
    %get3A_17 = arith.constant 0 : index
    %get3A_18 = arith.constant 0 : index
    %get3A_19 = vector.load %arg2[%get3A_16, %get3A_17, %get3A_18] : memref<2x1000x128xf32, #tpu.memory_space<vmem>>, vector<1x1000x128xf32>
    %get3A_20 = vector.shape_cast %get3A_19 : vector<1x1000x128xf32> to vector<1000x128xf32>
    %add3A_21 = arith.addf %get3A_15, %get3A_20 : vector<1000x128xf32>
    %get3A_22 = arith.constant 0 : index
    %get3A_23 = arith.constant 0 : index
    %get3A_24 = vector.load %arg1[%get3A_22, %get3A_23] : memref<1000x128xf32, #tpu.memory_space<vmem>>, vector<1000x128xf32>
    %div3A = arith.constant 1.000000e+00 : f32
    %div3A_25 = vector.broadcast %div3A : f32 to vector<1000xf32>
    %div3A_26 = arith.divf %div3A_25, %max3A_10 : vector<1000xf32>
    %broadcast_in_dim3A = vector.shape_cast %div3A_26 : vector<1000xf32> to vector<1000x1xf32>
    %mul3A = vector.broadcast %broadcast_in_dim3A : vector<1000x1xf32> to vector<1000x128xf32>
    %mul3A_27 = arith.mulf %add3A_21, %mul3A : vector<1000x128xf32>
    %sub3A = arith.subf %get3A_24, %mul3A_27 : vector<1000x128xf32>
    %swap3A = arith.constant 0 : index
    %swap3A_28 = arith.constant 0 : index
    %swap3A_29 = vector.load %arg5[%swap3A, %swap3A_28] : memref<1000x128xf32, #tpu.memory_space<vmem>>, vector<1000x128xf32>
    tpu.vector_store %arg5[%swap3A, %swap3A_28], %sub3A {strides = array<i32>} : memref<1000x128xf32, #tpu.memory_space<vmem>>, vector<1000x128xf32>,
    %get3A_30 = arith.constant 0 : index
    %get3A_31 = arith.constant 0 : index
    %get3A_32 = vector.load %arg4[%get3A_30, %get3A_31] : memref<1000x128xf32, #tpu.memory_space<vmem>>, vector<1000x128xf32>
    %mul3A_33 = arith.constant 1.250000e-01 : f32
    %mul3A_34 = vector.broadcast %mul3A_33 : f32 to vector<1000x128xf32>
    %mul3A_35 = arith.mulf %mul3A_34, %sub3A : vector<1000x128xf32>
    %sqrt3A = math.sqrt %max3A_10 : vector<1000xf32>
    %broadcast_in_dim3A_36 = vector.shape_cast %sqrt3A : vector<1000xf32> to vector<1000x1xf32>
    %mul3A_37 = vector.broadcast %broadcast_in_dim3A_36 : vector<1000x1xf32> to vector<1000x128xf32>
    %mul3A_38 = arith.mulf %mul3A_35, %mul3A_37 : vector<1000x128xf32>
    %add3A_39 = arith.addf %get3A_32, %mul3A_38 : vector<1000x128xf32>
    %swap3A_40 = arith.constant 0 : index
    %swap3A_41 = arith.constant 0 : index
    %swap3A_42 = vector.load %arg6[%swap3A_40, %swap3A_41] : memref<1000x128xf32, #tpu.memory_space<vmem>>, vector<1000x128xf32>
    tpu.vector_store %arg6[%swap3A_40, %swap3A_41], %add3A_39 {strides = array<i32>} : memref<1000x128xf32, #tpu.memory_space<vmem>>, vector<1000x128xf32>,
    return
  }
  func.func @transform_0(%arg0: i32) -> (i32, i32) {
    %c0_i32 = arith.constant 0 : i32
    %c0_i32_0 = arith.constant 0 : i32
    return %arg0, %c0_i32 : i32, i32
  }
  func.func @transform_1(%arg0: i32) -> (i32, i32, i32) {
    %c0_i32 = arith.constant 0 : i32
    %c0_i32_0 = arith.constant 0 : i32
    %c0_i32_1 = arith.constant 0 : i32
    return %c0_i32, %arg0, %c0_i32_0 : i32, i32, i32
  }
  func.func @transform_2(%arg0: i32) -> (i32, i32, i32) {
    %c0_i32 = arith.constant 0 : i32
    %c0_i32_0 = arith.constant 0 : i32
    %c0_i32_1 = arith.constant 0 : i32
    return %c0_i32, %arg0, %c0_i32_0 : i32, i32, i32
  }
  func.func @transform_3(%arg0: i32) -> (i32, i32) {
    %c0_i32 = arith.constant 0 : i32
    %c0_i32_0 = arith.constant 0 : i32
    return %arg0, %c0_i32 : i32, i32
  }
  func.func @transform_4(%arg0: i32) -> (i32, i32) {
    %c0_i32 = arith.constant 0 : i32
    %c0_i32_0 = arith.constant 0 : i32
    return %arg0, %c0_i32 : i32, i32
  }
  func.func @transform_5(%arg0: i32) -> (i32, i32) {
    %c0_i32 = arith.constant 0 : i32
    %c0_i32_0 = arith.constant 0 : i32
    return %arg0, %c0_i32 : i32, i32
  }
}

module attributes {stable_mosaic.version = 14 : i64} {
  func.func @_fin_body(%arg0: i32, %arg1: memref<1000x128xf32, #tpu.memory_space<vmem>>, %arg2: memref<2x1000x128xf32, #tpu.memory_space<vmem>>, %arg3: memref<2x1000x128xf32, #tpu.memory_space<vmem>>, %arg4: memref<1000x128xf32, #tpu.memory_space<vmem>>, %arg5: memref<1000x128xf32, #tpu.memory_space<vmem>>, %arg6: memref<1000x128xf32, #tpu.memory_space<vmem>>, %arg7: memref<1000x128xf32, #tpu.memory_space<vmem>>, %arg8: memref<128x128xf32, #tpu.memory_space<vmem>>, %arg9: memref<128x128xf32, #tpu.memory_space<vmem>>, %arg10: memref<128x128xf32, #tpu.memory_space<vmem>>, %arg11: memref<128x128xf32, #tpu.memory_space<vmem>>, %arg12: memref<1x128xf32, #tpu.memory_space<vmem>>, %arg13: memref<1000x128xf32, #tpu.memory_space<vmem>>) attributes {dimension_semantics = [#tpu.dimension_semantics<arbitrary>], iteration_bounds = array<i64: 10>, scalar_prefetch = 0 : i64, scratch_operands = 0 : i64, tpu.core_type = #tpu.core_type<tc>, window_params = [{transform_indices = @transform_0, window_bounds = array<i64: 1000, 128>}, {transform_indices = @transform_1, window_bounds = array<i64: 2, 1000, 128>}, {transform_indices = @transform_2, window_bounds = array<i64: 2, 1000, 128>}, {transform_indices = @transform_3, window_bounds = array<i64: 1000, 128>}, {transform_indices = @transform_4, window_bounds = array<i64: 1000, 128>}, {transform_indices = @transform_5, window_bounds = array<i64: 1000, 128>}, {transform_indices = @transform_6, window_bounds = array<i64: 1000, 128>}, {pipeline_mode = #tpu.pipeline_mode<synchronous>, transform_indices = @transform_7, window_bounds = array<i64: 128, 128>}, {pipeline_mode = #tpu.pipeline_mode<synchronous>, transform_indices = @transform_8, window_bounds = array<i64: 128, 128>}, {pipeline_mode = #tpu.pipeline_mode<synchronous>, transform_indices = @transform_9, window_bounds = array<i64: 128, 128>}, {pipeline_mode = #tpu.pipeline_mode<synchronous>, transform_indices = @transform_10, window_bounds = array<i64: 128, 128>}, {pipeline_mode = #tpu.pipeline_mode<synchronous>, transform_indices = @transform_11, window_bounds = array<i64: 1, 128>}, {transform_indices = @transform_12, window_bounds = array<i64: 1000, 128>}]} {
    %get3A = arith.constant 0 : index
    %get3A_0 = arith.constant 0 : index
    %get3A_1 = arith.constant 0 : index
    %get3A_2 = vector.load %arg3[%get3A, %get3A_0, %get3A_1] : memref<2x1000x128xf32, #tpu.memory_space<vmem>>, vector<1x1000x1xf32>
    %get3A_3 = vector.shape_cast %get3A_2 : vector<1x1000x1xf32> to vector<1000xf32>
    %get3A_4 = arith.constant 1 : index
    %get3A_5 = arith.constant 0 : index
    %get3A_6 = arith.constant 0 : index
    %get3A_7 = vector.load %arg3[%get3A_4, %get3A_5, %get3A_6] : memref<2x1000x128xf32, #tpu.memory_space<vmem>>, vector<1x1000x1xf32>
    %get3A_8 = vector.shape_cast %get3A_7 : vector<1x1000x1xf32> to vector<1000xf32>
    %add3A = arith.addf %get3A_3, %get3A_8 : vector<1000xf32>
    %max3A = arith.constant 1.000000e+00 : f32
    %max3A_9 = vector.broadcast %max3A : f32 to vector<1000xf32>
    %max3A_10 = arith.maximumf %add3A, %max3A_9 : vector<1000xf32>
    %get3A_11 = arith.constant 0 : index
    %get3A_12 = arith.constant 0 : index
    %get3A_13 = arith.constant 0 : index
    %get3A_14 = vector.load %arg2[%get3A_11, %get3A_12, %get3A_13] : memref<2x1000x128xf32, #tpu.memory_space<vmem>>, vector<1x1000x128xf32>
    %get3A_15 = vector.shape_cast %get3A_14 : vector<1x1000x128xf32> to vector<1000x128xf32>
    %get3A_16 = arith.constant 1 : index
    %get3A_17 = arith.constant 0 : index
    %get3A_18 = arith.constant 0 : index
    %get3A_19 = vector.load %arg2[%get3A_16, %get3A_17, %get3A_18] : memref<2x1000x128xf32, #tpu.memory_space<vmem>>, vector<1x1000x128xf32>
    %get3A_20 = vector.shape_cast %get3A_19 : vector<1x1000x128xf32> to vector<1000x128xf32>
    %add3A_21 = arith.addf %get3A_15, %get3A_20 : vector<1000x128xf32>
    %get3A_22 = arith.constant 0 : index
    %get3A_23 = arith.constant 0 : index
    %get3A_24 = vector.load %arg1[%get3A_22, %get3A_23] : memref<1000x128xf32, #tpu.memory_space<vmem>>, vector<1000x128xf32>
    %div3A = arith.constant 1.000000e+00 : f32
    %div3A_25 = vector.broadcast %div3A : f32 to vector<1000xf32>
    %div3A_26 = arith.divf %div3A_25, %max3A_10 : vector<1000xf32>
    %broadcast_in_dim3A = vector.shape_cast %div3A_26 : vector<1000xf32> to vector<1000x1xf32>
    %mul3A = vector.broadcast %broadcast_in_dim3A : vector<1000x1xf32> to vector<1000x128xf32>
    %mul3A_27 = arith.mulf %add3A_21, %mul3A : vector<1000x128xf32>
    %sub3A = arith.subf %get3A_24, %mul3A_27 : vector<1000x128xf32>
    %get3A_28 = arith.constant 0 : index
    %get3A_29 = arith.constant 0 : index
    %get3A_30 = vector.load %arg4[%get3A_28, %get3A_29] : memref<1000x128xf32, #tpu.memory_space<vmem>>, vector<1000x128xf32>
    %mul3A_31 = arith.constant 6.250000e-02 : f32
    %mul3A_32 = vector.broadcast %mul3A_31 : f32 to vector<1000x128xf32>
    %mul3A_33 = arith.mulf %mul3A_32, %sub3A : vector<1000x128xf32>
    %sqrt3A = math.sqrt %max3A_10 : vector<1000xf32>
    %broadcast_in_dim3A_34 = vector.shape_cast %sqrt3A : vector<1000xf32> to vector<1000x1xf32>
    %mul3A_35 = vector.broadcast %broadcast_in_dim3A_34 : vector<1000x1xf32> to vector<1000x128xf32>
    %mul3A_36 = arith.mulf %mul3A_33, %mul3A_35 : vector<1000x128xf32>
    %add3A_37 = arith.addf %get3A_30, %mul3A_36 : vector<1000x128xf32>
    %get3A_38 = arith.constant 0 : index
    %get3A_39 = arith.constant 0 : index
    %get3A_40 = vector.load %arg8[%get3A_38, %get3A_39] : memref<128x128xf32, #tpu.memory_space<vmem>>, vector<128x128xf32>
    %dot_general3A = arith.constant dense<0.000000e+00> : vector<1000x128xf32>
    %dot_general3A_41 = tpu.matmul %add3A_37, %get3A_40, %dot_general3A {dimension_numbers = #tpu.dot_dimension_numbers<[1], [0], [0], [1], [0, 0, 1, 1], [], []>, precision = #tpu.contract_precision<fp32>, transpose_lhs_hint = false} : vector<1000x128xf32>, vector<128x128xf32>, vector<1000x128xf32> -> vector<1000x128xf32>
    %get3A_42 = arith.constant 0 : index
    %get3A_43 = arith.constant 0 : index
    %get3A_44 = vector.load %arg5[%get3A_42, %get3A_43] : memref<1000x128xf32, #tpu.memory_space<vmem>>, vector<1000x128xf32>
    %get3A_45 = arith.constant 0 : index
    %get3A_46 = arith.constant 0 : index
    %get3A_47 = vector.load %arg9[%get3A_45, %get3A_46] : memref<128x128xf32, #tpu.memory_space<vmem>>, vector<128x128xf32>
    %dot_general3A_48 = arith.constant dense<0.000000e+00> : vector<1000x128xf32>
    %dot_general3A_49 = tpu.matmul %get3A_44, %get3A_47, %dot_general3A_48 {dimension_numbers = #tpu.dot_dimension_numbers<[1], [0], [0], [1], [0, 0, 1, 1], [], []>, precision = #tpu.contract_precision<fp32>, transpose_lhs_hint = false} : vector<1000x128xf32>, vector<128x128xf32>, vector<1000x128xf32> -> vector<1000x128xf32>
    %add3A_50 = arith.addf %dot_general3A_41, %dot_general3A_49 : vector<1000x128xf32>
    %get3A_51 = arith.constant 0 : index
    %get3A_52 = arith.constant 0 : index
    %get3A_53 = vector.load %arg6[%get3A_51, %get3A_52] : memref<1000x128xf32, #tpu.memory_space<vmem>>, vector<1000x128xf32>
    %get3A_54 = arith.constant 0 : index
    %get3A_55 = arith.constant 0 : index
    %get3A_56 = vector.load %arg10[%get3A_54, %get3A_55] : memref<128x128xf32, #tpu.memory_space<vmem>>, vector<128x128xf32>
    %dot_general3A_57 = arith.constant dense<0.000000e+00> : vector<1000x128xf32>
    %dot_general3A_58 = tpu.matmul %get3A_53, %get3A_56, %dot_general3A_57 {dimension_numbers = #tpu.dot_dimension_numbers<[1], [0], [0], [1], [0, 0, 1, 1], [], []>, precision = #tpu.contract_precision<fp32>, transpose_lhs_hint = false} : vector<1000x128xf32>, vector<128x128xf32>, vector<1000x128xf32> -> vector<1000x128xf32>
    %get3A_59 = arith.constant 0 : index
    %get3A_60 = arith.constant 0 : index
    %get3A_61 = vector.load %arg11[%get3A_59, %get3A_60] : memref<128x128xf32, #tpu.memory_space<vmem>>, vector<128x128xf32>
    %dot_general3A_62 = arith.constant dense<0.000000e+00> : vector<1000x128xf32>
    %dot_general3A_63 = tpu.matmul %add3A_50, %get3A_61, %dot_general3A_62 {dimension_numbers = #tpu.dot_dimension_numbers<[1], [0], [0], [1], [0, 0, 1, 1], [], []>, precision = #tpu.contract_precision<fp32>, transpose_lhs_hint = false} : vector<1000x128xf32>, vector<128x128xf32>, vector<1000x128xf32> -> vector<1000x128xf32>
    %add3A_64 = arith.addf %dot_general3A_58, %dot_general3A_63 : vector<1000x128xf32>
    %get3A_65 = arith.constant 0 : index
    %get3A_66 = arith.constant 0 : index
    %get3A_67 = vector.load %arg12[%get3A_65, %get3A_66] : memref<1x128xf32, #tpu.memory_space<vmem>>, vector<1x128xf32>
    %add3A_68 = vector.broadcast %get3A_67 : vector<1x128xf32> to vector<1000x128xf32>
    %add3A_69 = arith.addf %add3A_64, %add3A_68 : vector<1000x128xf32>
    %gt3A = arith.constant 0.000000e+00 : f32
    %gt3A_70 = vector.broadcast %gt3A : f32 to vector<1000x128xf32>
    %gt3A_71 = arith.cmpf ogt, %add3A_69, %gt3A_70 : vector<1000x128xf32>
    %mul3A_72 = arith.constant 0.00999999977 : f32
    %mul3A_73 = vector.broadcast %mul3A_72 : f32 to vector<1000x128xf32>
    %mul3A_74 = arith.mulf %mul3A_73, %add3A_69 : vector<1000x128xf32>
    %select_n3A = arith.select %gt3A_71, %add3A_69, %mul3A_74 : vector<1000x128xi1>, vector<1000x128xf32>
    %get3A_75 = arith.constant 0 : index
    %get3A_76 = arith.constant 0 : index
    %get3A_77 = vector.load %arg7[%get3A_75, %get3A_76] : memref<1000x128xf32, #tpu.memory_space<vmem>>, vector<1000x128xf32>
    %add3A_78 = arith.addf %select_n3A, %get3A_77 : vector<1000x128xf32>
    %swap3A = arith.constant 0 : index
    %swap3A_79 = arith.constant 0 : index
    %swap3A_80 = vector.load %arg13[%swap3A, %swap3A_79] : memref<1000x128xf32, #tpu.memory_space<vmem>>, vector<1000x128xf32>
    tpu.vector_store %arg13[%swap3A, %swap3A_79], %add3A_78 {strides = array<i32>} : memref<1000x128xf32, #tpu.memory_space<vmem>>, vector<1000x128xf32>,
    return
  }
  func.func @transform_0(%arg0: i32) -> (i32, i32) {
    %c0_i32 = arith.constant 0 : i32
    %c0_i32_0 = arith.constant 0 : i32
    return %arg0, %c0_i32 : i32, i32
  }
  func.func @transform_1(%arg0: i32) -> (i32, i32, i32) {
    %c0_i32 = arith.constant 0 : i32
    %c0_i32_0 = arith.constant 0 : i32
    %c0_i32_1 = arith.constant 0 : i32
    return %c0_i32, %arg0, %c0_i32_0 : i32, i32, i32
  }
  func.func @transform_2(%arg0: i32) -> (i32, i32, i32) {
    %c0_i32 = arith.constant 0 : i32
    %c0_i32_0 = arith.constant 0 : i32
    %c0_i32_1 = arith.constant 0 : i32
    return %c0_i32, %arg0, %c0_i32_0 : i32, i32, i32
  }
  func.func @transform_3(%arg0: i32) -> (i32, i32) {
    %c0_i32 = arith.constant 0 : i32
    %c0_i32_0 = arith.constant 0 : i32
    return %arg0, %c0_i32 : i32, i32
  }
  func.func @transform_4(%arg0: i32) -> (i32, i32) {
    %c0_i32 = arith.constant 0 : i32
    %c0_i32_0 = arith.constant 0 : i32
    return %arg0, %c0_i32 : i32, i32
  }
  func.func @transform_5(%arg0: i32) -> (i32, i32) {
    %c0_i32 = arith.constant 0 : i32
    %c0_i32_0 = arith.constant 0 : i32
    return %arg0, %c0_i32 : i32, i32
  }
  func.func @transform_6(%arg0: i32) -> (i32, i32) {
    %c0_i32 = arith.constant 0 : i32
    %c0_i32_0 = arith.constant 0 : i32
    return %arg0, %c0_i32 : i32, i32
  }
  func.func @transform_7(%arg0: i32) -> (i32, i32) {
    %c0_i32 = arith.constant 0 : i32
    %c0_i32_0 = arith.constant 0 : i32
    %c0_i32_1 = arith.constant 0 : i32
    return %c0_i32, %c0_i32_0 : i32, i32
  }
  func.func @transform_8(%arg0: i32) -> (i32, i32) {
    %c0_i32 = arith.constant 0 : i32
    %c0_i32_0 = arith.constant 0 : i32
    %c0_i32_1 = arith.constant 0 : i32
    return %c0_i32, %c0_i32_0 : i32, i32
  }
  func.func @transform_9(%arg0: i32) -> (i32, i32) {
    %c0_i32 = arith.constant 0 : i32
    %c0_i32_0 = arith.constant 0 : i32
    %c0_i32_1 = arith.constant 0 : i32
    return %c0_i32, %c0_i32_0 : i32, i32
  }
  func.func @transform_10(%arg0: i32) -> (i32, i32) {
    %c0_i32 = arith.constant 0 : i32
    %c0_i32_0 = arith.constant 0 : i32
    %c0_i32_1 = arith.constant 0 : i32
    return %c0_i32, %c0_i32_0 : i32, i32
  }
  func.func @transform_11(%arg0: i32) -> (i32, i32) {
    %c0_i32 = arith.constant 0 : i32
    %c0_i32_0 = arith.constant 0 : i32
    %c0_i32_1 = arith.constant 0 : i32
    return %c0_i32, %c0_i32_0 : i32, i32
  }
  func.func @transform_12(%arg0: i32) -> (i32, i32) {
    %c0_i32 = arith.constant 0 : i32
    %c0_i32_0 = arith.constant 0 : i32
    return %arg0, %c0_i32 : i32, i32
  }
}

</mosaic_0001>

<sc_bundles>
// kernel: kernel.10.cloned.1.call-start
scs
__scs_entry_jumppad:
0x0: {  	(pc) =	sbr.rel $0x88, $3  }
0x1: {  	(tag) =	ssettag $0x0;
	lr =	simm.s32 $0x1  }
0x2: {  	[smem:$0x3F94] =	sst lr;
	_ =	strace $0xD0000000  }
0x3: {  	_ = 	snop  }
0x4: {  	_ = 	snop  }
0x5: {  	_ = 	snop  }
0x6: {  	_ = 	snop  }
0x7: {  	_ = 	snop  }
__scs_overlays_trampoline_lowered:
0x8: {  	[smem:$0x3FA3] =	sst s0  }
0x9: {  	[smem:$0x3FA4] =	sst s1  }
0xa: {  	[smem:$0x3FA5] =	sst s2  }
0xb: {  	[smem:$0x3FA6] =	sst s3  }
0xc: {  	[smem:$0x3FA7] =	sst s4  }
0xd: {  	[smem:$0x3FA8] =	sst s5  }
0xe: {  	[smem:$0x3FA9] =	sst s6  }
0xf: {  	[smem:$0x3FAA] =	sst s7  }
0x10: {  	[smem:$0x3FAB] =	sst s8  }
0x11: {  	[smem:$0x3FAC] =	sst s9;
	s0 =	simm.s32 @!p0 $0x0  }
0x12: {  	s1 =	sld [smem:$0x3F92];
	s0 =	simm.s32 @p0 $0x1  }
0x13: {  	[smem:$0x3FAD] =	sst s0;
	s0 =	simm.s32 @!p1 $0x0  }
0x14: {  	s2 =	sld [smem:$0x3F91];
	s0 =	simm.s32 @p1 $0x1  }
0x15: {  	[smem:$0x3FAE] =	sst s0;
	s0 =	simm.s32 @!p2 $0x0  }
0x16: {  	s3 =	sld [smem:$0x3FDB];
	s0 =	simm.s32 @p2 $0x1  }
0x17: {  	s4 =	simm.s32 $0x1BF5;
	[smem:$0x3FB0] =	sst s0  }
0x18: {  	s0 =	sld [smem:$0x3F93];
	_ =	swait.ge [sflag:s4], $0x0  }
0x19: {  	s7 =	sld [smem:$0x3F94]  }
0x1a: {  	s8 =	sadd.s32 $0xFFFFE003, lr  }
0x1b: {  	s9 =	sadd.s32 $0xFFFFFEF7, lr;
	s5 =	simm.s32 $0xFFFFFFFF;
	p2 =	slt.u32 s8, $0xFFFFF086  }
0x1c: {  	p1 =	slt.u32 s9, $0xF7A;
	s5 =	simm.s32 @!p2 $0x0  }
0x1d: {  	s5 =	simm.s32 @p1 $0x1;
	p0 =	seq.s32 s7, s2  }
0x1e: {  	s7 =	smul.u32 @!p0 $0xF7A, s2;
	p2 =	seq.s32 @!p0 s5, $0x0  }
0x1f: {  	s9 =	smul.u32 $0xF7A, s1;
	s8 =	simm.s32 @!p0 $0x1BF5;
	p2 =	por !p2, p0  }
0x20: {  	[sflag:s8] =	ssyncset.s32 @!p0 $0xFFFFF086;
	s6 =	sadd.s32 @!p0 s3, s7;
	s7 =	simm.s32 @!p0 $0x108  }
0x21: {  	s3 =	sadd.s32 s3, s9;
	s6 =	sadd.s32 @!p0 $0x88, s6;
	s7 =	simm.s32 @p2 $0x1082  }
0x22: {  	[simem:s7], [sflag:s8] =	dma.local @!p0 [hbm:s6], $0xF7A  }
0x23: {  	s9 =	sor.u32 $0xD0000000, s2;
	s6 =	simm.s32 $0x108;
	_ =	swait.ge @!p0 [sflag:s8], $0x0  }
0x24: {  	s3 =	sadd.s32 $0x88, s3;
	s6 =	simm.s32 @!p1 $0x1082;
	[sflag:s4] =	ssyncset.s32 $0xFFFFF086  }
0x25: {  	[simem:s6], [sflag:s4] =	dma.local [hbm:s3], $0xF7A  }
0x26: {  	[smem:$0x3F94] =	sst s1;
	(tag) =	ssettag s2;
	_ =	strace s9  }
0x27: {  	s1 =	sld [smem:$0x3FA4]  }
0x28: {  	s2 =	sld [smem:$0x3FA5]  }
0x29: {  	s4 =	sld [smem:$0x3FA7]  }
0x2a: {  	p0 =	seq.s32 s5, $0x0;
	s5 =	sld [smem:$0x3FA8]  }
0x2b: {  	s6 =	sld [smem:$0x3FA9]  }
0x2c: {  	s7 =	sld [smem:$0x3FAA]  }
0x2d: {  	s3 =	simm.s32 $0x108;
	s8 =	sld [smem:$0x3FAB]  }
0x2e: {  	s3 =	simm.s32 @!p0 $0x1082;
	s9 =	sld [smem:$0x3FAC]  }
0x2f: {  	lr =	sadd.s32 s0, s3;
	s0 =	sld [smem:$0x3FA3]  }
0x30: {  	s3 =	sld [smem:$0x3FA6]  }
0x31: {  	[smem:$0x3FAF] =	sst s10  }
0x32: {  	s10 =	sld [smem:$0x3FAD];
	_ =	sdelay $0x3  }
0x33: {  	p0 =	seq.s32 s10, $0x1;
	s10 =	sld [smem:$0x3FAF];
	_ =	sdelay $0x3  }
0x34: {  	[smem:$0x3FAF] =	sst s10  }
0x35: {  	s10 =	sld [smem:$0x3FAE];
	_ =	sdelay $0x3  }
0x36: {  	p1 =	seq.s32 s10, $0x1;
	s10 =	sld [smem:$0x3FAF];
	_ =	sdelay $0x3  }
0x37: {  	[smem:$0x3FAF] =	sst s10  }
0x38: {  	s10 =	sld [smem:$0x3FB0]  }
0x39: {  	_ = 	snop;
	(pc) =	sbr.ind lr, $3  }
0x3a: {  	_ = 	snop  }
0x3b: {  	_ = 	snop  }
0x3c: {  	p2 =	seq.s32 s10, $0x1;
	s10 =	sld [smem:$0x3FAF]  }
0x3d: {  	_ =	shalt  }
0x3e: {  	_ =	shalt  }
0x3f: {  	_ =	shalt  }
0x40: {  	_ =	shalt  }
0x41: {  	_ =	shalt  }
0x42: {  	_ =	shalt  }
0x43: {  	_ =	shalt  }
0x44: {  	_ =	shalt  }
0x45: {  	_ =	shalt  }
0x46: {  	_ =	shalt  }
0x47: {  	_ =	shalt  }
0x48: {  	_ =	shalt  }
0x49: {  	_ =	shalt  }
0x4a: {  	_ =	shalt  }
0x4b: {  	_ =	shalt  }
0x4c: {  	_ =	shalt  }
0x4d: {  	_ =	shalt  }
0x4e: {  	_ =	shalt  }
0x4f: {  	_ =	shalt  }
0x50: {  	_ =	shalt  }
0x51: {  	_ =	shalt  }
0x52: {  	_ =	shalt  }
0x53: {  	_ =	shalt  }
0x54: {  	_ =	shalt  }
0x55: {  	_ =	shalt  }
0x56: {  	_ =	shalt  }
0x57: {  	_ =	shalt  }
0x58: {  	_ =	shalt  }
0x59: {  	_ =	shalt  }
0x5a: {  	_ =	shalt  }
0x5b: {  	_ =	shalt  }
0x5c: {  	_ =	shalt  }
0x5d: {  	_ =	shalt  }
0x5e: {  	_ =	shalt  }
0x5f: {  	_ =	shalt  }
0x60: {  	_ =	shalt  }
0x61: {  	_ =	shalt  }
0x62: {  	_ =	shalt  }
0x63: {  	_ =	shalt  }
0x64: {  	_ =	shalt  }
0x65: {  	_ =	shalt  }
0x66: {  	_ =	shalt  }
0x67: {  	_ =	shalt  }
0x68: {  	_ =	shalt  }
0x69: {  	_ =	shalt  }
0x6a: {  	_ =	shalt  }
0x6b: {  	_ =	shalt  }
0x6c: {  	_ =	shalt  }
0x6d: {  	_ =	shalt  }
0x6e: {  	_ =	shalt  }
0x6f: {  	_ =	shalt  }
0x70: {  	_ =	shalt  }
0x71: {  	_ =	shalt  }
0x72: {  	_ =	shalt  }
0x73: {  	_ =	shalt  }
0x74: {  	_ =	shalt  }
0x75: {  	_ =	shalt  }
0x76: {  	_ =	shalt  }
0x77: {  	_ =	shalt  }
0x78: {  	_ =	shalt  }
0x79: {  	_ =	shalt  }
0x7a: {  	_ =	shalt  }
0x7b: {  	_ =	shalt  }
0x7c: {  	_ =	shalt  }
0x7d: {  	_ =	shalt  }
0x7e: {  	_ =	shalt  }
0x7f: {  	_ =	shalt  }
0x80: {  	_ =	shalt  }
0x81: {  	_ =	shalt  }
0x82: {  	_ =	shalt  }
0x83: {  	_ =	shalt  }
0x84: {  	_ =	shalt  }
0x85: {  	_ =	shalt  }
0x86: {  	_ =	shalt  }
0x87: {  	_ =	shalt  }
.Lfunc_end0:
.L_simem_size_0:
called_computation_lowered:
.L_overlay_start_0:
0x88: {  	s2 =	sld [smem:$0x3FD9]  }
0x89: {  	s3 =	sld [smem:$0x3FFE];
	_ =	sdelay $0x1  }
0x8a: {  	s1 =	srdreg.scid  }
0x8b: {  	s0 =	sand.u32 $0x1, s1  }
0x8c: {  	s17 =	sshll.u32 s0, $0xA;
	s2 =	sadd.s32 s3, s2  }
0x8d: {  	s2 =	sadd.s32 s2, s17  }
0x8e: {  	[smem:$0x3FBB] =	sst s2  }
0x8f: {  	_ = 	snop  }
0x90: {  	s2 =	sld [smem:$0x3FD0];
	(tm) =	ssettm $0x1  }
0x91: {  	s18 =	sld [smem:$0x3FFB];
	_ =	sdelay $0x3  }
0x92: {  	_ =	strace s18  }
0x93: {  	s3 =	sld [smem:$0x3FFC];
	_ =	sdelay $0x3  }
0x94: {  	_ =	strace s3  }
0x95: {  	s3 =	sld [smem:$0x3FFD];
	_ =	sdelay $0x3  }
0x96: {  	_ =	strace s3  }
0x97: {  	_ =	strace $0x8FFFFFFF  }
0x98: {  	s19 =	sld [smem:$0x3FDB];
	_ =	sdelay $0x1  }
0x99: {  	s4 =	simm.s32 $_scs_section_size  }
0x9a: {  	s5 =	simm.s32 $_size__tile_overlayer_lowered;
	s6 =	simm.s32 $_tile_overlayer_lowered  }
0x9b: {  	s22 =	simm.s32 $0x1BFF;
	s21 =	sshll.u32 s6, $0x1;
	s3 =	sadd.s32 s4, s19  }
0x9c: {  	s7 =	simm.s32 $0x0;
	s20 =	sshll.u32 s5, $0x1;
	s5 =	sadd.s32 s21, s3  }
0x9d: {  	[timem:s7], [sflag:s22] =	dma.local [hbm:s5], s20  }
0x9e: {  	_ =	swait.ge [sflag:s22], s20  }
0x9f: {  	s4 =	ssub.s32 $0x0, s20;
	[sflag:s22] =	ssyncset.done $0x0  }
0xa0: {  	[sflag:s22] =	ssyncadd.s32 s4;
	_ =	sdelay $0x1  }
0xa1: {  	s23 =	simm.s32 $0x1B8B  }
0xa2: {  	_ =	swait.ge [sflag:s23], $0x1  }
0xa3: {  	[sflag:s23] =	ssyncset.done $0x0  }
0xa4: {  	s25 =	simm.s32 $0x1B8E;
	s24 =	sld [smem:$0x3FFE];
	[sflag:s23] =	ssyncadd.s32 $0xFFFFFFFF  }
0xa5: {  	s26 =	simm.s32 $execute0_lowered;
	[smem:$0x3FD2] =	sst s25  }
0xa6: {  	s5 =	sshll.u32 s26, $0x1;
	_ =	strace $0x80000046;
	[dreg:$0x1] =	wrdreg $0xFFFFFFFF  }
0xa7: {  	s28 =	simm.s32 $_size_execute0_lowered;
	s3 =	sadd.s32 s3, s5;
	[dreg:$0x0] =	wrdreg $0x0  }
0xa8: {  	s5 =	sshll.u32 s28, $0x1;
	[dreg:$0x2] =	wrdreg s3  }
0xa9: {  	[dreg:$0x3] =	wrdreg s5  }
0xaa: {  	[dreg:$0x4] =	wrdreg $0xC0  }
0xab: {  	_ =	task [dreg:s7], $0x5FFFF  }
0xac: {  	[dreg:$0x1] =	wrdreg $0xFFFFFFFF  }
0xad: {  	[dreg:$0x0] =	wrdreg $0x60  }
0xae: {  	[dreg:$0x2] =	wrdreg s2  }
0xaf: {  	[dreg:$0x3] =	wrdreg s24  }
0xb0: {  	[dreg:$0x4] =	wrdreg $0x0  }
0xb1: {  	[dreg:$0x5] =	wrdreg $0x9  }
0xb2: {  	_ =	task.clear_ibuf [dreg:s7], $0x6FFFF;
	_ =	strace $0x90000046  }
0xb3: {  	s29 =	simm.s32 $0x9;
	_ =	strace $0x80000048  }
0xb4: {  	_ =	swait.ge [sflag:s29], $0x1  }
0xb5: {  	[sflag:s29] =	ssyncadd.s32 $0xFFFFFFFF  }
0xb6: {  	_ =	strace $0x90000048  }
0xb7: {  	_ =	sfence  }
0xb8: {  	s30 =	sld [smem:$0x0];
	_ =	sdelay $0x2  }
0xb9: {  	s31 =	sshll.u32 s1, $0xD;
	s1 =	sshrl.u32 s1, $0x2  }
0xba: {  	s3 =	sand.u32 $0x4000, s31;
	s1 =	sadd.s32 s1, s30  }
0xbb: {  	s0 =	sor.u32 s3, s0;
	s1 =	sshll.u32 s1, $0x11  }
0xbc: {  	s0 =	sor.u32 s1, s0  }
0xbd: {  	s0 =	sadd.s32 $0x8F2B, s0  }
0xbe: {  	[sflag:s0] =	ssyncadd.remote.s32 $0x1  }
0xbf: {  	_ =	sfence.sel $0xFFFF  }
0xc0: {  	[dreg:$0x0] =	wrdreg $0xFFFFFFFF;
	(pc) =	sbr.abs _section_cstart, $3  }
0xc1: {  	[dreg:$0x1] =	wrdreg $0xFFFFFFFF  }
0xc2: {  	_ =	task.clear_ibuf [dreg:s7], $0x2FFFF;
	_ =	strace $0x9FFFFFFF  }
0xc3: {  	(tm) =	ssettm $0x7FFFFFFF  }
tec
execute0_lowered:
.L_overlay_start_1:
0x0: {  	(tag) =	ssettag $0x1  }
0x1: {  	s7 =	rddreg [dreg:$0x0]  }
0x2: {  	s5 =	rddreg [dreg:$0x1]  }
0x3: {  	s2 =	rddreg [dreg:$0x2];
	s1 =	stileid.u32  }
0x4: {  	s0 =	rddreg [dreg:$0x3];
	s3 =	simm.s32 $0x0;
	s6 =	smul.u32 $0x13C00, s1  }
0x5: {  	s4 =	srdreg.scid;
	s15 =	simm.s32 $0x0;
	s11 =	smul.u32 $0x4F000, s1  }
0x6: {  	[smem:$0x7FF] =	sst s3;
	s8 =	sand.u32 $0x1, s4;
	s13 =	smul.u32 $0x2800, s1  }
0x7: {  	s4 =	sadd.s32 $0x2C200, s5;
	s31 =	sshll.u32 s1, $0x6;
	s9 =	smul.u32 $0x13C000, s8  }
0x8: {  	_ =	strace $0x80000047;
	s29 =	ssub.s32 $0x2, s8;
	s8 =	smul.u32 $0x28000, s8  }
0x9: {  	s28 =	sshrl.u32 s6, $0x3;
	s12 =	sshrl.u32 s29, $0x1;
	s30 =	sshrl.u32 s11, $0x2  }
0xa: {  	s10 =	sadd.s32 s28, s5;
	s6 =	sadd.s32 s6, s9;
	s9 =	ssub.s32 s29, s12  }
0xb: {  	s11 =	sadd.s32 s30, s2;
	s8 =	sadd.s32 s13, s8;
	s12 =	simm.s32 $0x13C00  }
0xc: {  	s13 =	simm.s32 $0x16400;
	s6 =	sshrl.u32 s6, $0x3;
	s8 =	sshrl.u32 s8, $0x3  }
0xd: {  	s9 =	smax.u32 s9, $0x1;
	s14 =	sadd.s32 s6, s5;
	s5 =	sadd.s32 $0x4A00, s10  }
0xe: {  	s6 =	sor.u32 $0x1C01, s31;
	s7 =	sadd.s32 s7, s8;
	s10 =	sshrl.u32 s11, $0x3  }
0xf: {  	s11 =	simm.s32 $0x1;
	s8 =	sadd.s32 $0x2CA00, s14;
	s14 =	simm.s32 $0x80  }
.LBB2_1:
0x10: {  	[spmem:s10], [sflag:s6] =	dma.local [hbm:s5], $0x2780  }
0x11: {  	_ =	swait.ge [sflag:s11], $0x2780  }
0x12: {  	[sflag:s11] =	ssyncset.done $0x0  }
0x13: {  	[sflag:s11] =	ssyncadd.s32 $0xFFFFD880  }
0x14: {  	[tilespmem:s12], [sflag:$0x1] =	stream.linear.gather [hbm4b:s7+s3], $0x2800, $0x38;
	[tilespmem:$0x1A400] =	vst v63  }
0x15: {  	_ =	swait.ge [sflag:s11], $0x2800  }
0x16: {  	[sflag:s11] =	ssyncset.done $0x0  }
0x17: {  	[sflag:s11] =	ssyncadd.s32 $0xFFFFD800  }
0x18: {  	[tilespmem:s13], [sflag:$0x1] =	stream.linear.gather [hbm4b:s4+s3], $0x4000, $0x38;
	[tilespmem:$0x1A400] =	vst v63  }
0x19: {  	_ =	swait.ge [sflag:s11], $0x4000  }
0x1a: {  	[sflag:s11] =	ssyncset.done $0x0  }
0x1b: {  	[sflag:s11] =	ssyncadd.s32 $0xFFFFC000  }
0x1c: {  	s16 =	simm.s32 $0x13C00;
	[bflag:$0x0] =	sbarrier.arrive $0xFFFF  }
0x1d: {  	[spmem:s2] =	stream.indirect.scatter.add.f32 [tilespmem:s13], [sflag:$0x1], $0x80, s16, s14, $0xb8;
	[tilespmem:$0x1A400] =	vst v63  }
0x1e: {  	s16 =	simm.s32 $0x200;
	_ =	swait.ge [sflag:s11], $0x4000  }
.LBB2_2:
0x1f: {  	s17 =	sshra.s32 s16, $0x2;
	[sflag:s11] =	ssyncset.done $0x0;
	p0 =	sne.s32 s16, $0x9E00  }
.Ltmp0:
0x20: {  	s17 =	sadd.s32 $0x13C00, s17;
	[sflag:s11] =	ssyncadd.s32 $0xFFFFC000;
	(pc) =	sbr.rel @p0 .LBB2_2-.Ltmp0, $3  }
0x21: {  	[spmem:s2] =	stream.indirect.scatter.add.f32 [tilespmem:s13], [sflag:$0x1], $0x80, s17, s14, $0xb8;
	[tilespmem:$0x1A400] =	vst v63  }
0x22: {  	s16 =	sadd.s32 $0x200, s16;
	_ =	sdelay $0x1  }
0x23: {  	_ =	swait.ge [sflag:s11], $0x4000  }
0x24: {  	[sflag:s11] =	ssyncset.done $0x0;
	s15 =	sadd.s32 $0x1, s15  }
0x25: {  	[sflag:s11] =	ssyncadd.s32 $0xFFFFC000;
	p0 =	sne.s32 s15, s9  }
.Ltmp1:
0x26: {  	[bflag:$0x0] =	sbarrier.arrive $0xFFFF;
	(pc) =	sbr.rel @p0 .LBB2_1-.Ltmp1, $4  }
0x27: {  	[hbm:s8], [sflag:s6] =	dma.local [spmem:s10], $0x2780  }
0x28: {  	_ =	swait.ge [sflag:s11], $0x2780  }
0x29: {  	[sflag:s11] =	ssyncset.done $0x0  }
0x2a: {  	[sflag:s11] =	ssyncadd.s32 $0xFFFFD880  }
0x2b: {  	_ =	sfence.sel $0x180000  }
0x2c: {  	[bflag:$0x0] =	sbarrier.arrive $0xFFFF  }
0x2d: {  	p0 =	sne.s32 s1, $0x0;
	_ =	strace $0x90000047  }
0x2e: {  	s0 =	sadd.s32 @!p0 $0x100000, s0;
	[bflag:$0x2] =	sbarrier.arrive $0xFFFF  }
0x2f: {  	[sflag:s0] =	ssyncadd.tile.s32 @!p0 $0x1;
	_ =	shalt  }
.Lfunc_end2:
_tile_overlayer_lowered:
.L_overlay_start_2:
0x30: {  	(tag) =	ssettag $0x2  }
0x31: {  	s0 =	rddreg [dreg:$0x0];
	s2 =	stileid.u32  }
0x32: {  	s1 =	rddreg [dreg:$0x1];
	p0 =	sne.s32 s2, $0x0  }
0x33: {  	s3 =	rddreg [dreg:$0x2];
	[bflag:$0x3] =	sbarrier.arrive $0xFFFF;
	s2 =	simm.s32 @!p0 $0x1C01  }
0x34: {  	[timem:s3], [sflag:s2] =	dma.local @!p0 [hbm:s0], s1  }
0x35: {  	s0 =	simm.s32 @!p0 $0x1  }
0x36: {  	_ =	swait.ge @!p0 [sflag:s0], s1  }
0x37: {  	s1 =	ssub.s32 @!p0 $0x0, s1;
	[sflag:s0] =	ssyncset.done @!p0 $0x0  }
0x38: {  	[sflag:s0] =	ssyncadd.s32 @!p0 s1  }
0x39: {  	[bflag:$0x3] =	sbarrier.arrive $0xFFFF  }
0x3a: {  	_ =	shalt  }

// kernel: kernel.13.cloned.1.call-start
scs
__scs_entry_jumppad:
0x0: {  	(pc) =	sbr.rel $0x88, $3  }
0x1: {  	(tag) =	ssettag $0x0;
	lr =	simm.s32 $0x1  }
0x2: {  	[smem:$0x3F94] =	sst lr;
	_ =	strace $0xD0000000  }
0x3: {  	_ = 	snop  }
0x4: {  	_ = 	snop  }
0x5: {  	_ = 	snop  }
0x6: {  	_ = 	snop  }
0x7: {  	_ = 	snop  }
__scs_overlays_trampoline_lowered:
0x8: {  	[smem:$0x3FA3] =	sst s0  }
0x9: {  	[smem:$0x3FA4] =	sst s1  }
0xa: {  	[smem:$0x3FA5] =	sst s2  }
0xb: {  	[smem:$0x3FA6] =	sst s3  }
0xc: {  	[smem:$0x3FA7] =	sst s4  }
0xd: {  	[smem:$0x3FA8] =	sst s5  }
0xe: {  	[smem:$0x3FA9] =	sst s6  }
0xf: {  	[smem:$0x3FAA] =	sst s7  }
0x10: {  	[smem:$0x3FAB] =	sst s8  }
0x11: {  	[smem:$0x3FAC] =	sst s9;
	s0 =	simm.s32 @!p0 $0x0  }
0x12: {  	s1 =	sld [smem:$0x3F92];
	s0 =	simm.s32 @p0 $0x1  }
0x13: {  	[smem:$0x3FAD] =	sst s0;
	s0 =	simm.s32 @!p1 $0x0  }
0x14: {  	s2 =	sld [smem:$0x3F91];
	s0 =	simm.s32 @p1 $0x1  }
0x15: {  	[smem:$0x3FAE] =	sst s0;
	s0 =	simm.s32 @!p2 $0x0  }
0x16: {  	s3 =	sld [smem:$0x3FDB];
	s0 =	simm.s32 @p2 $0x1  }
0x17: {  	s4 =	simm.s32 $0x1BF5;
	[smem:$0x3FB0] =	sst s0  }
0x18: {  	s0 =	sld [smem:$0x3F93];
	_ =	swait.ge [sflag:s4], $0x0  }
0x19: {  	s7 =	sld [smem:$0x3F94]  }
0x1a: {  	s8 =	sadd.s32 $0xFFFFE003, lr  }
0x1b: {  	s9 =	sadd.s32 $0xFFFFFEF7, lr;
	s5 =	simm.s32 $0xFFFFFFFF;
	p2 =	slt.u32 s8, $0xFFFFF086  }
0x1c: {  	p1 =	slt.u32 s9, $0xF7A;
	s5 =	simm.s32 @!p2 $0x0  }
0x1d: {  	s5 =	simm.s32 @p1 $0x1;
	p0 =	seq.s32 s7, s2  }
0x1e: {  	s7 =	smul.u32 @!p0 $0xF7A, s2;
	p2 =	seq.s32 @!p0 s5, $0x0  }
0x1f: {  	s9 =	smul.u32 $0xF7A, s1;
	s8 =	simm.s32 @!p0 $0x1BF5;
	p2 =	por !p2, p0  }
0x20: {  	[sflag:s8] =	ssyncset.s32 @!p0 $0xFFFFF086;
	s6 =	sadd.s32 @!p0 s3, s7;
	s7 =	simm.s32 @!p0 $0x108  }
0x21: {  	s3 =	sadd.s32 s3, s9;
	s6 =	sadd.s32 @!p0 $0x88, s6;
	s7 =	simm.s32 @p2 $0x1082  }
0x22: {  	[simem:s7], [sflag:s8] =	dma.local @!p0 [hbm:s6], $0xF7A  }
0x23: {  	s9 =	sor.u32 $0xD0000000, s2;
	s6 =	simm.s32 $0x108;
	_ =	swait.ge @!p0 [sflag:s8], $0x0  }
0x24: {  	s3 =	sadd.s32 $0x88, s3;
	s6 =	simm.s32 @!p1 $0x1082;
	[sflag:s4] =	ssyncset.s32 $0xFFFFF086  }
0x25: {  	[simem:s6], [sflag:s4] =	dma.local [hbm:s3], $0xF7A  }
0x26: {  	[smem:$0x3F94] =	sst s1;
	(tag) =	ssettag s2;
	_ =	strace s9  }
0x27: {  	s1 =	sld [smem:$0x3FA4]  }
0x28: {  	s2 =	sld [smem:$0x3FA5]  }
0x29: {  	s4 =	sld [smem:$0x3FA7]  }
0x2a: {  	p0 =	seq.s32 s5, $0x0;
	s5 =	sld [smem:$0x3FA8]  }
0x2b: {  	s6 =	sld [smem:$0x3FA9]  }
0x2c: {  	s7 =	sld [smem:$0x3FAA]  }
0x2d: {  	s3 =	simm.s32 $0x108;
	s8 =	sld [smem:$0x3FAB]  }
0x2e: {  	s3 =	simm.s32 @!p0 $0x1082;
	s9 =	sld [smem:$0x3FAC]  }
0x2f: {  	lr =	sadd.s32 s0, s3;
	s0 =	sld [smem:$0x3FA3]  }
0x30: {  	s3 =	sld [smem:$0x3FA6]  }
0x31: {  	[smem:$0x3FAF] =	sst s10  }
0x32: {  	s10 =	sld [smem:$0x3FAD];
	_ =	sdelay $0x3  }
0x33: {  	p0 =	seq.s32 s10, $0x1;
	s10 =	sld [smem:$0x3FAF];
	_ =	sdelay $0x3  }
0x34: {  	[smem:$0x3FAF] =	sst s10  }
0x35: {  	s10 =	sld [smem:$0x3FAE];
	_ =	sdelay $0x3  }
0x36: {  	p1 =	seq.s32 s10, $0x1;
	s10 =	sld [smem:$0x3FAF];
	_ =	sdelay $0x3  }
0x37: {  	[smem:$0x3FAF] =	sst s10  }
0x38: {  	s10 =	sld [smem:$0x3FB0]  }
0x39: {  	_ = 	snop;
	(pc) =	sbr.ind lr, $3  }
0x3a: {  	_ = 	snop  }
0x3b: {  	_ = 	snop  }
0x3c: {  	p2 =	seq.s32 s10, $0x1;
	s10 =	sld [smem:$0x3FAF]  }
0x3d: {  	_ =	shalt  }
0x3e: {  	_ =	shalt  }
0x3f: {  	_ =	shalt  }
0x40: {  	_ =	shalt  }
0x41: {  	_ =	shalt  }
0x42: {  	_ =	shalt  }
0x43: {  	_ =	shalt  }
0x44: {  	_ =	shalt  }
0x45: {  	_ =	shalt  }
0x46: {  	_ =	shalt  }
0x47: {  	_ =	shalt  }
0x48: {  	_ =	shalt  }
0x49: {  	_ =	shalt  }
0x4a: {  	_ =	shalt  }
0x4b: {  	_ =	shalt  }
0x4c: {  	_ =	shalt  }
0x4d: {  	_ =	shalt  }
0x4e: {  	_ =	shalt  }
0x4f: {  	_ =	shalt  }
0x50: {  	_ =	shalt  }
0x51: {  	_ =	shalt  }
0x52: {  	_ =	shalt  }
0x53: {  	_ =	shalt  }
0x54: {  	_ =	shalt  }
0x55: {  	_ =	shalt  }
0x56: {  	_ =	shalt  }
0x57: {  	_ =	shalt  }
0x58: {  	_ =	shalt  }
0x59: {  	_ =	shalt  }
0x5a: {  	_ =	shalt  }
0x5b: {  	_ =	shalt  }
0x5c: {  	_ =	shalt  }
0x5d: {  	_ =	shalt  }
0x5e: {  	_ =	shalt  }
0x5f: {  	_ =	shalt  }
0x60: {  	_ =	shalt  }
0x61: {  	_ =	shalt  }
0x62: {  	_ =	shalt  }
0x63: {  	_ =	shalt  }
0x64: {  	_ =	shalt  }
0x65: {  	_ =	shalt  }
0x66: {  	_ =	shalt  }
0x67: {  	_ =	shalt  }
0x68: {  	_ =	shalt  }
0x69: {  	_ =	shalt  }
0x6a: {  	_ =	shalt  }
0x6b: {  	_ =	shalt  }
0x6c: {  	_ =	shalt  }
0x6d: {  	_ =	shalt  }
0x6e: {  	_ =	shalt  }
0x6f: {  	_ =	shalt  }
0x70: {  	_ =	shalt  }
0x71: {  	_ =	shalt  }
0x72: {  	_ =	shalt  }
0x73: {  	_ =	shalt  }
0x74: {  	_ =	shalt  }
0x75: {  	_ =	shalt  }
0x76: {  	_ =	shalt  }
0x77: {  	_ =	shalt  }
0x78: {  	_ =	shalt  }
0x79: {  	_ =	shalt  }
0x7a: {  	_ =	shalt  }
0x7b: {  	_ =	shalt  }
0x7c: {  	_ =	shalt  }
0x7d: {  	_ =	shalt  }
0x7e: {  	_ =	shalt  }
0x7f: {  	_ =	shalt  }
0x80: {  	_ =	shalt  }
0x81: {  	_ =	shalt  }
0x82: {  	_ =	shalt  }
0x83: {  	_ =	shalt  }
0x84: {  	_ =	shalt  }
0x85: {  	_ =	shalt  }
0x86: {  	_ =	shalt  }
0x87: {  	_ =	shalt  }
.Lfunc_end0:
.L_simem_size_0:
called_computation.1_lowered:
.L_overlay_start_0:
0x88: {  	s2 =	sld [smem:$0x3FD9]  }
0x89: {  	s3 =	sld [smem:$0x3FFE];
	_ =	sdelay $0x1  }
0x8a: {  	s1 =	srdreg.scid  }
0x8b: {  	s0 =	sand.u32 $0x1, s1  }
0x8c: {  	s17 =	sshll.u32 s0, $0xA;
	s2 =	sadd.s32 s3, s2  }
0x8d: {  	s2 =	sadd.s32 s2, s17  }
0x8e: {  	[smem:$0x3FBB] =	sst s2  }
0x8f: {  	_ = 	snop  }
0x90: {  	s2 =	sld [smem:$0x3FD0];
	(tm) =	ssettm $0x1  }
0x91: {  	s18 =	sld [smem:$0x3FFB];
	_ =	sdelay $0x3  }
0x92: {  	_ =	strace s18  }
0x93: {  	s3 =	sld [smem:$0x3FFC];
	_ =	sdelay $0x3  }
0x94: {  	_ =	strace s3  }
0x95: {  	s3 =	sld [smem:$0x3FFD];
	_ =	sdelay $0x3  }
0x96: {  	_ =	strace s3  }
0x97: {  	_ =	strace $0x8FFFFFFF  }
0x98: {  	s19 =	sld [smem:$0x3FDB];
	_ =	sdelay $0x1  }
0x99: {  	s4 =	simm.s32 $_scs_section_size  }
0x9a: {  	s5 =	simm.s32 $_size__tile_overlayer_lowered;
	s6 =	simm.s32 $_tile_overlayer_lowered  }
0x9b: {  	s22 =	simm.s32 $0x1BFF;
	s21 =	sshll.u32 s6, $0x1;
	s3 =	sadd.s32 s4, s19  }
0x9c: {  	s7 =	simm.s32 $0x0;
	s20 =	sshll.u32 s5, $0x1;
	s5 =	sadd.s32 s21, s3  }
0x9d: {  	[timem:s7], [sflag:s22] =	dma.local [hbm:s5], s20  }
0x9e: {  	_ =	swait.ge [sflag:s22], s20  }
0x9f: {  	s4 =	ssub.s32 $0x0, s20;
	[sflag:s22] =	ssyncset.done $0x0  }
0xa0: {  	[sflag:s22] =	ssyncadd.s32 s4;
	_ =	sdelay $0x1  }
0xa1: {  	s23 =	simm.s32 $0x1B8B  }
0xa2: {  	_ =	swait.ge [sflag:s23], $0x1  }
0xa3: {  	[sflag:s23] =	ssyncset.done $0x0  }
0xa4: {  	s25 =	simm.s32 $0x1B8E;
	s24 =	sld [smem:$0x3FFE];
	[sflag:s23] =	ssyncadd.s32 $0xFFFFFFFF  }
0xa5: {  	s26 =	simm.s32 $execute0_lowered;
	[smem:$0x3FD2] =	sst s25  }
0xa6: {  	s5 =	sshll.u32 s26, $0x1;
	_ =	strace $0x80000049;
	[dreg:$0x1] =	wrdreg $0xFFFFFFFF  }
0xa7: {  	s28 =	simm.s32 $_size_execute0_lowered;
	s3 =	sadd.s32 s3, s5;
	[dreg:$0x0] =	wrdreg $0x0  }
0xa8: {  	s5 =	sshll.u32 s28, $0x1;
	[dreg:$0x2] =	wrdreg s3  }
0xa9: {  	[dreg:$0x3] =	wrdreg s5  }
0xaa: {  	[dreg:$0x4] =	wrdreg $0xC0  }
0xab: {  	_ =	task [dreg:s7], $0x5FFFF  }
0xac: {  	[dreg:$0x1] =	wrdreg $0xFFFFFFFF  }
0xad: {  	[dreg:$0x0] =	wrdreg $0x60  }
0xae: {  	[dreg:$0x2] =	wrdreg s2  }
0xaf: {  	[dreg:$0x3] =	wrdreg s24  }
0xb0: {  	[dreg:$0x4] =	wrdreg $0x0  }
0xb1: {  	[dreg:$0x5] =	wrdreg $0x9  }
0xb2: {  	_ =	task.clear_ibuf [dreg:s7], $0x6FFFF;
	_ =	strace $0x90000049  }
0xb3: {  	s29 =	simm.s32 $0x9;
	_ =	strace $0x8000004B  }
0xb4: {  	_ =	swait.ge [sflag:s29], $0x1  }
0xb5: {  	[sflag:s29] =	ssyncadd.s32 $0xFFFFFFFF  }
0xb6: {  	_ =	strace $0x9000004B  }
0xb7: {  	_ =	sfence  }
0xb8: {  	s30 =	sld [smem:$0x0];
	_ =	sdelay $0x2  }
0xb9: {  	s31 =	sshll.u32 s1, $0xD;
	s1 =	sshrl.u32 s1, $0x2  }
0xba: {  	s3 =	sand.u32 $0x4000, s31;
	s1 =	sadd.s32 s1, s30  }
0xbb: {  	s0 =	sor.u32 s3, s0;
	s1 =	sshll.u32 s1, $0x11  }
0xbc: {  	s0 =	sor.u32 s1, s0  }
0xbd: {  	s0 =	sadd.s32 $0x8F2B, s0  }
0xbe: {  	[sflag:s0] =	ssyncadd.remote.s32 $0x1  }
0xbf: {  	_ =	sfence.sel $0xFFFF  }
0xc0: {  	[dreg:$0x0] =	wrdreg $0xFFFFFFFF;
	(pc) =	sbr.abs _section_cstart, $3  }
0xc1: {  	[dreg:$0x1] =	wrdreg $0xFFFFFFFF  }
0xc2: {  	_ =	task.clear_ibuf [dreg:s7], $0x2FFFF;
	_ =	strace $0x9FFFFFFF  }
0xc3: {  	(tm) =	ssettm $0x7FFFFFFF  }
tec
execute0_lowered:
.L_overlay_start_1:
0x0: {  	(tag) =	ssettag $0x1  }
0x1: {  	s1 =	rddreg [dreg:$0x0]  }
0x2: {  	s5 =	rddreg [dreg:$0x1]  }
0x3: {  	s3 =	rddreg [dreg:$0x2]  }
0x4: {  	s0 =	srdreg.scid;
	s2 =	rddreg [dreg:$0x3]  }
0x5: {  	s4 =	simm.s32 $0x0;
	s14 =	simm.s32 $0x16400;
	s6 =	sand.u32 $0x1, s0  }
0x6: {  	s15 =	simm.s32 $0x40;
	s0 =	stileid.u32;
	s7 =	smul.u32 $0x28000, s6  }
0x7: {  	s16 =	simm.s32 $0x1B400;
	s17 =	simm.s32 $0x13C40;
	s8 =	smul.u32 $0x2800, s0  }
0x8: {  	s18 =	simm.s32 $0x1D400;
	s19 =	simm.s32 $0x1;
	s9 =	smul.u32 $0x50000, s6  }
0x9: {  	s20 =	simm.s32 $0x2;
	s21 =	simm.s32 $0x1B300;
	s10 =	smul.u32 $0x5000, s0  }
0xa: {  	s22 =	simm.s32 $0x1B380;
	[smem:$0x7FF] =	sst s4;
	s26 =	smul.u32 $0x13C00, s0  }
0xb: {  	s23 =	simm.s32 $0x0;
	_ =	strace $0x8000004A;
	s28 =	smul.u32 $0x13C000, s6  }
0xc: {  	s6 =	ssub.s32 $0x2, s6;
	s29 =	smul.u32 $0x4F000, s0;
	s31 =	sshll.u32 s0, $0x6  }
0xd: {  	s12 =	sshrl.u32 s6, $0x1;
	s7 =	sadd.s32 s8, s7;
	s25 =	sadd.s32 s10, s9  }
0xe: {  	s11 =	sshrl.u32 s26, $0x3;
	s9 =	sadd.s32 s26, s28;
	s12 =	ssub.s32 s6, s12  }
0xf: {  	s30 =	sshrl.u32 s29, $0x2;
	s6 =	sor.u32 $0x1C03, s31;
	s7 =	sshrl.u32 s7, $0x3  }
0x10: {  	s8 =	sshrl.u32 s25, $0x3;
	s11 =	sadd.s32 s11, s5;
	s9 =	sshrl.u32 s9, $0x3  }
0x11: {  	s13 =	sadd.s32 s30, s3;
	s10 =	smax.u32 s12, $0x1;
	s12 =	simm.s32 $0x3  }
0x12: {  	s7 =	sadd.s32 s7, s5;
	s8 =	sadd.s32 s8, s5;
	s9 =	sadd.s32 s9, s5  }
0x13: {  	s5 =	sadd.s32 $0x4A00, s11;
	s11 =	sshrl.u32 s13, $0x3;
	s13 =	simm.s32 $0x13C00  }
0x14: {  	s7 =	sadd.s32 $0x8FA00, s7;
	s8 =	sadd.s32 $0x7BA00, s8;
	s9 =	sadd.s32 $0x99A00, s9  }
.LBB2_1:
0x15: {  	[spmem:s11], [sflag:s6] =	dma.local [hbm:s5], $0x2780  }
0x16: {  	_ =	swait.ge [sflag:s12], $0x2780  }
0x17: {  	[sflag:s12] =	ssyncset.done $0x0  }
0x18: {  	[sflag:s12] =	ssyncadd.s32 $0xFFFFD880  }
0x19: {  	[tilespmem:s13], [sflag:$0x3] =	stream.linear.gather [hbm4b:s7+s4], $0x2800, $0x38;
	[tilespmem:$0x1F400] =	vst v63  }
0x1a: {  	_ =	swait.ge [sflag:s12], $0x2800  }
0x1b: {  	[sflag:s12] =	ssyncset.done $0x0  }
0x1c: {  	[sflag:s12] =	ssyncadd.s32 $0xFFFFD800  }
0x1d: {  	[tilespmem:s14], [sflag:$0x3] =	stream.linear.gather [hbm4b:s8+s4], $0x5000, $0x38;
	[tilespmem:$0x1F400] =	vst v63  }
0x1e: {  	_ =	swait.ge [sflag:s12], $0x5000  }
0x1f: {  	[sflag:s12] =	ssyncset.done $0x0  }
0x20: {  	[sflag:s12] =	ssyncadd.s32 $0xFFFFB000  }
0x21: {  	[bflag:$0x0] =	sbarrier.arrive $0xFFFF  }
0x22: {  	[tilespmem:s16], [sflag:$0x1] =	stream.indirect.gather [hbm4b:s1+s15], $0x80, s13, s15, $0xb8;
	[tilespmem:$0x1F400] =	vst v63  }
0x23: {  	_ = 	snop  }
0x24: {  	[tilespmem:s18], [sflag:$0x2] =	stream.indirect.gather [hbm4b:s1+s15], $0x80, s17, s15, $0xb8;
	[tilespmem:$0x1F400] =	vst v63  }
0x25: {  	_ =	swait.ge [sflag:s19], $0x2000  }
0x26: {  	[sflag:s19] =	ssyncset.done $0x0  }
0x27: {  	s24 =	simm.s32 $0x16400;
	[sflag:s19] =	ssyncadd.s32 $0xFFFFE000  }
0x28: {  	[spmem:s3] =	stream.indirect.scatter.add.f32 [tilespmem:s16], [sflag:$0x3], $0x80, s24, s15, $0xb8;
	[tilespmem:$0x1F400] =	vst v63  }
0x29: {  	_ =	swait.ge [sflag:s12], $0x2000  }
0x2a: {  	[sflag:s12] =	ssyncset.done $0x0  }
0x2b: {  	s30 =	simm.s32 $0x13C80;
	[sflag:s12] =	ssyncadd.s32 $0xFFFFE000  }
0x2c: {  	[tilespmem:s16], [sflag:$0x1] =	stream.indirect.gather [hbm4b:s1+s15], $0x80, s30, s15, $0xb8;
	[tilespmem:$0x1F400] =	vst v63  }
0x2d: {  	_ =	swait.ge [sflag:s20], $0x2000  }
0x2e: {  	[sflag:s20] =	ssyncset.done $0x0  }
0x2f: {  	s31 =	simm.s32 $0x16480;
	[sflag:s20] =	ssyncadd.s32 $0xFFFFE000  }
0x30: {  	[spmem:s3] =	stream.indirect.scatter.add.f32 [tilespmem:s18], [sflag:$0x3], $0x80, s31, s15, $0xb8;
	[tilespmem:$0x1F400] =	vst v63  }
0x31: {  	_ =	swait.ge [sflag:s12], $0x2000  }
0x32: {  	s25 =	simm.s32 $0x400;
	[sflag:s12] =	ssyncset.done $0x0  }
0x33: {  	s26 =	simm.s32 $0x13D40;
	s24 =	simm.s32 $0x13CC0;
	[sflag:s12] =	ssyncadd.s32 $0xFFFFE000  }
.LBB2_2:
0x34: {  	[tilespmem:s18], [sflag:$0x2] =	stream.indirect.gather [hbm4b:s1+s15], $0x80, s24, s15, $0xb8;
	[tilespmem:$0x1F400] =	vst v63  }
0x35: {  	s28 =	smov.u32 s25;
	s24 =	smov.u32 s26  }
0x36: {  	p0 =	sne.s32 s25, $0x13800;
	s25 =	sadd.s32 $0x400, s25;
	_ =	swait.ge [sflag:s19], $0x2000  }
0x37: {  	s28 =	sshra.s32 s28, $0x2;
	[sflag:s19] =	ssyncset.done $0x0  }
0x38: {  	s29 =	sadd.s32 $0x16400, s28;
	[sflag:s19] =	ssyncadd.s32 $0xFFFFE000  }
0x39: {  	[spmem:s3] =	stream.indirect.scatter.add.f32 [tilespmem:s16], [sflag:$0x3], $0x80, s29, s15, $0xb8;
	[tilespmem:$0x1F400] =	vst v63  }
0x3a: {  	_ =	swait.ge [sflag:s12], $0x2000  }
0x3b: {  	[sflag:s12] =	ssyncset.done $0x0  }
0x3c: {  	s29 =	sadd.s32 $0xFFFFFFC0, s26;
	[sflag:s12] =	ssyncadd.s32 $0xFFFFE000  }
0x3d: {  	[tilespmem:s16], [sflag:$0x1] =	stream.indirect.gather [hbm4b:s1+s15], $0x80, s29, s15, $0xb8;
	[tilespmem:$0x1F400] =	vst v63  }
0x3e: {  	_ =	swait.ge [sflag:s20], $0x2000  }
0x3f: {  	[sflag:s20] =	ssyncset.done $0x0  }
.Ltmp0:
0x40: {  	s28 =	sadd.s32 $0x16480, s28;
	[sflag:s20] =	ssyncadd.s32 $0xFFFFE000;
	(pc) =	sbr.rel @p0 .LBB2_2-.Ltmp0, $4  }
0x41: {  	[spmem:s3] =	stream.indirect.scatter.add.f32 [tilespmem:s18], [sflag:$0x3], $0x80, s28, s15, $0xb8;
	[tilespmem:$0x1F400] =	vst v63  }
0x42: {  	_ =	swait.ge [sflag:s12], $0x2000  }
0x43: {  	[sflag:s12] =	ssyncset.done $0x0  }
0x44: {  	s26 =	sadd.s32 $0x80, s26;
	[sflag:s12] =	ssyncadd.s32 $0xFFFFE000  }
0x45: {  	[tilespmem:s18], [sflag:$0x2] =	stream.indirect.gather [hbm4b:s1+s15], $0x80, s24, s15, $0xb8;
	[tilespmem:$0x1F400] =	vst v63  }
0x46: {  	_ =	swait.ge [sflag:s19], $0x2000  }
0x47: {  	[sflag:s19] =	ssyncset.done $0x0  }
0x48: {  	[sflag:s19] =	ssyncadd.s32 $0xFFFFE000  }
0x49: {  	[spmem:s3] =	stream.indirect.scatter.add.f32 [tilespmem:s16], [sflag:$0x3], $0x80, s21, s15, $0xb8;
	[tilespmem:$0x1F400] =	vst v63  }
0x4a: {  	_ =	swait.ge [sflag:s12], $0x2000  }
0x4b: {  	[sflag:s12] =	ssyncset.done $0x0  }
0x4c: {  	[sflag:s12] =	ssyncadd.s32 $0xFFFFE000  }
0x4d: {  	_ =	swait.ge [sflag:s20], $0x2000  }
0x4e: {  	[sflag:s20] =	ssyncset.done $0x0  }
0x4f: {  	[sflag:s20] =	ssyncadd.s32 $0xFFFFE000  }
0x50: {  	[spmem:s3] =	stream.indirect.scatter.add.f32 [tilespmem:s18], [sflag:$0x3], $0x80, s22, s15, $0xb8;
	[tilespmem:$0x1F400] =	vst v63  }
0x51: {  	_ =	swait.ge [sflag:s12], $0x2000  }
0x52: {  	s23 =	sadd.s32 $0x1, s23;
	[sflag:s12] =	ssyncset.done $0x0  }
0x53: {  	p0 =	sne.s32 s23, s10;
	[sflag:s12] =	ssyncadd.s32 $0xFFFFE000  }
.Ltmp1:
0x54: {  	[bflag:$0x0] =	sbarrier.arrive $0xFFFF;
	(pc) =	sbr.rel @p0 .LBB2_1-.Ltmp1, $4  }
0x55: {  	[hbm:s9], [sflag:s6] =	dma.local [spmem:s11], $0x2780  }
0x56: {  	_ =	swait.ge [sflag:s12], $0x2780  }
0x57: {  	[sflag:s12] =	ssyncset.done $0x0  }
0x58: {  	[sflag:s12] =	ssyncadd.s32 $0xFFFFD880  }
0x59: {  	_ =	sfence.sel $0x180000  }
0x5a: {  	[bflag:$0x0] =	sbarrier.arrive $0xFFFF  }
0x5b: {  	p0 =	sne.s32 s0, $0x0;
	_ =	strace $0x9000004A  }
0x5c: {  	s0 =	sadd.s32 @!p0 $0x100000, s2;
	[bflag:$0x2] =	sbarrier.arrive $0xFFFF  }
0x5d: {  	[sflag:s0] =	ssyncadd.tile.s32 @!p0 $0x1;
	_ =	shalt  }
.Lfunc_end2:
_tile_overlayer_lowered:
.L_overlay_start_2:
0x5e: {  	(tag) =	ssettag $0x2  }
0x5f: {  	s0 =	rddreg [dreg:$0x0];
	s2 =	stileid.u32  }
0x60: {  	s1 =	rddreg [dreg:$0x1];
	p0 =	sne.s32 s2, $0x0  }
0x61: {  	s3 =	rddreg [dreg:$0x2];
	[bflag:$0x3] =	sbarrier.arrive $0xFFFF;
	s2 =	simm.s32 @!p0 $0x1C03  }
0x62: {  	[timem:s3], [sflag:s2] =	dma.local @!p0 [hbm:s0], s1  }
0x63: {  	s0 =	simm.s32 @!p0 $0x3  }
0x64: {  	_ =	swait.ge @!p0 [sflag:s0], s1  }
0x65: {  	s1 =	ssub.s32 @!p0 $0x0, s1;
	[sflag:s0] =	ssyncset.done @!p0 $0x0  }
0x66: {  	[sflag:s0] =	ssyncadd.s32 @!p0 s1  }
0x67: {  	[bflag:$0x3] =	sbarrier.arrive $0xFFFF  }
0x68: {  	_ =	shalt  }

// kernel: kernel.16.cloned.1.call-start
scs
__scs_entry_jumppad:
0x0: {  	(pc) =	sbr.rel $0x88, $3  }
0x1: {  	(tag) =	ssettag $0x0;
	lr =	simm.s32 $0x1  }
0x2: {  	[smem:$0x3F94] =	sst lr;
	_ =	strace $0xD0000000  }
0x3: {  	_ = 	snop  }
0x4: {  	_ = 	snop  }
0x5: {  	_ = 	snop  }
0x6: {  	_ = 	snop  }
0x7: {  	_ = 	snop  }
__scs_overlays_trampoline_lowered:
0x8: {  	[smem:$0x3FA3] =	sst s0  }
0x9: {  	[smem:$0x3FA4] =	sst s1  }
0xa: {  	[smem:$0x3FA5] =	sst s2  }
0xb: {  	[smem:$0x3FA6] =	sst s3  }
0xc: {  	[smem:$0x3FA7] =	sst s4  }
0xd: {  	[smem:$0x3FA8] =	sst s5  }
0xe: {  	[smem:$0x3FA9] =	sst s6  }
0xf: {  	[smem:$0x3FAA] =	sst s7  }
0x10: {  	[smem:$0x3FAB] =	sst s8  }
0x11: {  	[smem:$0x3FAC] =	sst s9;
	s0 =	simm.s32 @!p0 $0x0  }
0x12: {  	s1 =	sld [smem:$0x3F92];
	s0 =	simm.s32 @p0 $0x1  }
0x13: {  	[smem:$0x3FAD] =	sst s0;
	s0 =	simm.s32 @!p1 $0x0  }
0x14: {  	s2 =	sld [smem:$0x3F91];
	s0 =	simm.s32 @p1 $0x1  }
0x15: {  	[smem:$0x3FAE] =	sst s0;
	s0 =	simm.s32 @!p2 $0x0  }
0x16: {  	s3 =	sld [smem:$0x3FDB];
	s0 =	simm.s32 @p2 $0x1  }
0x17: {  	s4 =	simm.s32 $0x1BF5;
	[smem:$0x3FB0] =	sst s0  }
0x18: {  	s0 =	sld [smem:$0x3F93];
	_ =	swait.ge [sflag:s4], $0x0  }
0x19: {  	s7 =	sld [smem:$0x3F94]  }
0x1a: {  	s8 =	sadd.s32 $0xFFFFE003, lr  }
0x1b: {  	s9 =	sadd.s32 $0xFFFFFEF7, lr;
	s5 =	simm.s32 $0xFFFFFFFF;
	p2 =	slt.u32 s8, $0xFFFFF086  }
0x1c: {  	p1 =	slt.u32 s9, $0xF7A;
	s5 =	simm.s32 @!p2 $0x0  }
0x1d: {  	s5 =	simm.s32 @p1 $0x1;
	p0 =	seq.s32 s7, s2  }
0x1e: {  	s7 =	smul.u32 @!p0 $0xF7A, s2;
	p2 =	seq.s32 @!p0 s5, $0x0  }
0x1f: {  	s9 =	smul.u32 $0xF7A, s1;
	s8 =	simm.s32 @!p0 $0x1BF5;
	p2 =	por !p2, p0  }
0x20: {  	[sflag:s8] =	ssyncset.s32 @!p0 $0xFFFFF086;
	s6 =	sadd.s32 @!p0 s3, s7;
	s7 =	simm.s32 @!p0 $0x108  }
0x21: {  	s3 =	sadd.s32 s3, s9;
	s6 =	sadd.s32 @!p0 $0x88, s6;
	s7 =	simm.s32 @p2 $0x1082  }
0x22: {  	[simem:s7], [sflag:s8] =	dma.local @!p0 [hbm:s6], $0xF7A  }
0x23: {  	s9 =	sor.u32 $0xD0000000, s2;
	s6 =	simm.s32 $0x108;
	_ =	swait.ge @!p0 [sflag:s8], $0x0  }
0x24: {  	s3 =	sadd.s32 $0x88, s3;
	s6 =	simm.s32 @!p1 $0x1082;
	[sflag:s4] =	ssyncset.s32 $0xFFFFF086  }
0x25: {  	[simem:s6], [sflag:s4] =	dma.local [hbm:s3], $0xF7A  }
0x26: {  	[smem:$0x3F94] =	sst s1;
	(tag) =	ssettag s2;
	_ =	strace s9  }
0x27: {  	s1 =	sld [smem:$0x3FA4]  }
0x28: {  	s2 =	sld [smem:$0x3FA5]  }
0x29: {  	s4 =	sld [smem:$0x3FA7]  }
0x2a: {  	p0 =	seq.s32 s5, $0x0;
	s5 =	sld [smem:$0x3FA8]  }
0x2b: {  	s6 =	sld [smem:$0x3FA9]  }
0x2c: {  	s7 =	sld [smem:$0x3FAA]  }
0x2d: {  	s3 =	simm.s32 $0x108;
	s8 =	sld [smem:$0x3FAB]  }
0x2e: {  	s3 =	simm.s32 @!p0 $0x1082;
	s9 =	sld [smem:$0x3FAC]  }
0x2f: {  	lr =	sadd.s32 s0, s3;
	s0 =	sld [smem:$0x3FA3]  }
0x30: {  	s3 =	sld [smem:$0x3FA6]  }
0x31: {  	[smem:$0x3FAF] =	sst s10  }
0x32: {  	s10 =	sld [smem:$0x3FAD];
	_ =	sdelay $0x3  }
0x33: {  	p0 =	seq.s32 s10, $0x1;
	s10 =	sld [smem:$0x3FAF];
	_ =	sdelay $0x3  }
0x34: {  	[smem:$0x3FAF] =	sst s10  }
0x35: {  	s10 =	sld [smem:$0x3FAE];
	_ =	sdelay $0x3  }
0x36: {  	p1 =	seq.s32 s10, $0x1;
	s10 =	sld [smem:$0x3FAF];
	_ =	sdelay $0x3  }
0x37: {  	[smem:$0x3FAF] =	sst s10  }
0x38: {  	s10 =	sld [smem:$0x3FB0]  }
0x39: {  	_ = 	snop;
	(pc) =	sbr.ind lr, $3  }
0x3a: {  	_ = 	snop  }
0x3b: {  	_ = 	snop  }
0x3c: {  	p2 =	seq.s32 s10, $0x1;
	s10 =	sld [smem:$0x3FAF]  }
0x3d: {  	_ =	shalt  }
0x3e: {  	_ =	shalt  }
0x3f: {  	_ =	shalt  }
0x40: {  	_ =	shalt  }
0x41: {  	_ =	shalt  }
0x42: {  	_ =	shalt  }
0x43: {  	_ =	shalt  }
0x44: {  	_ =	shalt  }
0x45: {  	_ =	shalt  }
0x46: {  	_ =	shalt  }
0x47: {  	_ =	shalt  }
0x48: {  	_ =	shalt  }
0x49: {  	_ =	shalt  }
0x4a: {  	_ =	shalt  }
0x4b: {  	_ =	shalt  }
0x4c: {  	_ =	shalt  }
0x4d: {  	_ =	shalt  }
0x4e: {  	_ =	shalt  }
0x4f: {  	_ =	shalt  }
0x50: {  	_ =	shalt  }
0x51: {  	_ =	shalt  }
0x52: {  	_ =	shalt  }
0x53: {  	_ =	shalt  }
0x54: {  	_ =	shalt  }
0x55: {  	_ =	shalt  }
0x56: {  	_ =	shalt  }
0x57: {  	_ =	shalt  }
0x58: {  	_ =	shalt  }
0x59: {  	_ =	shalt  }
0x5a: {  	_ =	shalt  }
0x5b: {  	_ =	shalt  }
0x5c: {  	_ =	shalt  }
0x5d: {  	_ =	shalt  }
0x5e: {  	_ =	shalt  }
0x5f: {  	_ =	shalt  }
0x60: {  	_ =	shalt  }
0x61: {  	_ =	shalt  }
0x62: {  	_ =	shalt  }
0x63: {  	_ =	shalt  }
0x64: {  	_ =	shalt  }
0x65: {  	_ =	shalt  }
0x66: {  	_ =	shalt  }
0x67: {  	_ =	shalt  }
0x68: {  	_ =	shalt  }
0x69: {  	_ =	shalt  }
0x6a: {  	_ =	shalt  }
0x6b: {  	_ =	shalt  }
0x6c: {  	_ =	shalt  }
0x6d: {  	_ =	shalt  }
0x6e: {  	_ =	shalt  }
0x6f: {  	_ =	shalt  }
0x70: {  	_ =	shalt  }
0x71: {  	_ =	shalt  }
0x72: {  	_ =	shalt  }
0x73: {  	_ =	shalt  }
0x74: {  	_ =	shalt  }
0x75: {  	_ =	shalt  }
0x76: {  	_ =	shalt  }
0x77: {  	_ =	shalt  }
0x78: {  	_ =	shalt  }
0x79: {  	_ =	shalt  }
0x7a: {  	_ =	shalt  }
0x7b: {  	_ =	shalt  }
0x7c: {  	_ =	shalt  }
0x7d: {  	_ =	shalt  }
0x7e: {  	_ =	shalt  }
0x7f: {  	_ =	shalt  }
0x80: {  	_ =	shalt  }
0x81: {  	_ =	shalt  }
0x82: {  	_ =	shalt  }
0x83: {  	_ =	shalt  }
0x84: {  	_ =	shalt  }
0x85: {  	_ =	shalt  }
0x86: {  	_ =	shalt  }
0x87: {  	_ =	shalt  }
.Lfunc_end0:
.L_simem_size_0:
called_computation.2_lowered:
.L_overlay_start_0:
0x88: {  	s2 =	sld [smem:$0x3FD9]  }
0x89: {  	s3 =	sld [smem:$0x3FFE];
	_ =	sdelay $0x1  }
0x8a: {  	s1 =	srdreg.scid  }
0x8b: {  	s0 =	sand.u32 $0x1, s1  }
0x8c: {  	s17 =	sshll.u32 s0, $0xA;
	s2 =	sadd.s32 s3, s2  }
0x8d: {  	s2 =	sadd.s32 s2, s17  }
0x8e: {  	[smem:$0x3FBB] =	sst s2  }
0x8f: {  	_ = 	snop  }
0x90: {  	s2 =	sld [smem:$0x3FD0];
	(tm) =	ssettm $0x1  }
0x91: {  	s18 =	sld [smem:$0x3FFB];
	_ =	sdelay $0x3  }
0x92: {  	_ =	strace s18  }
0x93: {  	s3 =	sld [smem:$0x3FFC];
	_ =	sdelay $0x3  }
0x94: {  	_ =	strace s3  }
0x95: {  	s3 =	sld [smem:$0x3FFD];
	_ =	sdelay $0x3  }
0x96: {  	_ =	strace s3  }
0x97: {  	_ =	strace $0x8FFFFFFF  }
0x98: {  	s19 =	sld [smem:$0x3FDB];
	_ =	sdelay $0x1  }
0x99: {  	s4 =	simm.s32 $_scs_section_size  }
0x9a: {  	s5 =	simm.s32 $_size__tile_overlayer_lowered;
	s6 =	simm.s32 $_tile_overlayer_lowered  }
0x9b: {  	s22 =	simm.s32 $0x1BFF;
	s21 =	sshll.u32 s6, $0x1;
	s3 =	sadd.s32 s4, s19  }
0x9c: {  	s7 =	simm.s32 $0x0;
	s20 =	sshll.u32 s5, $0x1;
	s5 =	sadd.s32 s21, s3  }
0x9d: {  	[timem:s7], [sflag:s22] =	dma.local [hbm:s5], s20  }
0x9e: {  	_ =	swait.ge [sflag:s22], s20  }
0x9f: {  	s4 =	ssub.s32 $0x0, s20;
	[sflag:s22] =	ssyncset.done $0x0  }
0xa0: {  	[sflag:s22] =	ssyncadd.s32 s4;
	_ =	sdelay $0x1  }
0xa1: {  	s23 =	simm.s32 $0x1B8B  }
0xa2: {  	_ =	swait.ge [sflag:s23], $0x1  }
0xa3: {  	[sflag:s23] =	ssyncset.done $0x0  }
0xa4: {  	s25 =	simm.s32 $0x1B8E;
	s24 =	sld [smem:$0x3FFE];
	[sflag:s23] =	ssyncadd.s32 $0xFFFFFFFF  }
0xa5: {  	s26 =	simm.s32 $execute0_lowered;
	[smem:$0x3FD2] =	sst s25  }
0xa6: {  	s5 =	sshll.u32 s26, $0x1;
	_ =	strace $0x8000004C;
	[dreg:$0x1] =	wrdreg $0xFFFFFFFF  }
0xa7: {  	s28 =	simm.s32 $_size_execute0_lowered;
	s3 =	sadd.s32 s3, s5;
	[dreg:$0x0] =	wrdreg $0x0  }
0xa8: {  	s5 =	sshll.u32 s28, $0x1;
	[dreg:$0x2] =	wrdreg s3  }
0xa9: {  	[dreg:$0x3] =	wrdreg s5  }
0xaa: {  	[dreg:$0x4] =	wrdreg $0xC0  }
0xab: {  	_ =	task [dreg:s7], $0x5FFFF  }
0xac: {  	[dreg:$0x1] =	wrdreg $0xFFFFFFFF  }
0xad: {  	[dreg:$0x0] =	wrdreg $0x60  }
0xae: {  	[dreg:$0x2] =	wrdreg s2  }
0xaf: {  	[dreg:$0x3] =	wrdreg s24  }
0xb0: {  	[dreg:$0x4] =	wrdreg $0x0  }
0xb1: {  	[dreg:$0x5] =	wrdreg $0x9  }
0xb2: {  	_ =	task.clear_ibuf [dreg:s7], $0x6FFFF;
	_ =	strace $0x9000004C  }
0xb3: {  	s29 =	simm.s32 $0x9;
	_ =	strace $0x8000004E  }
0xb4: {  	_ =	swait.ge [sflag:s29], $0x1  }
0xb5: {  	[sflag:s29] =	ssyncadd.s32 $0xFFFFFFFF  }
0xb6: {  	_ =	strace $0x9000004E  }
0xb7: {  	_ =	sfence  }
0xb8: {  	s30 =	sld [smem:$0x0];
	_ =	sdelay $0x2  }
0xb9: {  	s31 =	sshll.u32 s1, $0xD;
	s1 =	sshrl.u32 s1, $0x2  }
0xba: {  	s3 =	sand.u32 $0x4000, s31;
	s1 =	sadd.s32 s1, s30  }
0xbb: {  	s0 =	sor.u32 s3, s0;
	s1 =	sshll.u32 s1, $0x11  }
0xbc: {  	s0 =	sor.u32 s1, s0  }
0xbd: {  	s0 =	sadd.s32 $0x8F2B, s0  }
0xbe: {  	[sflag:s0] =	ssyncadd.remote.s32 $0x1  }
0xbf: {  	_ =	sfence.sel $0xFFFF  }
0xc0: {  	[dreg:$0x0] =	wrdreg $0xFFFFFFFF;
	(pc) =	sbr.abs _section_cstart, $3  }
0xc1: {  	[dreg:$0x1] =	wrdreg $0xFFFFFFFF  }
0xc2: {  	_ =	task.clear_ibuf [dreg:s7], $0x2FFFF;
	_ =	strace $0x9FFFFFFF  }
0xc3: {  	(tm) =	ssettm $0x7FFFFFFF  }
tec
execute0_lowered:
.L_overlay_start_1:
0x0: {  	(tag) =	ssettag $0x1  }
0x1: {  	s1 =	rddreg [dreg:$0x0]  }
0x2: {  	s5 =	rddreg [dreg:$0x1]  }
0x3: {  	s3 =	rddreg [dreg:$0x2]  }
0x4: {  	s0 =	srdreg.scid;
	s2 =	rddreg [dreg:$0x3]  }
0x5: {  	s4 =	simm.s32 $0x0;
	s14 =	simm.s32 $0x16400;
	s6 =	sand.u32 $0x1, s0  }
0x6: {  	s15 =	simm.s32 $0x40;
	s0 =	stileid.u32;
	s7 =	smul.u32 $0x28000, s6  }
0x7: {  	s16 =	simm.s32 $0x1B400;
	s17 =	simm.s32 $0x13C40;
	s8 =	smul.u32 $0x2800, s0  }
0x8: {  	s18 =	simm.s32 $0x1D400;
	s19 =	simm.s32 $0x1;
	s9 =	smul.u32 $0x50000, s6  }
0x9: {  	s20 =	simm.s32 $0x2;
	s21 =	simm.s32 $0x1B300;
	s10 =	smul.u32 $0x5000, s0  }
0xa: {  	s22 =	simm.s32 $0x1B380;
	[smem:$0x7FF] =	sst s4;
	s26 =	smul.u32 $0x13C00, s0  }
0xb: {  	s23 =	simm.s32 $0x0;
	_ =	strace $0x8000004D;
	s28 =	smul.u32 $0x13C000, s6  }
0xc: {  	s6 =	ssub.s32 $0x2, s6;
	s29 =	smul.u32 $0x4F000, s0;
	s31 =	sshll.u32 s0, $0x6  }
0xd: {  	s12 =	sshrl.u32 s6, $0x1;
	s7 =	sadd.s32 s8, s7;
	s25 =	sadd.s32 s10, s9  }
0xe: {  	s11 =	sshrl.u32 s26, $0x3;
	s9 =	sadd.s32 s26, s28;
	s12 =	ssub.s32 s6, s12  }
0xf: {  	s30 =	sshrl.u32 s29, $0x2;
	s6 =	sor.u32 $0x1C03, s31;
	s7 =	sshrl.u32 s7, $0x3  }
0x10: {  	s8 =	sshrl.u32 s25, $0x3;
	s11 =	sadd.s32 s11, s5;
	s9 =	sshrl.u32 s9, $0x3  }
0x11: {  	s13 =	sadd.s32 s30, s3;
	s10 =	smax.u32 s12, $0x1;
	s12 =	simm.s32 $0x3  }
0x12: {  	s7 =	sadd.s32 s7, s5;
	s8 =	sadd.s32 s8, s5;
	s9 =	sadd.s32 s9, s5  }
0x13: {  	s5 =	sadd.s32 $0x4A00, s11;
	s11 =	sshrl.u32 s13, $0x3;
	s13 =	simm.s32 $0x13C00  }
0x14: {  	s7 =	sadd.s32 $0x8FA00, s7;
	s8 =	sadd.s32 $0x7BA00, s8;
	s9 =	sadd.s32 $0x99A00, s9  }
.LBB2_1:
0x15: {  	[spmem:s11], [sflag:s6] =	dma.local [hbm:s5], $0x2780  }
0x16: {  	_ =	swait.ge [sflag:s12], $0x2780  }
0x17: {  	[sflag:s12] =	ssyncset.done $0x0  }
0x18: {  	[sflag:s12] =	ssyncadd.s32 $0xFFFFD880  }
0x19: {  	[tilespmem:s13], [sflag:$0x3] =	stream.linear.gather [hbm4b:s7+s4], $0x2800, $0x38;
	[tilespmem:$0x1F400] =	vst v63  }
0x1a: {  	_ =	swait.ge [sflag:s12], $0x2800  }
0x1b: {  	[sflag:s12] =	ssyncset.done $0x0  }
0x1c: {  	[sflag:s12] =	ssyncadd.s32 $0xFFFFD800  }
0x1d: {  	[tilespmem:s14], [sflag:$0x3] =	stream.linear.gather [hbm4b:s8+s4], $0x5000, $0x38;
	[tilespmem:$0x1F400] =	vst v63  }
0x1e: {  	_ =	swait.ge [sflag:s12], $0x5000  }
0x1f: {  	[sflag:s12] =	ssyncset.done $0x0  }
0x20: {  	[sflag:s12] =	ssyncadd.s32 $0xFFFFB000  }
0x21: {  	[bflag:$0x0] =	sbarrier.arrive $0xFFFF  }
0x22: {  	[tilespmem:s16], [sflag:$0x1] =	stream.indirect.gather [hbm4b:s1+s15], $0x80, s13, s15, $0xb8;
	[tilespmem:$0x1F400] =	vst v63  }
0x23: {  	_ = 	snop  }
0x24: {  	[tilespmem:s18], [sflag:$0x2] =	stream.indirect.gather [hbm4b:s1+s15], $0x80, s17, s15, $0xb8;
	[tilespmem:$0x1F400] =	vst v63  }
0x25: {  	_ =	swait.ge [sflag:s19], $0x2000  }
0x26: {  	[sflag:s19] =	ssyncset.done $0x0  }
0x27: {  	s24 =	simm.s32 $0x16400;
	[sflag:s19] =	ssyncadd.s32 $0xFFFFE000  }
0x28: {  	[spmem:s3] =	stream.indirect.scatter.add.f32 [tilespmem:s16], [sflag:$0x3], $0x80, s24, s15, $0xb8;
	[tilespmem:$0x1F400] =	vst v63  }
0x29: {  	_ =	swait.ge [sflag:s12], $0x2000  }
0x2a: {  	[sflag:s12] =	ssyncset.done $0x0  }
0x2b: {  	s30 =	simm.s32 $0x13C80;
	[sflag:s12] =	ssyncadd.s32 $0xFFFFE000  }
0x2c: {  	[tilespmem:s16], [sflag:$0x1] =	stream.indirect.gather [hbm4b:s1+s15], $0x80, s30, s15, $0xb8;
	[tilespmem:$0x1F400] =	vst v63  }
0x2d: {  	_ =	swait.ge [sflag:s20], $0x2000  }
0x2e: {  	[sflag:s20] =	ssyncset.done $0x0  }
0x2f: {  	s31 =	simm.s32 $0x16480;
	[sflag:s20] =	ssyncadd.s32 $0xFFFFE000  }
0x30: {  	[spmem:s3] =	stream.indirect.scatter.add.f32 [tilespmem:s18], [sflag:$0x3], $0x80, s31, s15, $0xb8;
	[tilespmem:$0x1F400] =	vst v63  }
0x31: {  	_ =	swait.ge [sflag:s12], $0x2000  }
0x32: {  	s25 =	simm.s32 $0x400;
	[sflag:s12] =	ssyncset.done $0x0  }
0x33: {  	s26 =	simm.s32 $0x13D40;
	s24 =	simm.s32 $0x13CC0;
	[sflag:s12] =	ssyncadd.s32 $0xFFFFE000  }
.LBB2_2:
0x34: {  	[tilespmem:s18], [sflag:$0x2] =	stream.indirect.gather [hbm4b:s1+s15], $0x80, s24, s15, $0xb8;
	[tilespmem:$0x1F400] =	vst v63  }
0x35: {  	s28 =	smov.u32 s25;
	s24 =	smov.u32 s26  }
0x36: {  	p0 =	sne.s32 s25, $0x13800;
	s25 =	sadd.s32 $0x400, s25;
	_ =	swait.ge [sflag:s19], $0x2000  }
0x37: {  	s28 =	sshra.s32 s28, $0x2;
	[sflag:s19] =	ssyncset.done $0x0  }
0x38: {  	s29 =	sadd.s32 $0x16400, s28;
	[sflag:s19] =	ssyncadd.s32 $0xFFFFE000  }
0x39: {  	[spmem:s3] =	stream.indirect.scatter.add.f32 [tilespmem:s16], [sflag:$0x3], $0x80, s29, s15, $0xb8;
	[tilespmem:$0x1F400] =	vst v63  }
0x3a: {  	_ =	swait.ge [sflag:s12], $0x2000  }
0x3b: {  	[sflag:s12] =	ssyncset.done $0x0  }
0x3c: {  	s29 =	sadd.s32 $0xFFFFFFC0, s26;
	[sflag:s12] =	ssyncadd.s32 $0xFFFFE000  }
0x3d: {  	[tilespmem:s16], [sflag:$0x1] =	stream.indirect.gather [hbm4b:s1+s15], $0x80, s29, s15, $0xb8;
	[tilespmem:$0x1F400] =	vst v63  }
0x3e: {  	_ =	swait.ge [sflag:s20], $0x2000  }
0x3f: {  	[sflag:s20] =	ssyncset.done $0x0  }
.Ltmp0:
0x40: {  	s28 =	sadd.s32 $0x16480, s28;
	[sflag:s20] =	ssyncadd.s32 $0xFFFFE000;
	(pc) =	sbr.rel @p0 .LBB2_2-.Ltmp0, $4  }
0x41: {  	[spmem:s3] =	stream.indirect.scatter.add.f32 [tilespmem:s18], [sflag:$0x3], $0x80, s28, s15, $0xb8;
	[tilespmem:$0x1F400] =	vst v63  }
0x42: {  	_ =	swait.ge [sflag:s12], $0x2000  }
0x43: {  	[sflag:s12] =	ssyncset.done $0x0  }
0x44: {  	s26 =	sadd.s32 $0x80, s26;
	[sflag:s12] =	ssyncadd.s32 $0xFFFFE000  }
0x45: {  	[tilespmem:s18], [sflag:$0x2] =	stream.indirect.gather [hbm4b:s1+s15], $0x80, s24, s15, $0xb8;
	[tilespmem:$0x1F400] =	vst v63  }
0x46: {  	_ =	swait.ge [sflag:s19], $0x2000  }
0x47: {  	[sflag:s19] =	ssyncset.done $0x0  }
0x48: {  	[sflag:s19] =	ssyncadd.s32 $0xFFFFE000  }
0x49: {  	[spmem:s3] =	stream.indirect.scatter.add.f32 [tilespmem:s16], [sflag:$0x3], $0x80, s21, s15, $0xb8;
	[tilespmem:$0x1F400] =	vst v63  }
0x4a: {  	_ =	swait.ge [sflag:s12], $0x2000  }
0x4b: {  	[sflag:s12] =	ssyncset.done $0x0  }
0x4c: {  	[sflag:s12] =	ssyncadd.s32 $0xFFFFE000  }
0x4d: {  	_ =	swait.ge [sflag:s20], $0x2000  }
0x4e: {  	[sflag:s20] =	ssyncset.done $0x0  }
0x4f: {  	[sflag:s20] =	ssyncadd.s32 $0xFFFFE000  }
0x50: {  	[spmem:s3] =	stream.indirect.scatter.add.f32 [tilespmem:s18], [sflag:$0x3], $0x80, s22, s15, $0xb8;
	[tilespmem:$0x1F400] =	vst v63  }
0x51: {  	_ =	swait.ge [sflag:s12], $0x2000  }
0x52: {  	s23 =	sadd.s32 $0x1, s23;
	[sflag:s12] =	ssyncset.done $0x0  }
0x53: {  	p0 =	sne.s32 s23, s10;
	[sflag:s12] =	ssyncadd.s32 $0xFFFFE000  }
.Ltmp1:
0x54: {  	[bflag:$0x0] =	sbarrier.arrive $0xFFFF;
	(pc) =	sbr.rel @p0 .LBB2_1-.Ltmp1, $4  }
0x55: {  	[hbm:s9], [sflag:s6] =	dma.local [spmem:s11], $0x2780  }
0x56: {  	_ =	swait.ge [sflag:s12], $0x2780  }
0x57: {  	[sflag:s12] =	ssyncset.done $0x0  }
0x58: {  	[sflag:s12] =	ssyncadd.s32 $0xFFFFD880  }
0x59: {  	_ =	sfence.sel $0x180000  }
0x5a: {  	[bflag:$0x0] =	sbarrier.arrive $0xFFFF  }
0x5b: {  	p0 =	sne.s32 s0, $0x0;
	_ =	strace $0x9000004D  }
0x5c: {  	s0 =	sadd.s32 @!p0 $0x100000, s2;
	[bflag:$0x2] =	sbarrier.arrive $0xFFFF  }
0x5d: {  	[sflag:s0] =	ssyncadd.tile.s32 @!p0 $0x1;
	_ =	shalt  }
.Lfunc_end2:
_tile_overlayer_lowered:
.L_overlay_start_2:
0x5e: {  	(tag) =	ssettag $0x2  }
0x5f: {  	s0 =	rddreg [dreg:$0x0];
	s2 =	stileid.u32  }
0x60: {  	s1 =	rddreg [dreg:$0x1];
	p0 =	sne.s32 s2, $0x0  }
0x61: {  	s3 =	rddreg [dreg:$0x2];
	[bflag:$0x3] =	sbarrier.arrive $0xFFFF;
	s2 =	simm.s32 @!p0 $0x1C03  }
0x62: {  	[timem:s3], [sflag:s2] =	dma.local @!p0 [hbm:s0], s1  }
0x63: {  	s0 =	simm.s32 @!p0 $0x3  }
0x64: {  	_ =	swait.ge @!p0 [sflag:s0], s1  }
0x65: {  	s1 =	ssub.s32 @!p0 $0x0, s1;
	[sflag:s0] =	ssyncset.done @!p0 $0x0  }
0x66: {  	[sflag:s0] =	ssyncadd.s32 @!p0 s1  }
0x67: {  	[bflag:$0x3] =	sbarrier.arrive $0xFFFF  }
0x68: {  	_ =	shalt  }

// kernel: kernel.19.cloned.1.call-start
scs
__scs_entry_jumppad:
0x0: {  	(pc) =	sbr.rel $0x88, $3  }
0x1: {  	(tag) =	ssettag $0x0;
	lr =	simm.s32 $0x1  }
0x2: {  	[smem:$0x3F94] =	sst lr;
	_ =	strace $0xD0000000  }
0x3: {  	_ = 	snop  }
0x4: {  	_ = 	snop  }
0x5: {  	_ = 	snop  }
0x6: {  	_ = 	snop  }
0x7: {  	_ = 	snop  }
__scs_overlays_trampoline_lowered:
0x8: {  	[smem:$0x3FA3] =	sst s0  }
0x9: {  	[smem:$0x3FA4] =	sst s1  }
0xa: {  	[smem:$0x3FA5] =	sst s2  }
0xb: {  	[smem:$0x3FA6] =	sst s3  }
0xc: {  	[smem:$0x3FA7] =	sst s4  }
0xd: {  	[smem:$0x3FA8] =	sst s5  }
0xe: {  	[smem:$0x3FA9] =	sst s6  }
0xf: {  	[smem:$0x3FAA] =	sst s7  }
0x10: {  	[smem:$0x3FAB] =	sst s8  }
0x11: {  	[smem:$0x3FAC] =	sst s9;
	s0 =	simm.s32 @!p0 $0x0  }
0x12: {  	s1 =	sld [smem:$0x3F92];
	s0 =	simm.s32 @p0 $0x1  }
0x13: {  	[smem:$0x3FAD] =	sst s0;
	s0 =	simm.s32 @!p1 $0x0  }
0x14: {  	s2 =	sld [smem:$0x3F91];
	s0 =	simm.s32 @p1 $0x1  }
0x15: {  	[smem:$0x3FAE] =	sst s0;
	s0 =	simm.s32 @!p2 $0x0  }
0x16: {  	s3 =	sld [smem:$0x3FDB];
	s0 =	simm.s32 @p2 $0x1  }
0x17: {  	s4 =	simm.s32 $0x1BF5;
	[smem:$0x3FB0] =	sst s0  }
0x18: {  	s0 =	sld [smem:$0x3F93];
	_ =	swait.ge [sflag:s4], $0x0  }
0x19: {  	s7 =	sld [smem:$0x3F94]  }
0x1a: {  	s8 =	sadd.s32 $0xFFFFE003, lr  }
0x1b: {  	s9 =	sadd.s32 $0xFFFFFEF7, lr;
	s5 =	simm.s32 $0xFFFFFFFF;
	p2 =	slt.u32 s8, $0xFFFFF086  }
0x1c: {  	p1 =	slt.u32 s9, $0xF7A;
	s5 =	simm.s32 @!p2 $0x0  }
0x1d: {  	s5 =	simm.s32 @p1 $0x1;
	p0 =	seq.s32 s7, s2  }
0x1e: {  	s7 =	smul.u32 @!p0 $0xF7A, s2;
	p2 =	seq.s32 @!p0 s5, $0x0  }
0x1f: {  	s9 =	smul.u32 $0xF7A, s1;
	s8 =	simm.s32 @!p0 $0x1BF5;
	p2 =	por !p2, p0  }
0x20: {  	[sflag:s8] =	ssyncset.s32 @!p0 $0xFFFFF086;
	s6 =	sadd.s32 @!p0 s3, s7;
	s7 =	simm.s32 @!p0 $0x108  }
0x21: {  	s3 =	sadd.s32 s3, s9;
	s6 =	sadd.s32 @!p0 $0x88, s6;
	s7 =	simm.s32 @p2 $0x1082  }
0x22: {  	[simem:s7], [sflag:s8] =	dma.local @!p0 [hbm:s6], $0xF7A  }
0x23: {  	s9 =	sor.u32 $0xD0000000, s2;
	s6 =	simm.s32 $0x108;
	_ =	swait.ge @!p0 [sflag:s8], $0x0  }
0x24: {  	s3 =	sadd.s32 $0x88, s3;
	s6 =	simm.s32 @!p1 $0x1082;
	[sflag:s4] =	ssyncset.s32 $0xFFFFF086  }
0x25: {  	[simem:s6], [sflag:s4] =	dma.local [hbm:s3], $0xF7A  }
0x26: {  	[smem:$0x3F94] =	sst s1;
	(tag) =	ssettag s2;
	_ =	strace s9  }
0x27: {  	s1 =	sld [smem:$0x3FA4]  }
0x28: {  	s2 =	sld [smem:$0x3FA5]  }
0x29: {  	s4 =	sld [smem:$0x3FA7]  }
0x2a: {  	p0 =	seq.s32 s5, $0x0;
	s5 =	sld [smem:$0x3FA8]  }
0x2b: {  	s6 =	sld [smem:$0x3FA9]  }
0x2c: {  	s7 =	sld [smem:$0x3FAA]  }
0x2d: {  	s3 =	simm.s32 $0x108;
	s8 =	sld [smem:$0x3FAB]  }
0x2e: {  	s3 =	simm.s32 @!p0 $0x1082;
	s9 =	sld [smem:$0x3FAC]  }
0x2f: {  	lr =	sadd.s32 s0, s3;
	s0 =	sld [smem:$0x3FA3]  }
0x30: {  	s3 =	sld [smem:$0x3FA6]  }
0x31: {  	[smem:$0x3FAF] =	sst s10  }
0x32: {  	s10 =	sld [smem:$0x3FAD];
	_ =	sdelay $0x3  }
0x33: {  	p0 =	seq.s32 s10, $0x1;
	s10 =	sld [smem:$0x3FAF];
	_ =	sdelay $0x3  }
0x34: {  	[smem:$0x3FAF] =	sst s10  }
0x35: {  	s10 =	sld [smem:$0x3FAE];
	_ =	sdelay $0x3  }
0x36: {  	p1 =	seq.s32 s10, $0x1;
	s10 =	sld [smem:$0x3FAF];
	_ =	sdelay $0x3  }
0x37: {  	[smem:$0x3FAF] =	sst s10  }
0x38: {  	s10 =	sld [smem:$0x3FB0]  }
0x39: {  	_ = 	snop;
	(pc) =	sbr.ind lr, $3  }
0x3a: {  	_ = 	snop  }
0x3b: {  	_ = 	snop  }
0x3c: {  	p2 =	seq.s32 s10, $0x1;
	s10 =	sld [smem:$0x3FAF]  }
0x3d: {  	_ =	shalt  }
0x3e: {  	_ =	shalt  }
0x3f: {  	_ =	shalt  }
0x40: {  	_ =	shalt  }
0x41: {  	_ =	shalt  }
0x42: {  	_ =	shalt  }
0x43: {  	_ =	shalt  }
0x44: {  	_ =	shalt  }
0x45: {  	_ =	shalt  }
0x46: {  	_ =	shalt  }
0x47: {  	_ =	shalt  }
0x48: {  	_ =	shalt  }
0x49: {  	_ =	shalt  }
0x4a: {  	_ =	shalt  }
0x4b: {  	_ =	shalt  }
0x4c: {  	_ =	shalt  }
0x4d: {  	_ =	shalt  }
0x4e: {  	_ =	shalt  }
0x4f: {  	_ =	shalt  }
0x50: {  	_ =	shalt  }
0x51: {  	_ =	shalt  }
0x52: {  	_ =	shalt  }
0x53: {  	_ =	shalt  }
0x54: {  	_ =	shalt  }
0x55: {  	_ =	shalt  }
0x56: {  	_ =	shalt  }
0x57: {  	_ =	shalt  }
0x58: {  	_ =	shalt  }
0x59: {  	_ =	shalt  }
0x5a: {  	_ =	shalt  }
0x5b: {  	_ =	shalt  }
0x5c: {  	_ =	shalt  }
0x5d: {  	_ =	shalt  }
0x5e: {  	_ =	shalt  }
0x5f: {  	_ =	shalt  }
0x60: {  	_ =	shalt  }
0x61: {  	_ =	shalt  }
0x62: {  	_ =	shalt  }
0x63: {  	_ =	shalt  }
0x64: {  	_ =	shalt  }
0x65: {  	_ =	shalt  }
0x66: {  	_ =	shalt  }
0x67: {  	_ =	shalt  }
0x68: {  	_ =	shalt  }
0x69: {  	_ =	shalt  }
0x6a: {  	_ =	shalt  }
0x6b: {  	_ =	shalt  }
0x6c: {  	_ =	shalt  }
0x6d: {  	_ =	shalt  }
0x6e: {  	_ =	shalt  }
0x6f: {  	_ =	shalt  }
0x70: {  	_ =	shalt  }
0x71: {  	_ =	shalt  }
0x72: {  	_ =	shalt  }
0x73: {  	_ =	shalt  }
0x74: {  	_ =	shalt  }
0x75: {  	_ =	shalt  }
0x76: {  	_ =	shalt  }
0x77: {  	_ =	shalt  }
0x78: {  	_ =	shalt  }
0x79: {  	_ =	shalt  }
0x7a: {  	_ =	shalt  }
0x7b: {  	_ =	shalt  }
0x7c: {  	_ =	shalt  }
0x7d: {  	_ =	shalt  }
0x7e: {  	_ =	shalt  }
0x7f: {  	_ =	shalt  }
0x80: {  	_ =	shalt  }
0x81: {  	_ =	shalt  }
0x82: {  	_ =	shalt  }
0x83: {  	_ =	shalt  }
0x84: {  	_ =	shalt  }
0x85: {  	_ =	shalt  }
0x86: {  	_ =	shalt  }
0x87: {  	_ =	shalt  }
.Lfunc_end0:
.L_simem_size_0:
called_computation.3_lowered:
.L_overlay_start_0:
0x88: {  	s2 =	sld [smem:$0x3FD9]  }
0x89: {  	s3 =	sld [smem:$0x3FFE];
	_ =	sdelay $0x1  }
0x8a: {  	s1 =	srdreg.scid  }
0x8b: {  	s0 =	sand.u32 $0x1, s1  }
0x8c: {  	s17 =	sshll.u32 s0, $0xA;
	s2 =	sadd.s32 s3, s2  }
0x8d: {  	s2 =	sadd.s32 s2, s17  }
0x8e: {  	[smem:$0x3FBB] =	sst s2  }
0x8f: {  	_ = 	snop  }
0x90: {  	s2 =	sld [smem:$0x3FD0];
	(tm) =	ssettm $0x1  }
0x91: {  	s18 =	sld [smem:$0x3FFB];
	_ =	sdelay $0x3  }
0x92: {  	_ =	strace s18  }
0x93: {  	s3 =	sld [smem:$0x3FFC];
	_ =	sdelay $0x3  }
0x94: {  	_ =	strace s3  }
0x95: {  	s3 =	sld [smem:$0x3FFD];
	_ =	sdelay $0x3  }
0x96: {  	_ =	strace s3  }
0x97: {  	_ =	strace $0x8FFFFFFF  }
0x98: {  	s19 =	sld [smem:$0x3FDB];
	_ =	sdelay $0x1  }
0x99: {  	s4 =	simm.s32 $_scs_section_size  }
0x9a: {  	s5 =	simm.s32 $_size__tile_overlayer_lowered;
	s6 =	simm.s32 $_tile_overlayer_lowered  }
0x9b: {  	s22 =	simm.s32 $0x1BFF;
	s21 =	sshll.u32 s6, $0x1;
	s3 =	sadd.s32 s4, s19  }
0x9c: {  	s7 =	simm.s32 $0x0;
	s20 =	sshll.u32 s5, $0x1;
	s5 =	sadd.s32 s21, s3  }
0x9d: {  	[timem:s7], [sflag:s22] =	dma.local [hbm:s5], s20  }
0x9e: {  	_ =	swait.ge [sflag:s22], s20  }
0x9f: {  	s4 =	ssub.s32 $0x0, s20;
	[sflag:s22] =	ssyncset.done $0x0  }
0xa0: {  	[sflag:s22] =	ssyncadd.s32 s4;
	_ =	sdelay $0x1  }
0xa1: {  	s23 =	simm.s32 $0x1B8B  }
0xa2: {  	_ =	swait.ge [sflag:s23], $0x1  }
0xa3: {  	[sflag:s23] =	ssyncset.done $0x0  }
0xa4: {  	s25 =	simm.s32 $0x1B8E;
	s24 =	sld [smem:$0x3FFE];
	[sflag:s23] =	ssyncadd.s32 $0xFFFFFFFF  }
0xa5: {  	s26 =	simm.s32 $execute0_lowered;
	[smem:$0x3FD2] =	sst s25  }
0xa6: {  	s5 =	sshll.u32 s26, $0x1;
	_ =	strace $0x8000004F;
	[dreg:$0x1] =	wrdreg $0xFFFFFFFF  }
0xa7: {  	s28 =	simm.s32 $_size_execute0_lowered;
	s3 =	sadd.s32 s3, s5;
	[dreg:$0x0] =	wrdreg $0x0  }
0xa8: {  	s5 =	sshll.u32 s28, $0x1;
	[dreg:$0x2] =	wrdreg s3  }
0xa9: {  	[dreg:$0x3] =	wrdreg s5  }
0xaa: {  	[dreg:$0x4] =	wrdreg $0xC0  }
0xab: {  	_ =	task [dreg:s7], $0x5FFFF  }
0xac: {  	[dreg:$0x1] =	wrdreg $0xFFFFFFFF  }
0xad: {  	[dreg:$0x0] =	wrdreg $0x60  }
0xae: {  	[dreg:$0x2] =	wrdreg s2  }
0xaf: {  	[dreg:$0x3] =	wrdreg s24  }
0xb0: {  	[dreg:$0x4] =	wrdreg $0x0  }
0xb1: {  	[dreg:$0x5] =	wrdreg $0x9  }
0xb2: {  	_ =	task.clear_ibuf [dreg:s7], $0x6FFFF;
	_ =	strace $0x9000004F  }
0xb3: {  	s29 =	simm.s32 $0x9;
	_ =	strace $0x80000051  }
0xb4: {  	_ =	swait.ge [sflag:s29], $0x1  }
0xb5: {  	[sflag:s29] =	ssyncadd.s32 $0xFFFFFFFF  }
0xb6: {  	_ =	strace $0x90000051  }
0xb7: {  	_ =	sfence  }
0xb8: {  	s30 =	sld [smem:$0x0];
	_ =	sdelay $0x2  }
0xb9: {  	s31 =	sshll.u32 s1, $0xD;
	s1 =	sshrl.u32 s1, $0x2  }
0xba: {  	s3 =	sand.u32 $0x4000, s31;
	s1 =	sadd.s32 s1, s30  }
0xbb: {  	s0 =	sor.u32 s3, s0;
	s1 =	sshll.u32 s1, $0x11  }
0xbc: {  	s0 =	sor.u32 s1, s0  }
0xbd: {  	s0 =	sadd.s32 $0x8F2B, s0  }
0xbe: {  	[sflag:s0] =	ssyncadd.remote.s32 $0x1  }
0xbf: {  	_ =	sfence.sel $0xFFFF  }
0xc0: {  	[dreg:$0x0] =	wrdreg $0xFFFFFFFF;
	(pc) =	sbr.abs _section_cstart, $3  }
0xc1: {  	[dreg:$0x1] =	wrdreg $0xFFFFFFFF  }
0xc2: {  	_ =	task.clear_ibuf [dreg:s7], $0x2FFFF;
	_ =	strace $0x9FFFFFFF  }
0xc3: {  	(tm) =	ssettm $0x7FFFFFFF  }
tec
execute0_lowered:
.L_overlay_start_1:
0x0: {  	(tag) =	ssettag $0x1  }
0x1: {  	s1 =	rddreg [dreg:$0x0]  }
0x2: {  	s5 =	rddreg [dreg:$0x1]  }
0x3: {  	s3 =	rddreg [dreg:$0x2]  }
0x4: {  	s0 =	srdreg.scid;
	s2 =	rddreg [dreg:$0x3]  }
0x5: {  	s4 =	simm.s32 $0x0;
	s14 =	simm.s32 $0x16400;
	s6 =	sand.u32 $0x1, s0  }
0x6: {  	s15 =	simm.s32 $0x40;
	s0 =	stileid.u32;
	s7 =	smul.u32 $0x28000, s6  }
0x7: {  	s16 =	simm.s32 $0x1B400;
	s17 =	simm.s32 $0x13C40;
	s8 =	smul.u32 $0x2800, s0  }
0x8: {  	s18 =	simm.s32 $0x1D400;
	s19 =	simm.s32 $0x1;
	s9 =	smul.u32 $0x50000, s6  }
0x9: {  	s20 =	simm.s32 $0x2;
	s21 =	simm.s32 $0x1B300;
	s10 =	smul.u32 $0x5000, s0  }
0xa: {  	s22 =	simm.s32 $0x1B380;
	[smem:$0x7FF] =	sst s4;
	s26 =	smul.u32 $0x13C00, s0  }
0xb: {  	s23 =	simm.s32 $0x0;
	_ =	strace $0x80000050;
	s28 =	smul.u32 $0x13C000, s6  }
0xc: {  	s6 =	ssub.s32 $0x2, s6;
	s29 =	smul.u32 $0x4F000, s0;
	s31 =	sshll.u32 s0, $0x6  }
0xd: {  	s12 =	sshrl.u32 s6, $0x1;
	s7 =	sadd.s32 s8, s7;
	s25 =	sadd.s32 s10, s9  }
0xe: {  	s11 =	sshrl.u32 s26, $0x3;
	s9 =	sadd.s32 s26, s28;
	s12 =	ssub.s32 s6, s12  }
0xf: {  	s30 =	sshrl.u32 s29, $0x2;
	s6 =	sor.u32 $0x1C03, s31;
	s7 =	sshrl.u32 s7, $0x3  }
0x10: {  	s8 =	sshrl.u32 s25, $0x3;
	s11 =	sadd.s32 s11, s5;
	s9 =	sshrl.u32 s9, $0x3  }
0x11: {  	s13 =	sadd.s32 s30, s3;
	s10 =	smax.u32 s12, $0x1;
	s12 =	simm.s32 $0x3  }
0x12: {  	s7 =	sadd.s32 s7, s5;
	s8 =	sadd.s32 s8, s5;
	s9 =	sadd.s32 s9, s5  }
0x13: {  	s5 =	sadd.s32 $0x4A00, s11;
	s11 =	sshrl.u32 s13, $0x3;
	s13 =	simm.s32 $0x13C00  }
0x14: {  	s7 =	sadd.s32 $0x8FA00, s7;
	s8 =	sadd.s32 $0x7BA00, s8;
	s9 =	sadd.s32 $0x99A00, s9  }
.LBB2_1:
0x15: {  	[spmem:s11], [sflag:s6] =	dma.local [hbm:s5], $0x2780  }
0x16: {  	_ =	swait.ge [sflag:s12], $0x2780  }
0x17: {  	[sflag:s12] =	ssyncset.done $0x0  }
0x18: {  	[sflag:s12] =	ssyncadd.s32 $0xFFFFD880  }
0x19: {  	[tilespmem:s13], [sflag:$0x3] =	stream.linear.gather [hbm4b:s7+s4], $0x2800, $0x38;
	[tilespmem:$0x1F400] =	vst v63  }
0x1a: {  	_ =	swait.ge [sflag:s12], $0x2800  }
0x1b: {  	[sflag:s12] =	ssyncset.done $0x0  }
0x1c: {  	[sflag:s12] =	ssyncadd.s32 $0xFFFFD800  }
0x1d: {  	[tilespmem:s14], [sflag:$0x3] =	stream.linear.gather [hbm4b:s8+s4], $0x5000, $0x38;
	[tilespmem:$0x1F400] =	vst v63  }
0x1e: {  	_ =	swait.ge [sflag:s12], $0x5000  }
0x1f: {  	[sflag:s12] =	ssyncset.done $0x0  }
0x20: {  	[sflag:s12] =	ssyncadd.s32 $0xFFFFB000  }
0x21: {  	[bflag:$0x0] =	sbarrier.arrive $0xFFFF  }
0x22: {  	[tilespmem:s16], [sflag:$0x1] =	stream.indirect.gather [hbm4b:s1+s15], $0x80, s13, s15, $0xb8;
	[tilespmem:$0x1F400] =	vst v63  }
0x23: {  	_ = 	snop  }
0x24: {  	[tilespmem:s18], [sflag:$0x2] =	stream.indirect.gather [hbm4b:s1+s15], $0x80, s17, s15, $0xb8;
	[tilespmem:$0x1F400] =	vst v63  }
0x25: {  	_ =	swait.ge [sflag:s19], $0x2000  }
0x26: {  	[sflag:s19] =	ssyncset.done $0x0  }
0x27: {  	s24 =	simm.s32 $0x16400;
	[sflag:s19] =	ssyncadd.s32 $0xFFFFE000  }
0x28: {  	[spmem:s3] =	stream.indirect.scatter.add.f32 [tilespmem:s16], [sflag:$0x3], $0x80, s24, s15, $0xb8;
	[tilespmem:$0x1F400] =	vst v63  }
0x29: {  	_ =	swait.ge [sflag:s12], $0x2000  }
0x2a: {  	[sflag:s12] =	ssyncset.done $0x0  }
0x2b: {  	s30 =	simm.s32 $0x13C80;
	[sflag:s12] =	ssyncadd.s32 $0xFFFFE000  }
0x2c: {  	[tilespmem:s16], [sflag:$0x1] =	stream.indirect.gather [hbm4b:s1+s15], $0x80, s30, s15, $0xb8;
	[tilespmem:$0x1F400] =	vst v63  }
0x2d: {  	_ =	swait.ge [sflag:s20], $0x2000  }
0x2e: {  	[sflag:s20] =	ssyncset.done $0x0  }
0x2f: {  	s31 =	simm.s32 $0x16480;
	[sflag:s20] =	ssyncadd.s32 $0xFFFFE000  }
0x30: {  	[spmem:s3] =	stream.indirect.scatter.add.f32 [tilespmem:s18], [sflag:$0x3], $0x80, s31, s15, $0xb8;
	[tilespmem:$0x1F400] =	vst v63  }
0x31: {  	_ =	swait.ge [sflag:s12], $0x2000  }
0x32: {  	s25 =	simm.s32 $0x400;
	[sflag:s12] =	ssyncset.done $0x0  }
0x33: {  	s26 =	simm.s32 $0x13D40;
	s24 =	simm.s32 $0x13CC0;
	[sflag:s12] =	ssyncadd.s32 $0xFFFFE000  }
.LBB2_2:
0x34: {  	[tilespmem:s18], [sflag:$0x2] =	stream.indirect.gather [hbm4b:s1+s15], $0x80, s24, s15, $0xb8;
	[tilespmem:$0x1F400] =	vst v63  }
0x35: {  	s28 =	smov.u32 s25;
	s24 =	smov.u32 s26  }
0x36: {  	p0 =	sne.s32 s25, $0x13800;
	s25 =	sadd.s32 $0x400, s25;
	_ =	swait.ge [sflag:s19], $0x2000  }
0x37: {  	s28 =	sshra.s32 s28, $0x2;
	[sflag:s19] =	ssyncset.done $0x0  }
0x38: {  	s29 =	sadd.s32 $0x16400, s28;
	[sflag:s19] =	ssyncadd.s32 $0xFFFFE000  }
0x39: {  	[spmem:s3] =	stream.indirect.scatter.add.f32 [tilespmem:s16], [sflag:$0x3], $0x80, s29, s15, $0xb8;
	[tilespmem:$0x1F400] =	vst v63  }
0x3a: {  	_ =	swait.ge [sflag:s12], $0x2000  }
0x3b: {  	[sflag:s12] =	ssyncset.done $0x0  }
0x3c: {  	s29 =	sadd.s32 $0xFFFFFFC0, s26;
	[sflag:s12] =	ssyncadd.s32 $0xFFFFE000  }
0x3d: {  	[tilespmem:s16], [sflag:$0x1] =	stream.indirect.gather [hbm4b:s1+s15], $0x80, s29, s15, $0xb8;
	[tilespmem:$0x1F400] =	vst v63  }
0x3e: {  	_ =	swait.ge [sflag:s20], $0x2000  }
0x3f: {  	[sflag:s20] =	ssyncset.done $0x0  }
.Ltmp0:
0x40: {  	s28 =	sadd.s32 $0x16480, s28;
	[sflag:s20] =	ssyncadd.s32 $0xFFFFE000;
	(pc) =	sbr.rel @p0 .LBB2_2-.Ltmp0, $4  }
0x41: {  	[spmem:s3] =	stream.indirect.scatter.add.f32 [tilespmem:s18], [sflag:$0x3], $0x80, s28, s15, $0xb8;
	[tilespmem:$0x1F400] =	vst v63  }
0x42: {  	_ =	swait.ge [sflag:s12], $0x2000  }
0x43: {  	[sflag:s12] =	ssyncset.done $0x0  }
0x44: {  	s26 =	sadd.s32 $0x80, s26;
	[sflag:s12] =	ssyncadd.s32 $0xFFFFE000  }
0x45: {  	[tilespmem:s18], [sflag:$0x2] =	stream.indirect.gather [hbm4b:s1+s15], $0x80, s24, s15, $0xb8;
	[tilespmem:$0x1F400] =	vst v63  }
0x46: {  	_ =	swait.ge [sflag:s19], $0x2000  }
0x47: {  	[sflag:s19] =	ssyncset.done $0x0  }
0x48: {  	[sflag:s19] =	ssyncadd.s32 $0xFFFFE000  }
0x49: {  	[spmem:s3] =	stream.indirect.scatter.add.f32 [tilespmem:s16], [sflag:$0x3], $0x80, s21, s15, $0xb8;
	[tilespmem:$0x1F400] =	vst v63  }
0x4a: {  	_ =	swait.ge [sflag:s12], $0x2000  }
0x4b: {  	[sflag:s12] =	ssyncset.done $0x0  }
0x4c: {  	[sflag:s12] =	ssyncadd.s32 $0xFFFFE000  }
0x4d: {  	_ =	swait.ge [sflag:s20], $0x2000  }
0x4e: {  	[sflag:s20] =	ssyncset.done $0x0  }
0x4f: {  	[sflag:s20] =	ssyncadd.s32 $0xFFFFE000  }
0x50: {  	[spmem:s3] =	stream.indirect.scatter.add.f32 [tilespmem:s18], [sflag:$0x3], $0x80, s22, s15, $0xb8;
	[tilespmem:$0x1F400] =	vst v63  }
0x51: {  	_ =	swait.ge [sflag:s12], $0x2000  }
0x52: {  	s23 =	sadd.s32 $0x1, s23;
	[sflag:s12] =	ssyncset.done $0x0  }
0x53: {  	p0 =	sne.s32 s23, s10;
	[sflag:s12] =	ssyncadd.s32 $0xFFFFE000  }
.Ltmp1:
0x54: {  	[bflag:$0x0] =	sbarrier.arrive $0xFFFF;
	(pc) =	sbr.rel @p0 .LBB2_1-.Ltmp1, $4  }
0x55: {  	[hbm:s9], [sflag:s6] =	dma.local [spmem:s11], $0x2780  }
0x56: {  	_ =	swait.ge [sflag:s12], $0x2780  }
0x57: {  	[sflag:s12] =	ssyncset.done $0x0  }
0x58: {  	[sflag:s12] =	ssyncadd.s32 $0xFFFFD880  }
0x59: {  	_ =	sfence.sel $0x180000  }
0x5a: {  	[bflag:$0x0] =	sbarrier.arrive $0xFFFF  }
0x5b: {  	p0 =	sne.s32 s0, $0x0;
	_ =	strace $0x90000050  }
0x5c: {  	s0 =	sadd.s32 @!p0 $0x100000, s2;
	[bflag:$0x2] =	sbarrier.arrive $0xFFFF  }
0x5d: {  	[sflag:s0] =	ssyncadd.tile.s32 @!p0 $0x1;
	_ =	shalt  }
.Lfunc_end2:
_tile_overlayer_lowered:
.L_overlay_start_2:
0x5e: {  	(tag) =	ssettag $0x2  }
0x5f: {  	s0 =	rddreg [dreg:$0x0];
	s2 =	stileid.u32  }
0x60: {  	s1 =	rddreg [dreg:$0x1];
	p0 =	sne.s32 s2, $0x0  }
0x61: {  	s3 =	rddreg [dreg:$0x2];
	[bflag:$0x3] =	sbarrier.arrive $0xFFFF;
	s2 =	simm.s32 @!p0 $0x1C03  }
0x62: {  	[timem:s3], [sflag:s2] =	dma.local @!p0 [hbm:s0], s1  }
0x63: {  	s0 =	simm.s32 @!p0 $0x3  }
0x64: {  	_ =	swait.ge @!p0 [sflag:s0], s1  }
0x65: {  	s1 =	ssub.s32 @!p0 $0x0, s1;
	[sflag:s0] =	ssyncset.done @!p0 $0x0  }
0x66: {  	[sflag:s0] =	ssyncadd.s32 @!p0 s1  }
0x67: {  	[bflag:$0x3] =	sbarrier.arrive $0xFFFF  }
0x68: {  	_ =	shalt  }

</sc_bundles>
